<compile_context>
chip_gen: v7x
topology: tpu7x:2x2x1
jax: 0.10.2.dev20260603
libtpu: 0.0.44.dev20260713+nightly
codegen_flags: <defaults>
</compile_context>

<pallas_src>
import functools

import jax
import jax.numpy as jnp
from jax import lax
from jax.experimental import pallas as pl
from jax.experimental.pallas import tpu as pltpu
from jax.experimental.pallas import tpu_sc as plsc

D = 128
NV = D // 16
N = 10000
E = 320000
NC = 2
NS = 16
EPT = E // NS
BB = 80
NB = EPT // BB
NR = 5120
TRASH = NR
SR = NR + 8
RPT = NR // NS
OC = 16
CW = 16


def _proj_body(x_ref, w1_ref, xa_ref, xb_ref):
    xv = x_ref[...]
    xa_ref[...] = jnp.dot(xv, w1_ref[0:D, :], preferred_element_type=jnp.float32)
    xb_ref[...] = jnp.dot(xv, w1_ref[D:2 * D, :], preferred_element_type=jnp.float32)


def _edge_loop_body(xa, xb, attr, w1cb, src_i, dst_i,
                    s_out, c_out,
                    idx_s, idx_d, idx_dl, buf_a, buf_b, abuf, wbuf,
                    ones_v, zbuf_c, s_sh, c_sh,
                    sem_a, sem_b, sem_e, sem_i, sem_j):
    cid = lax.axis_index("c")
    sid = lax.axis_index("s")

    zero16 = jnp.zeros((16,), jnp.float32)
    onerow = jnp.where(lax.iota(jnp.int32, 16) == 0,
                       jnp.float32(1.0), jnp.float32(0.0))

    def _zrow(i, _):
        for v in range(NV):
            buf_a[i, pl.ds(v * 16, 16)] = zero16
        zbuf_c[i, :] = zero16
        return 0
    lax.fori_loop(0, OC, _zrow, 0)

    def _orow(i, _):
        ones_v[i, :] = onerow
        return 0
    lax.fori_loop(0, BB, _orow, 0)

    def _zcp(i, _):
        row0 = sid * RPT + i * OC
        pltpu.sync_copy(buf_a.at[pl.ds(0, OC)], s_sh.at[pl.ds(row0, OC)])
        pltpu.sync_copy(zbuf_c.at[pl.ds(0, OC)], c_sh.at[pl.ds(row0, OC)])
        return 0
    lax.fori_loop(0, RPT // OC, _zcp, 0)
    plsc.subcore_barrier()

    roff = cid * NR
    trash16 = jnp.full((16,), TRASH, jnp.int32)

    pltpu.sync_copy(w1cb, wbuf)
    wv = [[wbuf[k, pl.ds(v * 16, 16)] for k in range(5)] for v in range(NV)]

    base = sid * EPT

    def _batch(j, _):
        eoff = base + j * BB
        cp_e = pltpu.async_copy(attr.at[pl.ds(eoff * 4, BB * 4)], abuf, sem_e)
        cp_i = pltpu.async_copy(src_i.at[pl.ds(eoff, BB)], idx_s, sem_i)
        cp_j = pltpu.async_copy(dst_i.at[pl.ds(eoff, BB)], idx_d, sem_j)
        cp_i.wait()
        cp_j.wait()
        cp_a = pltpu.async_copy(xa.at[idx_s], buf_a, sem_a)
        cp_b = pltpu.async_copy(xb.at[idx_d], buf_b, sem_b)
        cp_e.wait()
        for v in range(BB // 16):
            sl = pl.ds(v * 16, 16)
            lidx = idx_d[sl] - roff
            ok = (lidx >= 0) & (lidx < NR)
            idx_dl[0, sl] = jnp.where(ok, lidx, trash16)
        cp_a.wait()
        cp_b.wait()

        def _rowq(q, _):
            av = abuf[pl.ds(16 * q, 16)]
            for p in range(4):
                r = 4 * q + p
                s0, s1, s2, s3 = (av[4 * p], av[4 * p + 1],
                                  av[4 * p + 2], av[4 * p + 3])
                for v in range(NV):
                    sl = pl.ds(v * 16, 16)
                    t = (wv[v][4] + s0 * wv[v][0] + s1 * wv[v][1]
                         + s2 * wv[v][2] + s3 * wv[v][3])
                    buf_a[r, sl] = jnp.maximum(
                        buf_a[r, sl] + buf_b[r, sl] + t, jnp.float32(0.0))
            return 0
        lax.fori_loop(0, BB // 4, _rowq, 0)

        pltpu.sync_copy(buf_a, s_sh.at[idx_dl.at[0]], add=True)
        pltpu.sync_copy(ones_v, c_sh.at[idx_dl.at[0]], add=True)
        return 0
    lax.fori_loop(0, NB, _batch, 0)
    plsc.subcore_barrier()

    def _ocp(i, _):
        row0 = sid * RPT + i * OC
        pltpu.sync_copy(s_sh.at[pl.ds(row0, OC)], s_out.at[cid, pl.ds(row0, OC)])
        pltpu.sync_copy(c_sh.at[pl.ds(row0, OC)], c_out.at[cid, pl.ds(row0, OC)])
        return 0
    lax.fori_loop(0, RPT // OC, _ocp, 0)


def _node_body(x_ref, s_ref, c_ref, w2_ref, b2_ref, w3_ref, b3_ref,
               w4_ref, b4_ref, out_ref):
    xv = x_ref[...]
    cnt = c_ref[:, 0:1]
    agg = (jnp.dot(s_ref[...], w2_ref[...], preferred_element_type=jnp.float32)
           + cnt * b2_ref[...])
    hn = jnp.maximum(
        jnp.dot(xv, w3_ref[0:D, :], preferred_element_type=jnp.float32)
        + jnp.dot(agg, w3_ref[D:2 * D, :], preferred_element_type=jnp.float32)
        + b3_ref[...],
        jnp.float32(0.0))
    out_ref[...] = (jnp.dot(hn, w4_ref[...], preferred_element_type=jnp.float32)
                    + b4_ref[...] + xv)


def kernel(x, edge_index, edge_attr, W1, b1, W2, b2, W3, b3, W4, b4):
    src = edge_index[0].astype(jnp.int32)
    dst = edge_index[1].astype(jnp.int32)
    attr_flat = edge_attr.reshape(E * 4)
    w1cb = jnp.concatenate([W1[2 * D:], b1.reshape(1, D)], axis=0)

    nblk = 1000
    xa, xb = pl.pallas_call(
        _proj_body,
        grid=(N // nblk,),
        in_specs=[
            pl.BlockSpec((nblk, D), lambda i: (i, 0)),
            pl.BlockSpec((2 * D + 4, D), lambda i: (0, 0)),
        ],
        out_specs=[
            pl.BlockSpec((nblk, D), lambda i: (i, 0)),
            pl.BlockSpec((nblk, D), lambda i: (i, 0)),
        ],
        out_shape=[
            jax.ShapeDtypeStruct((N, D), jnp.float32),
            jax.ShapeDtypeStruct((N, D), jnp.float32),
        ],
    )(x, W1)

    mesh = plsc.VectorSubcoreMesh(core_axis_name="c", subcore_axis_name="s")
    edge_loop = functools.partial(
        pl.kernel,
        mesh=mesh,
        out_type=[
            jax.ShapeDtypeStruct((NC, NR, D), jnp.float32),
            jax.ShapeDtypeStruct((NC, NR, CW), jnp.float32),
        ],
        scratch_types=[
            pltpu.VMEM((BB,), jnp.int32),
            pltpu.VMEM((BB,), jnp.int32),
            pltpu.VMEM((1, BB), jnp.int32),
            pltpu.VMEM((BB, D), jnp.float32),
            pltpu.VMEM((BB, D), jnp.float32),
            pltpu.VMEM((BB * 4,), jnp.float32),
            pltpu.VMEM((5, D), jnp.float32),
            pltpu.VMEM((BB, CW), jnp.float32),
            pltpu.VMEM((OC, CW), jnp.float32),
            pltpu.VMEM_SHARED((SR, D), jnp.float32),
            pltpu.VMEM_SHARED((SR, CW), jnp.float32),
        ] + [pltpu.SemaphoreType.DMA] * 5,
    )(_edge_loop_body)
    s2, c2 = edge_loop(xa, xb, attr_flat, w1cb, src, dst)
    s_flat = s2.reshape(NC * NR, D)
    c_flat = c2.reshape(NC * NR, CW)

    out = pl.pallas_call(
        _node_body,
        grid=(N // nblk,),
        in_specs=[
            pl.BlockSpec((nblk, D), lambda i: (i, 0)),
            pl.BlockSpec((nblk, D), lambda i: (i, 0)),
            pl.BlockSpec((nblk, CW), lambda i: (i, 0)),
            pl.BlockSpec((D, D), lambda i: (0, 0)),
            pl.BlockSpec((1, D), lambda i: (0, 0)),
            pl.BlockSpec((2 * D, D), lambda i: (0, 0)),
            pl.BlockSpec((1, D), lambda i: (0, 0)),
            pl.BlockSpec((D, D), lambda i: (0, 0)),
            pl.BlockSpec((1, D), lambda i: (0, 0)),
        ],
        out_specs=pl.BlockSpec((nblk, D), lambda i: (i, 0)),
        out_shape=jax.ShapeDtypeStruct((N, D), jnp.float32),
    )(x, s_flat, c_flat, W2, b2.reshape(1, D), W3, b3.reshape(1, D),
      W4, b4.reshape(1, D))
    return out

# --- scband reference (transcript-rebuilt; emitter-appended) ---
"""Pipeline reference for scband-base-hi-graph-model-46359876993473 (READ-ONLY COPY).

The authoritative reference and input builder live on the scoring server;
editing this copy changes nothing except your own understanding.
"""

import jax, jax.numpy as jnp
import numpy as np

D = 128
E_DIM = 4
N = 10000
E = 320000

def setup_inputs(seed: int = 0) -> dict:
    key = jax.random.key(seed)
    ks = jax.random.split(key, 12)
    x = jax.random.normal(ks[0], (N, D), dtype=jnp.float32)
    edge_index = jax.random.randint(ks[1], (2, E), 0, N).astype(jnp.int64)
    edge_attr = jax.random.normal(ks[2], (E, E_DIM), dtype=jnp.float32)
    # InteractionNet-style MLP params (edge MLP then node MLP), hidden_dims=D
    W1 = jax.random.normal(ks[3], (2 * D + E_DIM, D), dtype=jnp.float32) * (1.0 / np.sqrt(2 * D + E_DIM))
    b1 = jnp.zeros((D,), dtype=jnp.float32)
    W2 = jax.random.normal(ks[4], (D, D), dtype=jnp.float32) * (1.0 / np.sqrt(D))
    b2 = jnp.zeros((D,), dtype=jnp.float32)
    W3 = jax.random.normal(ks[5], (2 * D, D), dtype=jnp.float32) * (1.0 / np.sqrt(2 * D))
    b3 = jnp.zeros((D,), dtype=jnp.float32)
    W4 = jax.random.normal(ks[6], (D, D), dtype=jnp.float32) * (1.0 / np.sqrt(D))
    b4 = jnp.zeros((D,), dtype=jnp.float32)
    return {"x": x, "edge_index": edge_index, "edge_attr": edge_attr,
            "W1": W1, "b1": b1, "W2": W2, "b2": b2,
            "W3": W3, "b3": b3, "W4": W4, "b4": b4}


def reference(x, edge_index, edge_attr, W1, b1, W2, b2, W3, b3, W4, b4):
    src = edge_index[0]
    dst = edge_index[1]
    # edge MLP: message from concatenated [x_src, x_dst, edge_attr]
    x_src = jnp.take(x, src, axis=0)
    x_dst = jnp.take(x, dst, axis=0)
    e_in = jnp.concatenate([x_src, x_dst, edge_attr], axis=-1)
    h = jax.nn.relu(e_in @ W1 + b1)
    m = h @ W2 + b2
    # scatter-add aggregation at destination nodes (mesh_aggr='sum')
    agg = jax.ops.segment_sum(m, dst, num_segments=x.shape[0])
    # node MLP with residual connection
    n_in = jnp.concatenate([x, agg], axis=-1)
    hn = jax.nn.relu(n_in @ W3 + b3)
    out = hn @ W4 + b4 + x
    return out

if __name__ == "__main__":
    import jax
    _d = setup_inputs()
    print(jax.jit(kernel)(*tuple(_d.values())))

</pallas_src>

<mosaic_0001>
#map = affine_map<(d0, d1) -> (0, 0)>
#map1 = affine_map<(d0, d1) -> (0)>
#map2 = affine_map<(d0, d1) -> (0, 0, 0)>
module attributes {stable_mosaic.version = 14 : i64} {
  func.func @_edge_loop_body(%arg0: i32, %arg1: i32, %arg2: memref<10000x128xf32, #tpu.memory_space<hbm>>, %arg3: memref<10000x128xf32, #tpu.memory_space<hbm>>, %arg4: memref<1280000xf32, #tpu.memory_space<hbm>>, %arg5: memref<5x128xf32, #tpu.memory_space<hbm>>, %arg6: memref<320000xi32, #tpu.memory_space<hbm>>, %arg7: memref<320000xi32, #tpu.memory_space<hbm>>, %arg8: memref<2x5120x128xf32, #tpu.memory_space<hbm>>, %arg9: memref<2x5120x16xf32, #tpu.memory_space<hbm>>, %arg10: memref<80xi32, #tpu.memory_space<vmem>>, %arg11: memref<80xi32, #tpu.memory_space<vmem>>, %arg12: memref<1x80xi32, #tpu.memory_space<vmem>>, %arg13: memref<80x128xf32, #tpu.memory_space<vmem>>, %arg14: memref<80x128xf32, #tpu.memory_space<vmem>>, %arg15: memref<320xf32, #tpu.memory_space<vmem>>, %arg16: memref<5x128xf32, #tpu.memory_space<vmem>>, %arg17: memref<80x16xf32, #tpu.memory_space<vmem>>, %arg18: memref<16x16xf32, #tpu.memory_space<vmem>>, %arg19: memref<5128x128xf32, #tpu.memory_space<vmem_shared>>, %arg20: memref<5128x16xf32, #tpu.memory_space<vmem_shared>>, %arg21: memref<!tpu.dma_semaphore, #tpu.memory_space<semaphore_mem>>, %arg22: memref<!tpu.dma_semaphore, #tpu.memory_space<semaphore_mem>>, %arg23: memref<!tpu.dma_semaphore, #tpu.memory_space<semaphore_mem>>, %arg24: memref<!tpu.dma_semaphore, #tpu.memory_space<semaphore_mem>>, %arg25: memref<!tpu.dma_semaphore, #tpu.memory_space<semaphore_mem>>) attributes {dimension_semantics = [#tpu.dimension_semantics<core_parallel>, #tpu.dimension_semantics<subcore_parallel>], iteration_bounds = array<i64: 2, 16>, scalar_prefetch = 0 : i64, scratch_operands = 16 : i64, tpu.core_type = #tpu.core_type<sc_vector_subcore>, window_params = [{transform_indices = #map}, {transform_indices = #map}, {transform_indices = #map1}, {transform_indices = #map}, {transform_indices = #map1}, {transform_indices = #map1}, {transform_indices = #map2}, {transform_indices = #map2}]} {
    %broadcast_in_dim3A = arith.constant 0.000000e+00 : f32
    %broadcast_in_dim3A_0 = vector.broadcast %broadcast_in_dim3A : f32 to vector<16xf32>
    %iota3A = tpu.iota {dimensions = array<i32: 0>} : vector<16xi32>
    %eq3A = arith.constant 0 : i32
    %eq3A_1 = vector.broadcast %eq3A : i32 to vector<16xi32>
    %eq3A_2 = arith.cmpi eq, %iota3A, %eq3A_1 : vector<16xi32>
    %jit3A = arith.constant 1.000000e+00 : f32
    %jit3A_3 = arith.constant 0.000000e+00 : f32
    %broadcast_in_dim3A_4 = vector.broadcast %jit3A : f32 to vector<16xf32>
    %broadcast_in_dim3A_5 = vector.broadcast %jit3A_3 : f32 to vector<16xf32>
    %select_n3A = arith.select %eq3A_2, %broadcast_in_dim3A_4, %broadcast_in_dim3A_5 : vector<16xi1>, vector<16xf32>
    %scan3A = arith.constant 0 : i32
    %scan3A_6 = arith.constant 0 : i32
    %scan3A_7 = arith.constant 16 : i32
    %scan3A_8 = arith.addi %scan3A_6, %scan3A_7 : i32
    %scan3A_9 = arith.constant 1 : i32
    %scan3A_10 = scf.for %scan3A_245 = %scan3A_6 to %scan3A_8 step %scan3A_9 iter_args(%scan3A_246 = %scan3A) -> (i32)  : i32 {
      %swap3A = arith.index_cast %scan3A_245 : i32 to index
      %swap3A_247 = arith.constant 0 : index
      %swap3A_248 = tpu.vector_load %arg13[%swap3A, %swap3A_247] {strides = array<i32>} : memref<80x128xf32, #tpu.memory_space<vmem>>, vector<1x16xf32>,
      %swap3A_249 = vector.shape_cast %swap3A_248 : vector<1x16xf32> to vector<16xf32>
      %swap3A_250 = vector.shape_cast %broadcast_in_dim3A_0 : vector<16xf32> to vector<1x16xf32>
      tpu.vector_store %arg13[%swap3A, %swap3A_247], %swap3A_250 {strides = array<i32>} : memref<80x128xf32, #tpu.memory_space<vmem>>, vector<1x16xf32>,
      %swap3A_251 = arith.index_cast %scan3A_245 : i32 to index
      %swap3A_252 = arith.constant 16 : index
      %swap3A_253 = tpu.vector_load %arg13[%swap3A_251, %swap3A_252] {strides = array<i32>} : memref<80x128xf32, #tpu.memory_space<vmem>>, vector<1x16xf32>,
      %swap3A_254 = vector.shape_cast %swap3A_253 : vector<1x16xf32> to vector<16xf32>
      %swap3A_255 = vector.shape_cast %broadcast_in_dim3A_0 : vector<16xf32> to vector<1x16xf32>
      tpu.vector_store %arg13[%swap3A_251, %swap3A_252], %swap3A_255 {strides = array<i32>} : memref<80x128xf32, #tpu.memory_space<vmem>>, vector<1x16xf32>,
      %swap3A_256 = arith.index_cast %scan3A_245 : i32 to index
      %swap3A_257 = arith.constant 32 : index
      %swap3A_258 = tpu.vector_load %arg13[%swap3A_256, %swap3A_257] {strides = array<i32>} : memref<80x128xf32, #tpu.memory_space<vmem>>, vector<1x16xf32>,
      %swap3A_259 = vector.shape_cast %swap3A_258 : vector<1x16xf32> to vector<16xf32>
      %swap3A_260 = vector.shape_cast %broadcast_in_dim3A_0 : vector<16xf32> to vector<1x16xf32>
      tpu.vector_store %arg13[%swap3A_256, %swap3A_257], %swap3A_260 {strides = array<i32>} : memref<80x128xf32, #tpu.memory_space<vmem>>, vector<1x16xf32>,
      %swap3A_261 = arith.index_cast %scan3A_245 : i32 to index
      %swap3A_262 = arith.constant 48 : index
      %swap3A_263 = tpu.vector_load %arg13[%swap3A_261, %swap3A_262] {strides = array<i32>} : memref<80x128xf32, #tpu.memory_space<vmem>>, vector<1x16xf32>,
      %swap3A_264 = vector.shape_cast %swap3A_263 : vector<1x16xf32> to vector<16xf32>
      %swap3A_265 = vector.shape_cast %broadcast_in_dim3A_0 : vector<16xf32> to vector<1x16xf32>
      tpu.vector_store %arg13[%swap3A_261, %swap3A_262], %swap3A_265 {strides = array<i32>} : memref<80x128xf32, #tpu.memory_space<vmem>>, vector<1x16xf32>,
      %swap3A_266 = arith.index_cast %scan3A_245 : i32 to index
      %swap3A_267 = arith.constant 64 : index
      %swap3A_268 = tpu.vector_load %arg13[%swap3A_266, %swap3A_267] {strides = array<i32>} : memref<80x128xf32, #tpu.memory_space<vmem>>, vector<1x16xf32>,
      %swap3A_269 = vector.shape_cast %swap3A_268 : vector<1x16xf32> to vector<16xf32>
      %swap3A_270 = vector.shape_cast %broadcast_in_dim3A_0 : vector<16xf32> to vector<1x16xf32>
      tpu.vector_store %arg13[%swap3A_266, %swap3A_267], %swap3A_270 {strides = array<i32>} : memref<80x128xf32, #tpu.memory_space<vmem>>, vector<1x16xf32>,
      %swap3A_271 = arith.index_cast %scan3A_245 : i32 to index
      %swap3A_272 = arith.constant 80 : index
      %swap3A_273 = tpu.vector_load %arg13[%swap3A_271, %swap3A_272] {strides = array<i32>} : memref<80x128xf32, #tpu.memory_space<vmem>>, vector<1x16xf32>,
      %swap3A_274 = vector.shape_cast %swap3A_273 : vector<1x16xf32> to vector<16xf32>
      %swap3A_275 = vector.shape_cast %broadcast_in_dim3A_0 : vector<16xf32> to vector<1x16xf32>
      tpu.vector_store %arg13[%swap3A_271, %swap3A_272], %swap3A_275 {strides = array<i32>} : memref<80x128xf32, #tpu.memory_space<vmem>>, vector<1x16xf32>,
      %swap3A_276 = arith.index_cast %scan3A_245 : i32 to index
      %swap3A_277 = arith.constant 96 : index
      %swap3A_278 = tpu.vector_load %arg13[%swap3A_276, %swap3A_277] {strides = array<i32>} : memref<80x128xf32, #tpu.memory_space<vmem>>, vector<1x16xf32>,
      %swap3A_279 = vector.shape_cast %swap3A_278 : vector<1x16xf32> to vector<16xf32>
      %swap3A_280 = vector.shape_cast %broadcast_in_dim3A_0 : vector<16xf32> to vector<1x16xf32>
      tpu.vector_store %arg13[%swap3A_276, %swap3A_277], %swap3A_280 {strides = array<i32>} : memref<80x128xf32, #tpu.memory_space<vmem>>, vector<1x16xf32>,
      %swap3A_281 = arith.index_cast %scan3A_245 : i32 to index
      %swap3A_282 = arith.constant 112 : index
      %swap3A_283 = tpu.vector_load %arg13[%swap3A_281, %swap3A_282] {strides = array<i32>} : memref<80x128xf32, #tpu.memory_space<vmem>>, vector<1x16xf32>,
      %swap3A_284 = vector.shape_cast %swap3A_283 : vector<1x16xf32> to vector<16xf32>
      %swap3A_285 = vector.shape_cast %broadcast_in_dim3A_0 : vector<16xf32> to vector<1x16xf32>
      tpu.vector_store %arg13[%swap3A_281, %swap3A_282], %swap3A_285 {strides = array<i32>} : memref<80x128xf32, #tpu.memory_space<vmem>>, vector<1x16xf32>,
      %swap3A_286 = arith.index_cast %scan3A_245 : i32 to index
      %swap3A_287 = arith.constant 0 : index
      %swap3A_288 = tpu.vector_load %arg18[%swap3A_286, %swap3A_287] {strides = array<i32>} : memref<16x16xf32, #tpu.memory_space<vmem>>, vector<1x16xf32>,
      %swap3A_289 = vector.shape_cast %swap3A_288 : vector<1x16xf32> to vector<16xf32>
      %swap3A_290 = vector.shape_cast %broadcast_in_dim3A_0 : vector<16xf32> to vector<1x16xf32>
      tpu.vector_store %arg18[%swap3A_286, %swap3A_287], %swap3A_290 {strides = array<i32>} : memref<16x16xf32, #tpu.memory_space<vmem>>, vector<1x16xf32>,
      %scan3A_291 = arith.constant 0 : i32
      scf.yield %scan3A_291 : i32
    }
    %scan3A_11 = arith.constant 16 : i32
    %scan3A_12 = arith.constant 0 : i32
    %scan3A_13 = arith.constant 0 : i32
    %scan3A_14 = arith.constant 80 : i32
    %scan3A_15 = arith.addi %scan3A_13, %scan3A_14 : i32
    %scan3A_16 = arith.constant 1 : i32
    %scan3A_17 = scf.for %scan3A_245 = %scan3A_13 to %scan3A_15 step %scan3A_16 iter_args(%scan3A_246 = %scan3A_12) -> (i32)  : i32 {
      %swap3A = arith.index_cast %scan3A_245 : i32 to index
      %swap3A_247 = arith.constant 0 : index
      %swap3A_248 = tpu.vector_load %arg17[%swap3A, %swap3A_247] {strides = array<i32>} : memref<80x16xf32, #tpu.memory_space<vmem>>, vector<1x16xf32>,
      %swap3A_249 = vector.shape_cast %swap3A_248 : vector<1x16xf32> to vector<16xf32>
      %swap3A_250 = vector.shape_cast %select_n3A : vector<16xf32> to vector<1x16xf32>
      tpu.vector_store %arg17[%swap3A, %swap3A_247], %swap3A_250 {strides = array<i32>} : memref<80x16xf32, #tpu.memory_space<vmem>>, vector<1x16xf32>,
      %scan3A_251 = arith.constant 0 : i32
      scf.yield %scan3A_251 : i32
    }
    %scan3A_18 = arith.constant 80 : i32
    %scan3A_19 = arith.constant 0 : i32
    %scan3A_20 = arith.constant 0 : i32
    %scan3A_21 = arith.constant 20 : i32
    %scan3A_22 = arith.addi %scan3A_20, %scan3A_21 : i32
    %scan3A_23 = arith.constant 1 : i32
    %scan3A_24 = scf.for %scan3A_245 = %scan3A_20 to %scan3A_22 step %scan3A_23 iter_args(%scan3A_246 = %scan3A_19) -> (i32)  : i32 {
      %mul3A_247 = arith.constant 320 : i32
      %mul3A_248 = arith.muli %arg1, %mul3A_247 : i32
      %mul3A_249 = arith.constant 16 : i32
      %mul3A_250 = arith.muli %scan3A_245, %mul3A_249 : i32
      %add3A = arith.addi %mul3A_248, %mul3A_250 : i32
      "tpu.region"() ({
        %run_scoped3A = tpu.sem_alloc : memref<!tpu.dma_semaphore, #tpu.memory_space<semaphore_mem>>
        %dma_start3A = arith.constant 0 : i32
        %dma_start3A_252 = arith.constant 0 : i32
        %dma_start3A_253 = tpu.memref_slice %arg13[%dma_start3A, %dma_start3A_252] : memref<80x128xf32, #tpu.memory_space<vmem>> -> memref<16x128xf32, #tpu.memory_space<vmem>>
        %dma_start3A_254 = arith.constant 0 : i32
        %dma_start3A_255 = tpu.memref_slice %arg19[%add3A, %dma_start3A_254] : memref<5128x128xf32, #tpu.memory_space<vmem_shared>> -> memref<16x128xf32, #tpu.memory_space<vmem_shared>>
        %dma_start3A_256 = arith.constant 0 : i32
        %dma_start3A_257 = tpu.memref_slice %arg19[%add3A, %dma_start3A_256] : memref<5128x128xf32, #tpu.memory_space<vmem_shared>> -> memref<16x128xf32, #tpu.memory_space<vmem_shared>>
        %dma_start3A_258 = arith.constant 0 : i32
        %dma_start3A_259 = arith.constant 0 : i32
        %dma_start3A_260 = tpu.memref_slice %arg13[%dma_start3A_258, %dma_start3A_259] : memref<80x128xf32, #tpu.memory_space<vmem>> -> memref<16x128xf32, #tpu.memory_space<vmem>>
        tpu.enqueue_dma source(%dma_start3A_260 : memref<16x128xf32, #tpu.memory_space<vmem>>) target(%dma_start3A_257 : memref<16x128xf32, #tpu.memory_space<vmem_shared>>) target_semaphore(%run_scoped3A : memref<!tpu.dma_semaphore, #tpu.memory_space<semaphore_mem>>)
        %dma_wait3A = arith.constant 0 : i32
        %dma_wait3A_261 = arith.constant 0 : i32
        %dma_wait3A_262 = tpu.memref_slice %arg13[%dma_wait3A, %dma_wait3A_261] : memref<80x128xf32, #tpu.memory_space<vmem>> -> memref<16x128xf32, #tpu.memory_space<vmem>>
        %dma_wait3A_263 = arith.constant 0 : i32
        %dma_wait3A_264 = tpu.memref_slice %arg19[%add3A, %dma_wait3A_263] : memref<5128x128xf32, #tpu.memory_space<vmem_shared>> -> memref<16x128xf32, #tpu.memory_space<vmem_shared>>
        %dma_wait3A_265 = arith.constant 0 : i32
        %dma_wait3A_266 = tpu.memref_slice %arg19[%add3A, %dma_wait3A_265] : memref<5128x128xf32, #tpu.memory_space<vmem_shared>> -> memref<16x128xf32, #tpu.memory_space<vmem_shared>>
        %dma_wait3A_267 = arith.constant 0 : i32
        %dma_wait3A_268 = arith.constant 0 : i32
        %dma_wait3A_269 = tpu.memref_slice %arg13[%dma_wait3A_267, %dma_wait3A_268] : memref<80x128xf32, #tpu.memory_space<vmem>> -> memref<16x128xf32, #tpu.memory_space<vmem>>
        tpu.wait_dma2 semaphore(%run_scoped3A : memref<!tpu.dma_semaphore, #tpu.memory_space<semaphore_mem>>) src(%dma_wait3A_269 : memref<16x128xf32, #tpu.memory_space<vmem>>) dst(%dma_wait3A_266 : memref<16x128xf32, #tpu.memory_space<vmem_shared>>)
        tpu.yield
      }) : () -> ()
      "tpu.region"() ({
        %run_scoped3A = tpu.sem_alloc : memref<!tpu.dma_semaphore, #tpu.memory_space<semaphore_mem>>
        %dma_start3A = arith.constant 0 : i32
        %dma_start3A_252 = arith.constant 0 : i32
        %dma_start3A_253 = tpu.memref_slice %arg18[%dma_start3A, %dma_start3A_252] : memref<16x16xf32, #tpu.memory_space<vmem>> -> memref<16x16xf32, #tpu.memory_space<vmem>>
        %dma_start3A_254 = arith.constant 0 : i32
        %dma_start3A_255 = tpu.memref_slice %arg20[%add3A, %dma_start3A_254] : memref<5128x16xf32, #tpu.memory_space<vmem_shared>> -> memref<16x16xf32, #tpu.memory_space<vmem_shared>>
        %dma_start3A_256 = arith.constant 0 : i32
        %dma_start3A_257 = tpu.memref_slice %arg20[%add3A, %dma_start3A_256] : memref<5128x16xf32, #tpu.memory_space<vmem_shared>> -> memref<16x16xf32, #tpu.memory_space<vmem_shared>>
        %dma_start3A_258 = arith.constant 0 : i32
        %dma_start3A_259 = arith.constant 0 : i32
        %dma_start3A_260 = tpu.memref_slice %arg18[%dma_start3A_258, %dma_start3A_259] : memref<16x16xf32, #tpu.memory_space<vmem>> -> memref<16x16xf32, #tpu.memory_space<vmem>>
        tpu.enqueue_dma source(%dma_start3A_260 : memref<16x16xf32, #tpu.memory_space<vmem>>) target(%dma_start3A_257 : memref<16x16xf32, #tpu.memory_space<vmem_shared>>) target_semaphore(%run_scoped3A : memref<!tpu.dma_semaphore, #tpu.memory_space<semaphore_mem>>)
        %dma_wait3A = arith.constant 0 : i32
        %dma_wait3A_261 = arith.constant 0 : i32
        %dma_wait3A_262 = tpu.memref_slice %arg18[%dma_wait3A, %dma_wait3A_261] : memref<16x16xf32, #tpu.memory_space<vmem>> -> memref<16x16xf32, #tpu.memory_space<vmem>>
        %dma_wait3A_263 = arith.constant 0 : i32
        %dma_wait3A_264 = tpu.memref_slice %arg20[%add3A, %dma_wait3A_263] : memref<5128x16xf32, #tpu.memory_space<vmem_shared>> -> memref<16x16xf32, #tpu.memory_space<vmem_shared>>
        %dma_wait3A_265 = arith.constant 0 : i32
        %dma_wait3A_266 = tpu.memref_slice %arg20[%add3A, %dma_wait3A_265] : memref<5128x16xf32, #tpu.memory_space<vmem_shared>> -> memref<16x16xf32, #tpu.memory_space<vmem_shared>>
        %dma_wait3A_267 = arith.constant 0 : i32
        %dma_wait3A_268 = arith.constant 0 : i32
        %dma_wait3A_269 = tpu.memref_slice %arg18[%dma_wait3A_267, %dma_wait3A_268] : memref<16x16xf32, #tpu.memory_space<vmem>> -> memref<16x16xf32, #tpu.memory_space<vmem>>
        tpu.wait_dma2 semaphore(%run_scoped3A : memref<!tpu.dma_semaphore, #tpu.memory_space<semaphore_mem>>) src(%dma_wait3A_269 : memref<16x16xf32, #tpu.memory_space<vmem>>) dst(%dma_wait3A_266 : memref<16x16xf32, #tpu.memory_space<vmem_shared>>)
        tpu.yield
      }) : () -> ()
      %scan3A_251 = arith.constant 0 : i32
      scf.yield %scan3A_251 : i32
    }
    %scan3A_25 = arith.constant 20 : i32
    %barrier3A = arith.constant 0 : index
    tpu.barrier barrier_id(%barrier3A)
    %mul3A = arith.constant 5120 : i32
    %mul3A_26 = arith.muli %arg0, %mul3A : i32
    %broadcast_in_dim3A_27 = arith.constant 5120 : i32
    %broadcast_in_dim3A_28 = vector.broadcast %broadcast_in_dim3A_27 : i32 to vector<16xi32>
    "tpu.region"() ({
      %run_scoped3A = tpu.sem_alloc : memref<!tpu.dma_semaphore, #tpu.memory_space<semaphore_mem>>
      tpu.enqueue_dma source(%arg5 : memref<5x128xf32, #tpu.memory_space<hbm>>) target(%arg16 : memref<5x128xf32, #tpu.memory_space<vmem>>) target_semaphore(%run_scoped3A : memref<!tpu.dma_semaphore, #tpu.memory_space<semaphore_mem>>)
      tpu.wait_dma2 semaphore(%run_scoped3A : memref<!tpu.dma_semaphore, #tpu.memory_space<semaphore_mem>>) src(%arg5 : memref<5x128xf32, #tpu.memory_space<hbm>>) dst(%arg16 : memref<5x128xf32, #tpu.memory_space<vmem>>)
      tpu.yield
    }) : () -> ()
    %get3A = arith.constant 0 : i32
    %get3A_29 = arith.index_cast %get3A : i32 to index
    %get3A_30 = arith.constant 0 : index
    %get3A_31 = tpu.vector_load %arg16[%get3A_29, %get3A_30] {strides = array<i32>} : memref<5x128xf32, #tpu.memory_space<vmem>>, vector<1x16xf32>,
    %get3A_32 = vector.shape_cast %get3A_31 : vector<1x16xf32> to vector<16xf32>
    %get3A_33 = arith.constant 1 : i32
    %get3A_34 = arith.index_cast %get3A_33 : i32 to index
    %get3A_35 = arith.constant 0 : index
    %get3A_36 = tpu.vector_load %arg16[%get3A_34, %get3A_35] {strides = array<i32>} : memref<5x128xf32, #tpu.memory_space<vmem>>, vector<1x16xf32>,
    %get3A_37 = vector.shape_cast %get3A_36 : vector<1x16xf32> to vector<16xf32>
    %get3A_38 = arith.constant 2 : i32
    %get3A_39 = arith.index_cast %get3A_38 : i32 to index
    %get3A_40 = arith.constant 0 : index
    %get3A_41 = tpu.vector_load %arg16[%get3A_39, %get3A_40] {strides = array<i32>} : memref<5x128xf32, #tpu.memory_space<vmem>>, vector<1x16xf32>,
    %get3A_42 = vector.shape_cast %get3A_41 : vector<1x16xf32> to vector<16xf32>
    %get3A_43 = arith.constant 3 : i32
    %get3A_44 = arith.index_cast %get3A_43 : i32 to index
    %get3A_45 = arith.constant 0 : index
    %get3A_46 = tpu.vector_load %arg16[%get3A_44, %get3A_45] {strides = array<i32>} : memref<5x128xf32, #tpu.memory_space<vmem>>, vector<1x16xf32>,
    %get3A_47 = vector.shape_cast %get3A_46 : vector<1x16xf32> to vector<16xf32>
    %get3A_48 = arith.constant 4 : i32
    %get3A_49 = arith.index_cast %get3A_48 : i32 to index
    %get3A_50 = arith.constant 0 : index
    %get3A_51 = tpu.vector_load %arg16[%get3A_49, %get3A_50] {strides = array<i32>} : memref<5x128xf32, #tpu.memory_space<vmem>>, vector<1x16xf32>,
    %get3A_52 = vector.shape_cast %get3A_51 : vector<1x16xf32> to vector<16xf32>
    %get3A_53 = arith.constant 0 : i32
    %get3A_54 = arith.index_cast %get3A_53 : i32 to index
    %get3A_55 = arith.constant 16 : index
    %get3A_56 = tpu.vector_load %arg16[%get3A_54, %get3A_55] {strides = array<i32>} : memref<5x128xf32, #tpu.memory_space<vmem>>, vector<1x16xf32>,
    %get3A_57 = vector.shape_cast %get3A_56 : vector<1x16xf32> to vector<16xf32>
    %get3A_58 = arith.constant 1 : i32
    %get3A_59 = arith.index_cast %get3A_58 : i32 to index
    %get3A_60 = arith.constant 16 : index
    %get3A_61 = tpu.vector_load %arg16[%get3A_59, %get3A_60] {strides = array<i32>} : memref<5x128xf32, #tpu.memory_space<vmem>>, vector<1x16xf32>,
    %get3A_62 = vector.shape_cast %get3A_61 : vector<1x16xf32> to vector<16xf32>
    %get3A_63 = arith.constant 2 : i32
    %get3A_64 = arith.index_cast %get3A_63 : i32 to index
    %get3A_65 = arith.constant 16 : index
    %get3A_66 = tpu.vector_load %arg16[%get3A_64, %get3A_65] {strides = array<i32>} : memref<5x128xf32, #tpu.memory_space<vmem>>, vector<1x16xf32>,
    %get3A_67 = vector.shape_cast %get3A_66 : vector<1x16xf32> to vector<16xf32>
    %get3A_68 = arith.constant 3 : i32
    %get3A_69 = arith.index_cast %get3A_68 : i32 to index
    %get3A_70 = arith.constant 16 : index
    %get3A_71 = tpu.vector_load %arg16[%get3A_69, %get3A_70] {strides = array<i32>} : memref<5x128xf32, #tpu.memory_space<vmem>>, vector<1x16xf32>,
    %get3A_72 = vector.shape_cast %get3A_71 : vector<1x16xf32> to vector<16xf32>
    %get3A_73 = arith.constant 4 : i32
    %get3A_74 = arith.index_cast %get3A_73 : i32 to index
    %get3A_75 = arith.constant 16 : index
    %get3A_76 = tpu.vector_load %arg16[%get3A_74, %get3A_75] {strides = array<i32>} : memref<5x128xf32, #tpu.memory_space<vmem>>, vector<1x16xf32>,
    %get3A_77 = vector.shape_cast %get3A_76 : vector<1x16xf32> to vector<16xf32>
    %get3A_78 = arith.constant 0 : i32
    %get3A_79 = arith.index_cast %get3A_78 : i32 to index
    %get3A_80 = arith.constant 32 : index
    %get3A_81 = tpu.vector_load %arg16[%get3A_79, %get3A_80] {strides = array<i32>} : memref<5x128xf32, #tpu.memory_space<vmem>>, vector<1x16xf32>,
    %get3A_82 = vector.shape_cast %get3A_81 : vector<1x16xf32> to vector<16xf32>
    %get3A_83 = arith.constant 1 : i32
    %get3A_84 = arith.index_cast %get3A_83 : i32 to index
    %get3A_85 = arith.constant 32 : index
    %get3A_86 = tpu.vector_load %arg16[%get3A_84, %get3A_85] {strides = array<i32>} : memref<5x128xf32, #tpu.memory_space<vmem>>, vector<1x16xf32>,
    %get3A_87 = vector.shape_cast %get3A_86 : vector<1x16xf32> to vector<16xf32>
    %get3A_88 = arith.constant 2 : i32
    %get3A_89 = arith.index_cast %get3A_88 : i32 to index
    %get3A_90 = arith.constant 32 : index
    %get3A_91 = tpu.vector_load %arg16[%get3A_89, %get3A_90] {strides = array<i32>} : memref<5x128xf32, #tpu.memory_space<vmem>>, vector<1x16xf32>,
    %get3A_92 = vector.shape_cast %get3A_91 : vector<1x16xf32> to vector<16xf32>
    %get3A_93 = arith.constant 3 : i32
    %get3A_94 = arith.index_cast %get3A_93 : i32 to index
    %get3A_95 = arith.constant 32 : index
    %get3A_96 = tpu.vector_load %arg16[%get3A_94, %get3A_95] {strides = array<i32>} : memref<5x128xf32, #tpu.memory_space<vmem>>, vector<1x16xf32>,
    %get3A_97 = vector.shape_cast %get3A_96 : vector<1x16xf32> to vector<16xf32>
    %get3A_98 = arith.constant 4 : i32
    %get3A_99 = arith.index_cast %get3A_98 : i32 to index
    %get3A_100 = arith.constant 32 : index
    %get3A_101 = tpu.vector_load %arg16[%get3A_99, %get3A_100] {strides = array<i32>} : memref<5x128xf32, #tpu.memory_space<vmem>>, vector<1x16xf32>,
    %get3A_102 = vector.shape_cast %get3A_101 : vector<1x16xf32> to vector<16xf32>
    %get3A_103 = arith.constant 0 : i32
    %get3A_104 = arith.index_cast %get3A_103 : i32 to index
    %get3A_105 = arith.constant 48 : index
    %get3A_106 = tpu.vector_load %arg16[%get3A_104, %get3A_105] {strides = array<i32>} : memref<5x128xf32, #tpu.memory_space<vmem>>, vector<1x16xf32>,
    %get3A_107 = vector.shape_cast %get3A_106 : vector<1x16xf32> to vector<16xf32>
    %get3A_108 = arith.constant 1 : i32
    %get3A_109 = arith.index_cast %get3A_108 : i32 to index
    %get3A_110 = arith.constant 48 : index
    %get3A_111 = tpu.vector_load %arg16[%get3A_109, %get3A_110] {strides = array<i32>} : memref<5x128xf32, #tpu.memory_space<vmem>>, vector<1x16xf32>,
    %get3A_112 = vector.shape_cast %get3A_111 : vector<1x16xf32> to vector<16xf32>
    %get3A_113 = arith.constant 2 : i32
    %get3A_114 = arith.index_cast %get3A_113 : i32 to index
    %get3A_115 = arith.constant 48 : index
    %get3A_116 = tpu.vector_load %arg16[%get3A_114, %get3A_115] {strides = array<i32>} : memref<5x128xf32, #tpu.memory_space<vmem>>, vector<1x16xf32>,
    %get3A_117 = vector.shape_cast %get3A_116 : vector<1x16xf32> to vector<16xf32>
    %get3A_118 = arith.constant 3 : i32
    %get3A_119 = arith.index_cast %get3A_118 : i32 to index
    %get3A_120 = arith.constant 48 : index
    %get3A_121 = tpu.vector_load %arg16[%get3A_119, %get3A_120] {strides = array<i32>} : memref<5x128xf32, #tpu.memory_space<vmem>>, vector<1x16xf32>,
    %get3A_122 = vector.shape_cast %get3A_121 : vector<1x16xf32> to vector<16xf32>
    %get3A_123 = arith.constant 4 : i32
    %get3A_124 = arith.index_cast %get3A_123 : i32 to index
    %get3A_125 = arith.constant 48 : index
    %get3A_126 = tpu.vector_load %arg16[%get3A_124, %get3A_125] {strides = array<i32>} : memref<5x128xf32, #tpu.memory_space<vmem>>, vector<1x16xf32>,
    %get3A_127 = vector.shape_cast %get3A_126 : vector<1x16xf32> to vector<16xf32>
    %get3A_128 = arith.constant 0 : i32
    %get3A_129 = arith.index_cast %get3A_128 : i32 to index
    %get3A_130 = arith.constant 64 : index
    %get3A_131 = tpu.vector_load %arg16[%get3A_129, %get3A_130] {strides = array<i32>} : memref<5x128xf32, #tpu.memory_space<vmem>>, vector<1x16xf32>,
    %get3A_132 = vector.shape_cast %get3A_131 : vector<1x16xf32> to vector<16xf32>
    %get3A_133 = arith.constant 1 : i32
    %get3A_134 = arith.index_cast %get3A_133 : i32 to index
    %get3A_135 = arith.constant 64 : index
    %get3A_136 = tpu.vector_load %arg16[%get3A_134, %get3A_135] {strides = array<i32>} : memref<5x128xf32, #tpu.memory_space<vmem>>, vector<1x16xf32>,
    %get3A_137 = vector.shape_cast %get3A_136 : vector<1x16xf32> to vector<16xf32>
    %get3A_138 = arith.constant 2 : i32
    %get3A_139 = arith.index_cast %get3A_138 : i32 to index
    %get3A_140 = arith.constant 64 : index
    %get3A_141 = tpu.vector_load %arg16[%get3A_139, %get3A_140] {strides = array<i32>} : memref<5x128xf32, #tpu.memory_space<vmem>>, vector<1x16xf32>,
    %get3A_142 = vector.shape_cast %get3A_141 : vector<1x16xf32> to vector<16xf32>
    %get3A_143 = arith.constant 3 : i32
    %get3A_144 = arith.index_cast %get3A_143 : i32 to index
    %get3A_145 = arith.constant 64 : index
    %get3A_146 = tpu.vector_load %arg16[%get3A_144, %get3A_145] {strides = array<i32>} : memref<5x128xf32, #tpu.memory_space<vmem>>, vector<1x16xf32>,
    %get3A_147 = vector.shape_cast %get3A_146 : vector<1x16xf32> to vector<16xf32>
    %get3A_148 = arith.constant 4 : i32
    %get3A_149 = arith.index_cast %get3A_148 : i32 to index
    %get3A_150 = arith.constant 64 : index
    %get3A_151 = tpu.vector_load %arg16[%get3A_149, %get3A_150] {strides = array<i32>} : memref<5x128xf32, #tpu.memory_space<vmem>>, vector<1x16xf32>,
    %get3A_152 = vector.shape_cast %get3A_151 : vector<1x16xf32> to vector<16xf32>
    %get3A_153 = arith.constant 0 : i32
    %get3A_154 = arith.index_cast %get3A_153 : i32 to index
    %get3A_155 = arith.constant 80 : index
    %get3A_156 = tpu.vector_load %arg16[%get3A_154, %get3A_155] {strides = array<i32>} : memref<5x128xf32, #tpu.memory_space<vmem>>, vector<1x16xf32>,
    %get3A_157 = vector.shape_cast %get3A_156 : vector<1x16xf32> to vector<16xf32>
    %get3A_158 = arith.constant 1 : i32
    %get3A_159 = arith.index_cast %get3A_158 : i32 to index
    %get3A_160 = arith.constant 80 : index
    %get3A_161 = tpu.vector_load %arg16[%get3A_159, %get3A_160] {strides = array<i32>} : memref<5x128xf32, #tpu.memory_space<vmem>>, vector<1x16xf32>,
    %get3A_162 = vector.shape_cast %get3A_161 : vector<1x16xf32> to vector<16xf32>
    %get3A_163 = arith.constant 2 : i32
    %get3A_164 = arith.index_cast %get3A_163 : i32 to index
    %get3A_165 = arith.constant 80 : index
    %get3A_166 = tpu.vector_load %arg16[%get3A_164, %get3A_165] {strides = array<i32>} : memref<5x128xf32, #tpu.memory_space<vmem>>, vector<1x16xf32>,
    %get3A_167 = vector.shape_cast %get3A_166 : vector<1x16xf32> to vector<16xf32>
    %get3A_168 = arith.constant 3 : i32
    %get3A_169 = arith.index_cast %get3A_168 : i32 to index
    %get3A_170 = arith.constant 80 : index
    %get3A_171 = tpu.vector_load %arg16[%get3A_169, %get3A_170] {strides = array<i32>} : memref<5x128xf32, #tpu.memory_space<vmem>>, vector<1x16xf32>,
    %get3A_172 = vector.shape_cast %get3A_171 : vector<1x16xf32> to vector<16xf32>
    %get3A_173 = arith.constant 4 : i32
    %get3A_174 = arith.index_cast %get3A_173 : i32 to index
    %get3A_175 = arith.constant 80 : index
    %get3A_176 = tpu.vector_load %arg16[%get3A_174, %get3A_175] {strides = array<i32>} : memref<5x128xf32, #tpu.memory_space<vmem>>, vector<1x16xf32>,
    %get3A_177 = vector.shape_cast %get3A_176 : vector<1x16xf32> to vector<16xf32>
    %get3A_178 = arith.constant 0 : i32
    %get3A_179 = arith.index_cast %get3A_178 : i32 to index
    %get3A_180 = arith.constant 96 : index
    %get3A_181 = tpu.vector_load %arg16[%get3A_179, %get3A_180] {strides = array<i32>} : memref<5x128xf32, #tpu.memory_space<vmem>>, vector<1x16xf32>,
    %get3A_182 = vector.shape_cast %get3A_181 : vector<1x16xf32> to vector<16xf32>
    %get3A_183 = arith.constant 1 : i32
    %get3A_184 = arith.index_cast %get3A_183 : i32 to index
    %get3A_185 = arith.constant 96 : index
    %get3A_186 = tpu.vector_load %arg16[%get3A_184, %get3A_185] {strides = array<i32>} : memref<5x128xf32, #tpu.memory_space<vmem>>, vector<1x16xf32>,
    %get3A_187 = vector.shape_cast %get3A_186 : vector<1x16xf32> to vector<16xf32>
    %get3A_188 = arith.constant 2 : i32
    %get3A_189 = arith.index_cast %get3A_188 : i32 to index
    %get3A_190 = arith.constant 96 : index
    %get3A_191 = tpu.vector_load %arg16[%get3A_189, %get3A_190] {strides = array<i32>} : memref<5x128xf32, #tpu.memory_space<vmem>>, vector<1x16xf32>,
    %get3A_192 = vector.shape_cast %get3A_191 : vector<1x16xf32> to vector<16xf32>
    %get3A_193 = arith.constant 3 : i32
    %get3A_194 = arith.index_cast %get3A_193 : i32 to index
    %get3A_195 = arith.constant 96 : index
    %get3A_196 = tpu.vector_load %arg16[%get3A_194, %get3A_195] {strides = array<i32>} : memref<5x128xf32, #tpu.memory_space<vmem>>, vector<1x16xf32>,
    %get3A_197 = vector.shape_cast %get3A_196 : vector<1x16xf32> to vector<16xf32>
    %get3A_198 = arith.constant 4 : i32
    %get3A_199 = arith.index_cast %get3A_198 : i32 to index
    %get3A_200 = arith.constant 96 : index
    %get3A_201 = tpu.vector_load %arg16[%get3A_199, %get3A_200] {strides = array<i32>} : memref<5x128xf32, #tpu.memory_space<vmem>>, vector<1x16xf32>,
    %get3A_202 = vector.shape_cast %get3A_201 : vector<1x16xf32> to vector<16xf32>
    %get3A_203 = arith.constant 0 : i32
    %get3A_204 = arith.index_cast %get3A_203 : i32 to index
    %get3A_205 = arith.constant 112 : index
    %get3A_206 = tpu.vector_load %arg16[%get3A_204, %get3A_205] {strides = array<i32>} : memref<5x128xf32, #tpu.memory_space<vmem>>, vector<1x16xf32>,
    %get3A_207 = vector.shape_cast %get3A_206 : vector<1x16xf32> to vector<16xf32>
    %get3A_208 = arith.constant 1 : i32
    %get3A_209 = arith.index_cast %get3A_208 : i32 to index
    %get3A_210 = arith.constant 112 : index
    %get3A_211 = tpu.vector_load %arg16[%get3A_209, %get3A_210] {strides = array<i32>} : memref<5x128xf32, #tpu.memory_space<vmem>>, vector<1x16xf32>,
    %get3A_212 = vector.shape_cast %get3A_211 : vector<1x16xf32> to vector<16xf32>
    %get3A_213 = arith.constant 2 : i32
    %get3A_214 = arith.index_cast %get3A_213 : i32 to index
    %get3A_215 = arith.constant 112 : index
    %get3A_216 = tpu.vector_load %arg16[%get3A_214, %get3A_215] {strides = array<i32>} : memref<5x128xf32, #tpu.memory_space<vmem>>, vector<1x16xf32>,
    %get3A_217 = vector.shape_cast %get3A_216 : vector<1x16xf32> to vector<16xf32>
    %get3A_218 = arith.constant 3 : i32
    %get3A_219 = arith.index_cast %get3A_218 : i32 to index
    %get3A_220 = arith.constant 112 : index
    %get3A_221 = tpu.vector_load %arg16[%get3A_219, %get3A_220] {strides = array<i32>} : memref<5x128xf32, #tpu.memory_space<vmem>>, vector<1x16xf32>,
    %get3A_222 = vector.shape_cast %get3A_221 : vector<1x16xf32> to vector<16xf32>
    %get3A_223 = arith.constant 4 : i32
    %get3A_224 = arith.index_cast %get3A_223 : i32 to index
    %get3A_225 = arith.constant 112 : index
    %get3A_226 = tpu.vector_load %arg16[%get3A_224, %get3A_225] {strides = array<i32>} : memref<5x128xf32, #tpu.memory_space<vmem>>, vector<1x16xf32>,
    %get3A_227 = vector.shape_cast %get3A_226 : vector<1x16xf32> to vector<16xf32>
    %mul3A_228 = arith.constant 20000 : i32
    %mul3A_229 = arith.muli %arg1, %mul3A_228 : i32
    %scan3A_230 = arith.constant 0 : i32
    %scan3A_231 = arith.constant 0 : i32
    %scan3A_232 = arith.constant 250 : i32
    %scan3A_233 = arith.addi %scan3A_231, %scan3A_232 : i32
    %scan3A_234 = arith.constant 1 : i32
    %scan3A_235 = scf.for %scan3A_245 = %scan3A_231 to %scan3A_233 step %scan3A_234 iter_args(%scan3A_246 = %scan3A_230) -> (i32)  : i32 {
      %mul3A_247 = arith.constant 80 : i32
      %mul3A_248 = arith.muli %scan3A_245, %mul3A_247 : i32
      %add3A = arith.addi %mul3A_229, %mul3A_248 : i32
      %mul3A_249 = arith.constant 4 : i32
      %mul3A_250 = arith.muli %add3A, %mul3A_249 : i32
      %dma_start3A = tpu.memref_slice %arg4[%mul3A_250] : memref<1280000xf32, #tpu.memory_space<hbm>> -> memref<320xf32, #tpu.memory_space<hbm>>
      %dma_start3A_251 = tpu.memref_slice %arg4[%mul3A_250] : memref<1280000xf32, #tpu.memory_space<hbm>> -> memref<320xf32, #tpu.memory_space<hbm>>
      tpu.enqueue_dma source(%dma_start3A_251 : memref<320xf32, #tpu.memory_space<hbm>>) target(%arg15 : memref<320xf32, #tpu.memory_space<vmem>>) target_semaphore(%arg23 : memref<!tpu.dma_semaphore, #tpu.memory_space<semaphore_mem>>)
      %dma_start3A_252 = tpu.memref_slice %arg6[%add3A] : memref<320000xi32, #tpu.memory_space<hbm>> -> memref<80xi32, #tpu.memory_space<hbm>>
      %dma_start3A_253 = tpu.memref_slice %arg6[%add3A] : memref<320000xi32, #tpu.memory_space<hbm>> -> memref<80xi32, #tpu.memory_space<hbm>>
      tpu.enqueue_dma source(%dma_start3A_253 : memref<80xi32, #tpu.memory_space<hbm>>) target(%arg10 : memref<80xi32, #tpu.memory_space<vmem>>) target_semaphore(%arg24 : memref<!tpu.dma_semaphore, #tpu.memory_space<semaphore_mem>>)
      %dma_start3A_254 = tpu.memref_slice %arg7[%add3A] : memref<320000xi32, #tpu.memory_space<hbm>> -> memref<80xi32, #tpu.memory_space<hbm>>
      %dma_start3A_255 = tpu.memref_slice %arg7[%add3A] : memref<320000xi32, #tpu.memory_space<hbm>> -> memref<80xi32, #tpu.memory_space<hbm>>
      tpu.enqueue_dma source(%dma_start3A_255 : memref<80xi32, #tpu.memory_space<hbm>>) target(%arg11 : memref<80xi32, #tpu.memory_space<vmem>>) target_semaphore(%arg25 : memref<!tpu.dma_semaphore, #tpu.memory_space<semaphore_mem>>)
      %dma_wait3A = tpu.memref_slice %arg6[%add3A] : memref<320000xi32, #tpu.memory_space<hbm>> -> memref<80xi32, #tpu.memory_space<hbm>>
      %dma_wait3A_256 = tpu.memref_slice %arg6[%add3A] : memref<320000xi32, #tpu.memory_space<hbm>> -> memref<80xi32, #tpu.memory_space<hbm>>
      tpu.wait_dma2 semaphore(%arg24 : memref<!tpu.dma_semaphore, #tpu.memory_space<semaphore_mem>>) src(%dma_wait3A_256 : memref<80xi32, #tpu.memory_space<hbm>>) dst(%arg10 : memref<80xi32, #tpu.memory_space<vmem>>)
      %dma_wait3A_257 = tpu.memref_slice %arg7[%add3A] : memref<320000xi32, #tpu.memory_space<hbm>> -> memref<80xi32, #tpu.memory_space<hbm>>
      %dma_wait3A_258 = tpu.memref_slice %arg7[%add3A] : memref<320000xi32, #tpu.memory_space<hbm>> -> memref<80xi32, #tpu.memory_space<hbm>>
      tpu.wait_dma2 semaphore(%arg25 : memref<!tpu.dma_semaphore, #tpu.memory_space<semaphore_mem>>) src(%dma_wait3A_258 : memref<80xi32, #tpu.memory_space<hbm>>) dst(%arg11 : memref<80xi32, #tpu.memory_space<vmem>>)
      %dma_start3A_259 = arith.constant 0 : i32
      %dma_start3A_260 = arith.constant 0 : i32
      %dma_start3A_261 = tpu.memref_slice %arg2[%dma_start3A_259, %dma_start3A_260] : memref<10000x128xf32, #tpu.memory_space<hbm>> -> memref<10000x128xf32, #tpu.memory_space<hbm>>
      tpu.enqueue_indirect_dma source(%dma_start3A_261 : memref<10000x128xf32, #tpu.memory_space<hbm>>) target(%arg13 : memref<80x128xf32, #tpu.memory_space<vmem>>) offsets(%arg10 : memref<80xi32, #tpu.memory_space<vmem>>) semaphore(%arg21 : memref<!tpu.dma_semaphore, #tpu.memory_space<semaphore_mem>>)
      %dma_start3A_262 = arith.constant 0 : i32
      %dma_start3A_263 = arith.constant 0 : i32
      %dma_start3A_264 = tpu.memref_slice %arg3[%dma_start3A_262, %dma_start3A_263] : memref<10000x128xf32, #tpu.memory_space<hbm>> -> memref<10000x128xf32, #tpu.memory_space<hbm>>
      tpu.enqueue_indirect_dma source(%dma_start3A_264 : memref<10000x128xf32, #tpu.memory_space<hbm>>) target(%arg14 : memref<80x128xf32, #tpu.memory_space<vmem>>) offsets(%arg11 : memref<80xi32, #tpu.memory_space<vmem>>) semaphore(%arg22 : memref<!tpu.dma_semaphore, #tpu.memory_space<semaphore_mem>>)
      %dma_wait3A_265 = tpu.memref_slice %arg4[%mul3A_250] : memref<1280000xf32, #tpu.memory_space<hbm>> -> memref<320xf32, #tpu.memory_space<hbm>>
      %dma_wait3A_266 = tpu.memref_slice %arg4[%mul3A_250] : memref<1280000xf32, #tpu.memory_space<hbm>> -> memref<320xf32, #tpu.memory_space<hbm>>
      tpu.wait_dma2 semaphore(%arg23 : memref<!tpu.dma_semaphore, #tpu.memory_space<semaphore_mem>>) src(%dma_wait3A_266 : memref<320xf32, #tpu.memory_space<hbm>>) dst(%arg15 : memref<320xf32, #tpu.memory_space<vmem>>)
      %get3A_267 = arith.constant 0 : index
      %get3A_268 = tpu.vector_load %arg11[%get3A_267] {strides = array<i32>} : memref<80xi32, #tpu.memory_space<vmem>>, vector<16xi32>,
      %get3A_269 = vector.shape_cast %get3A_268 : vector<16xi32> to vector<16xi32>
      %sub3A = vector.broadcast %mul3A_26 : i32 to vector<16xi32>
      %sub3A_270 = arith.subi %get3A_269, %sub3A : vector<16xi32>
      %ge3A = arith.constant 0 : i32
      %ge3A_271 = vector.broadcast %ge3A : i32 to vector<16xi32>
      %ge3A_272 = arith.cmpi sge, %sub3A_270, %ge3A_271 : vector<16xi32>
      %lt3A = arith.constant 5120 : i32
      %lt3A_273 = vector.broadcast %lt3A : i32 to vector<16xi32>
      %lt3A_274 = arith.cmpi slt, %sub3A_270, %lt3A_273 : vector<16xi32>
      %and3A = arith.andi %ge3A_272, %lt3A_274 : vector<16xi1>
      %select_n3A_275 = arith.select %and3A, %sub3A_270, %broadcast_in_dim3A_28 : vector<16xi1>, vector<16xi32>
      %swap3A = arith.constant 0 : i32
      %swap3A_276 = arith.index_cast %swap3A : i32 to index
      %swap3A_277 = arith.constant 0 : index
      %swap3A_278 = tpu.vector_load %arg12[%swap3A_276, %swap3A_277] {strides = array<i32>} : memref<1x80xi32, #tpu.memory_space<vmem>>, vector<1x16xi32>,
      %swap3A_279 = vector.shape_cast %swap3A_278 : vector<1x16xi32> to vector<16xi32>
      %swap3A_280 = vector.shape_cast %select_n3A_275 : vector<16xi32> to vector<1x16xi32>
      tpu.vector_store %arg12[%swap3A_276, %swap3A_277], %swap3A_280 {strides = array<i32>} : memref<1x80xi32, #tpu.memory_space<vmem>>, vector<1x16xi32>,
      %get3A_281 = arith.constant 16 : index
      %get3A_282 = tpu.vector_load %arg11[%get3A_281] {strides = array<i32>} : memref<80xi32, #tpu.memory_space<vmem>>, vector<16xi32>,
      %get3A_283 = vector.shape_cast %get3A_282 : vector<16xi32> to vector<16xi32>
      %sub3A_284 = vector.broadcast %mul3A_26 : i32 to vector<16xi32>
      %sub3A_285 = arith.subi %get3A_283, %sub3A_284 : vector<16xi32>
      %ge3A_286 = arith.constant 0 : i32
      %ge3A_287 = vector.broadcast %ge3A_286 : i32 to vector<16xi32>
      %ge3A_288 = arith.cmpi sge, %sub3A_285, %ge3A_287 : vector<16xi32>
      %lt3A_289 = arith.constant 5120 : i32
      %lt3A_290 = vector.broadcast %lt3A_289 : i32 to vector<16xi32>
      %lt3A_291 = arith.cmpi slt, %sub3A_285, %lt3A_290 : vector<16xi32>
      %and3A_292 = arith.andi %ge3A_288, %lt3A_291 : vector<16xi1>
      %select_n3A_293 = arith.select %and3A_292, %sub3A_285, %broadcast_in_dim3A_28 : vector<16xi1>, vector<16xi32>
      %swap3A_294 = arith.constant 0 : i32
      %swap3A_295 = arith.index_cast %swap3A_294 : i32 to index
      %swap3A_296 = arith.constant 16 : index
      %swap3A_297 = tpu.vector_load %arg12[%swap3A_295, %swap3A_296] {strides = array<i32>} : memref<1x80xi32, #tpu.memory_space<vmem>>, vector<1x16xi32>,
      %swap3A_298 = vector.shape_cast %swap3A_297 : vector<1x16xi32> to vector<16xi32>
      %swap3A_299 = vector.shape_cast %select_n3A_293 : vector<16xi32> to vector<1x16xi32>
      tpu.vector_store %arg12[%swap3A_295, %swap3A_296], %swap3A_299 {strides = array<i32>} : memref<1x80xi32, #tpu.memory_space<vmem>>, vector<1x16xi32>,
      %get3A_300 = arith.constant 32 : index
      %get3A_301 = tpu.vector_load %arg11[%get3A_300] {strides = array<i32>} : memref<80xi32, #tpu.memory_space<vmem>>, vector<16xi32>,
      %get3A_302 = vector.shape_cast %get3A_301 : vector<16xi32> to vector<16xi32>
      %sub3A_303 = vector.broadcast %mul3A_26 : i32 to vector<16xi32>
      %sub3A_304 = arith.subi %get3A_302, %sub3A_303 : vector<16xi32>
      %ge3A_305 = arith.constant 0 : i32
      %ge3A_306 = vector.broadcast %ge3A_305 : i32 to vector<16xi32>
      %ge3A_307 = arith.cmpi sge, %sub3A_304, %ge3A_306 : vector<16xi32>
      %lt3A_308 = arith.constant 5120 : i32
      %lt3A_309 = vector.broadcast %lt3A_308 : i32 to vector<16xi32>
      %lt3A_310 = arith.cmpi slt, %sub3A_304, %lt3A_309 : vector<16xi32>
      %and3A_311 = arith.andi %ge3A_307, %lt3A_310 : vector<16xi1>
      %select_n3A_312 = arith.select %and3A_311, %sub3A_304, %broadcast_in_dim3A_28 : vector<16xi1>, vector<16xi32>
      %swap3A_313 = arith.constant 0 : i32
      %swap3A_314 = arith.index_cast %swap3A_313 : i32 to index
      %swap3A_315 = arith.constant 32 : index
      %swap3A_316 = tpu.vector_load %arg12[%swap3A_314, %swap3A_315] {strides = array<i32>} : memref<1x80xi32, #tpu.memory_space<vmem>>, vector<1x16xi32>,
      %swap3A_317 = vector.shape_cast %swap3A_316 : vector<1x16xi32> to vector<16xi32>
      %swap3A_318 = vector.shape_cast %select_n3A_312 : vector<16xi32> to vector<1x16xi32>
      tpu.vector_store %arg12[%swap3A_314, %swap3A_315], %swap3A_318 {strides = array<i32>} : memref<1x80xi32, #tpu.memory_space<vmem>>, vector<1x16xi32>,
      %get3A_319 = arith.constant 48 : index
      %get3A_320 = tpu.vector_load %arg11[%get3A_319] {strides = array<i32>} : memref<80xi32, #tpu.memory_space<vmem>>, vector<16xi32>,
      %get3A_321 = vector.shape_cast %get3A_320 : vector<16xi32> to vector<16xi32>
      %sub3A_322 = vector.broadcast %mul3A_26 : i32 to vector<16xi32>
      %sub3A_323 = arith.subi %get3A_321, %sub3A_322 : vector<16xi32>
      %ge3A_324 = arith.constant 0 : i32
      %ge3A_325 = vector.broadcast %ge3A_324 : i32 to vector<16xi32>
      %ge3A_326 = arith.cmpi sge, %sub3A_323, %ge3A_325 : vector<16xi32>
      %lt3A_327 = arith.constant 5120 : i32
      %lt3A_328 = vector.broadcast %lt3A_327 : i32 to vector<16xi32>
      %lt3A_329 = arith.cmpi slt, %sub3A_323, %lt3A_328 : vector<16xi32>
      %and3A_330 = arith.andi %ge3A_326, %lt3A_329 : vector<16xi1>
      %select_n3A_331 = arith.select %and3A_330, %sub3A_323, %broadcast_in_dim3A_28 : vector<16xi1>, vector<16xi32>
      %swap3A_332 = arith.constant 0 : i32
      %swap3A_333 = arith.index_cast %swap3A_332 : i32 to index
      %swap3A_334 = arith.constant 48 : index
      %swap3A_335 = tpu.vector_load %arg12[%swap3A_333, %swap3A_334] {strides = array<i32>} : memref<1x80xi32, #tpu.memory_space<vmem>>, vector<1x16xi32>,
      %swap3A_336 = vector.shape_cast %swap3A_335 : vector<1x16xi32> to vector<16xi32>
      %swap3A_337 = vector.shape_cast %select_n3A_331 : vector<16xi32> to vector<1x16xi32>
      tpu.vector_store %arg12[%swap3A_333, %swap3A_334], %swap3A_337 {strides = array<i32>} : memref<1x80xi32, #tpu.memory_space<vmem>>, vector<1x16xi32>,
      %get3A_338 = arith.constant 64 : index
      %get3A_339 = tpu.vector_load %arg11[%get3A_338] {strides = array<i32>} : memref<80xi32, #tpu.memory_space<vmem>>, vector<16xi32>,
      %get3A_340 = vector.shape_cast %get3A_339 : vector<16xi32> to vector<16xi32>
      %sub3A_341 = vector.broadcast %mul3A_26 : i32 to vector<16xi32>
      %sub3A_342 = arith.subi %get3A_340, %sub3A_341 : vector<16xi32>
      %ge3A_343 = arith.constant 0 : i32
      %ge3A_344 = vector.broadcast %ge3A_343 : i32 to vector<16xi32>
      %ge3A_345 = arith.cmpi sge, %sub3A_342, %ge3A_344 : vector<16xi32>
      %lt3A_346 = arith.constant 5120 : i32
      %lt3A_347 = vector.broadcast %lt3A_346 : i32 to vector<16xi32>
      %lt3A_348 = arith.cmpi slt, %sub3A_342, %lt3A_347 : vector<16xi32>
      %and3A_349 = arith.andi %ge3A_345, %lt3A_348 : vector<16xi1>
      %select_n3A_350 = arith.select %and3A_349, %sub3A_342, %broadcast_in_dim3A_28 : vector<16xi1>, vector<16xi32>
      %swap3A_351 = arith.constant 0 : i32
      %swap3A_352 = arith.index_cast %swap3A_351 : i32 to index
      %swap3A_353 = arith.constant 64 : index
      %swap3A_354 = tpu.vector_load %arg12[%swap3A_352, %swap3A_353] {strides = array<i32>} : memref<1x80xi32, #tpu.memory_space<vmem>>, vector<1x16xi32>,
      %swap3A_355 = vector.shape_cast %swap3A_354 : vector<1x16xi32> to vector<16xi32>
      %swap3A_356 = vector.shape_cast %select_n3A_350 : vector<16xi32> to vector<1x16xi32>
      tpu.vector_store %arg12[%swap3A_352, %swap3A_353], %swap3A_356 {strides = array<i32>} : memref<1x80xi32, #tpu.memory_space<vmem>>, vector<1x16xi32>,
      %dma_wait3A_357 = arith.constant 0 : i32
      %dma_wait3A_358 = arith.constant 0 : i32
      %dma_wait3A_359 = tpu.memref_slice %arg2[%dma_wait3A_357, %dma_wait3A_358] : memref<10000x128xf32, #tpu.memory_space<hbm>> -> memref<10000x128xf32, #tpu.memory_space<hbm>>
      tpu.wait_indirect_dma semaphore(%arg21 : memref<!tpu.dma_semaphore, #tpu.memory_space<semaphore_mem>>) src(%dma_wait3A_359 : memref<10000x128xf32, #tpu.memory_space<hbm>>) dst(%arg13 : memref<80x128xf32, #tpu.memory_space<vmem>>)
      %dma_wait3A_360 = arith.constant 0 : i32
      %dma_wait3A_361 = arith.constant 0 : i32
      %dma_wait3A_362 = tpu.memref_slice %arg3[%dma_wait3A_360, %dma_wait3A_361] : memref<10000x128xf32, #tpu.memory_space<hbm>> -> memref<10000x128xf32, #tpu.memory_space<hbm>>
      tpu.wait_indirect_dma semaphore(%arg22 : memref<!tpu.dma_semaphore, #tpu.memory_space<semaphore_mem>>) src(%dma_wait3A_362 : memref<10000x128xf32, #tpu.memory_space<hbm>>) dst(%arg14 : memref<80x128xf32, #tpu.memory_space<vmem>>)
      %scan3A_363 = arith.constant 0 : i32
      %scan3A_364 = arith.constant 0 : i32
      %scan3A_365 = arith.constant 20 : i32
      %scan3A_366 = arith.addi %scan3A_364, %scan3A_365 : i32
      %scan3A_367 = arith.constant 1 : i32
      %scan3A_368 = scf.for %scan3A_372 = %scan3A_364 to %scan3A_366 step %scan3A_367 iter_args(%scan3A_373 = %scan3A_363) -> (i32)  : i32 {
        %mul3A_374 = arith.constant 16 : i32
        %mul3A_375 = arith.muli %mul3A_374, %scan3A_372 : i32
        %get3A_376 = arith.index_cast %mul3A_375 : i32 to index
        %get3A_377 = tpu.vector_load %arg15[%get3A_376] {strides = array<i32>} : memref<320xf32, #tpu.memory_space<vmem>>, vector<16xf32>,
        %get3A_378 = vector.shape_cast %get3A_377 : vector<16xf32> to vector<16xf32>
        %mul3A_379 = arith.constant 4 : i32
        %mul3A_380 = arith.muli %mul3A_379, %scan3A_372 : i32
        %add3A_381 = arith.constant 0 : i32
        %add3A_382 = arith.addi %mul3A_380, %add3A_381 : i32
        %slice3A = vector.extract_strided_slice %get3A_378 {offsets = [0], sizes = [1], strides = [1]} : vector<16xf32> to vector<1xf32>
        %squeeze3A = vector.extract %slice3A[0] : f32 from vector<1xf32>
        %slice3A_383 = vector.extract_strided_slice %get3A_378 {offsets = [1], sizes = [1], strides = [1]} : vector<16xf32> to vector<1xf32>
        %squeeze3A_384 = vector.extract %slice3A_383[0] : f32 from vector<1xf32>
        %slice3A_385 = vector.extract_strided_slice %get3A_378 {offsets = [2], sizes = [1], strides = [1]} : vector<16xf32> to vector<1xf32>
        %squeeze3A_386 = vector.extract %slice3A_385[0] : f32 from vector<1xf32>
        %slice3A_387 = vector.extract_strided_slice %get3A_378 {offsets = [3], sizes = [1], strides = [1]} : vector<16xf32> to vector<1xf32>
        %squeeze3A_388 = vector.extract %slice3A_387[0] : f32 from vector<1xf32>
        %mul3A_389 = vector.broadcast %squeeze3A : f32 to vector<16xf32>
        %mul3A_390 = arith.mulf %mul3A_389, %get3A_32 : vector<16xf32>
        %add3A_391 = arith.addf %get3A_52, %mul3A_390 : vector<16xf32>
        %mul3A_392 = vector.broadcast %squeeze3A_384 : f32 to vector<16xf32>
        %mul3A_393 = arith.mulf %mul3A_392, %get3A_37 : vector<16xf32>
        %add3A_394 = arith.addf %add3A_391, %mul3A_393 : vector<16xf32>
        %mul3A_395 = vector.broadcast %squeeze3A_386 : f32 to vector<16xf32>
        %mul3A_396 = arith.mulf %mul3A_395, %get3A_42 : vector<16xf32>
        %add3A_397 = arith.addf %add3A_394, %mul3A_396 : vector<16xf32>
        %mul3A_398 = vector.broadcast %squeeze3A_388 : f32 to vector<16xf32>
        %mul3A_399 = arith.mulf %mul3A_398, %get3A_47 : vector<16xf32>
        %add3A_400 = arith.addf %add3A_397, %mul3A_399 : vector<16xf32>
        %get3A_401 = arith.index_cast %add3A_382 : i32 to index
        %get3A_402 = arith.constant 0 : index
        %get3A_403 = tpu.vector_load %arg13[%get3A_401, %get3A_402] {strides = array<i32>} : memref<80x128xf32, #tpu.memory_space<vmem>>, vector<1x16xf32>,
        %get3A_404 = vector.shape_cast %get3A_403 : vector<1x16xf32> to vector<16xf32>
        %get3A_405 = arith.index_cast %add3A_382 : i32 to index
        %get3A_406 = arith.constant 0 : index
        %get3A_407 = tpu.vector_load %arg14[%get3A_405, %get3A_406] {strides = array<i32>} : memref<80x128xf32, #tpu.memory_space<vmem>>, vector<1x16xf32>,
        %get3A_408 = vector.shape_cast %get3A_407 : vector<1x16xf32> to vector<16xf32>
        %add3A_409 = arith.addf %get3A_404, %get3A_408 : vector<16xf32>
        %add3A_410 = arith.addf %add3A_409, %add3A_400 : vector<16xf32>
        %max3A = arith.constant 0.000000e+00 : f32
        %max3A_411 = vector.broadcast %max3A : f32 to vector<16xf32>
        %max3A_412 = arith.maximumf %add3A_410, %max3A_411 : vector<16xf32>
        %swap3A_413 = arith.index_cast %add3A_382 : i32 to index
        %swap3A_414 = arith.constant 0 : index
        %swap3A_415 = tpu.vector_load %arg13[%swap3A_413, %swap3A_414] {strides = array<i32>} : memref<80x128xf32, #tpu.memory_space<vmem>>, vector<1x16xf32>,
        %swap3A_416 = vector.shape_cast %swap3A_415 : vector<1x16xf32> to vector<16xf32>
        %swap3A_417 = vector.shape_cast %max3A_412 : vector<16xf32> to vector<1x16xf32>
        tpu.vector_store %arg13[%swap3A_413, %swap3A_414], %swap3A_417 {strides = array<i32>} : memref<80x128xf32, #tpu.memory_space<vmem>>, vector<1x16xf32>,
        %mul3A_418 = vector.broadcast %squeeze3A : f32 to vector<16xf32>
        %mul3A_419 = arith.mulf %mul3A_418, %get3A_57 : vector<16xf32>
        %add3A_420 = arith.addf %get3A_77, %mul3A_419 : vector<16xf32>
        %mul3A_421 = vector.broadcast %squeeze3A_384 : f32 to vector<16xf32>
        %mul3A_422 = arith.mulf %mul3A_421, %get3A_62 : vector<16xf32>
        %add3A_423 = arith.addf %add3A_420, %mul3A_422 : vector<16xf32>
        %mul3A_424 = vector.broadcast %squeeze3A_386 : f32 to vector<16xf32>
        %mul3A_425 = arith.mulf %mul3A_424, %get3A_67 : vector<16xf32>
        %add3A_426 = arith.addf %add3A_423, %mul3A_425 : vector<16xf32>
        %mul3A_427 = vector.broadcast %squeeze3A_388 : f32 to vector<16xf32>
        %mul3A_428 = arith.mulf %mul3A_427, %get3A_72 : vector<16xf32>
        %add3A_429 = arith.addf %add3A_426, %mul3A_428 : vector<16xf32>
        %get3A_430 = arith.index_cast %add3A_382 : i32 to index
        %get3A_431 = arith.constant 16 : index
        %get3A_432 = tpu.vector_load %arg13[%get3A_430, %get3A_431] {strides = array<i32>} : memref<80x128xf32, #tpu.memory_space<vmem>>, vector<1x16xf32>,
        %get3A_433 = vector.shape_cast %get3A_432 : vector<1x16xf32> to vector<16xf32>
        %get3A_434 = arith.index_cast %add3A_382 : i32 to index
        %get3A_435 = arith.constant 16 : index
        %get3A_436 = tpu.vector_load %arg14[%get3A_434, %get3A_435] {strides = array<i32>} : memref<80x128xf32, #tpu.memory_space<vmem>>, vector<1x16xf32>,
        %get3A_437 = vector.shape_cast %get3A_436 : vector<1x16xf32> to vector<16xf32>
        %add3A_438 = arith.addf %get3A_433, %get3A_437 : vector<16xf32>
        %add3A_439 = arith.addf %add3A_438, %add3A_429 : vector<16xf32>
        %max3A_440 = arith.constant 0.000000e+00 : f32
        %max3A_441 = vector.broadcast %max3A_440 : f32 to vector<16xf32>
        %max3A_442 = arith.maximumf %add3A_439, %max3A_441 : vector<16xf32>
        %swap3A_443 = arith.index_cast %add3A_382 : i32 to index
        %swap3A_444 = arith.constant 16 : index
        %swap3A_445 = tpu.vector_load %arg13[%swap3A_443, %swap3A_444] {strides = array<i32>} : memref<80x128xf32, #tpu.memory_space<vmem>>, vector<1x16xf32>,
        %swap3A_446 = vector.shape_cast %swap3A_445 : vector<1x16xf32> to vector<16xf32>
        %swap3A_447 = vector.shape_cast %max3A_442 : vector<16xf32> to vector<1x16xf32>
        tpu.vector_store %arg13[%swap3A_443, %swap3A_444], %swap3A_447 {strides = array<i32>} : memref<80x128xf32, #tpu.memory_space<vmem>>, vector<1x16xf32>,
        %mul3A_448 = vector.broadcast %squeeze3A : f32 to vector<16xf32>
        %mul3A_449 = arith.mulf %mul3A_448, %get3A_82 : vector<16xf32>
        %add3A_450 = arith.addf %get3A_102, %mul3A_449 : vector<16xf32>
        %mul3A_451 = vector.broadcast %squeeze3A_384 : f32 to vector<16xf32>
        %mul3A_452 = arith.mulf %mul3A_451, %get3A_87 : vector<16xf32>
        %add3A_453 = arith.addf %add3A_450, %mul3A_452 : vector<16xf32>
        %mul3A_454 = vector.broadcast %squeeze3A_386 : f32 to vector<16xf32>
        %mul3A_455 = arith.mulf %mul3A_454, %get3A_92 : vector<16xf32>
        %add3A_456 = arith.addf %add3A_453, %mul3A_455 : vector<16xf32>
        %mul3A_457 = vector.broadcast %squeeze3A_388 : f32 to vector<16xf32>
        %mul3A_458 = arith.mulf %mul3A_457, %get3A_97 : vector<16xf32>
        %add3A_459 = arith.addf %add3A_456, %mul3A_458 : vector<16xf32>
        %get3A_460 = arith.index_cast %add3A_382 : i32 to index
        %get3A_461 = arith.constant 32 : index
        %get3A_462 = tpu.vector_load %arg13[%get3A_460, %get3A_461] {strides = array<i32>} : memref<80x128xf32, #tpu.memory_space<vmem>>, vector<1x16xf32>,
        %get3A_463 = vector.shape_cast %get3A_462 : vector<1x16xf32> to vector<16xf32>
        %get3A_464 = arith.index_cast %add3A_382 : i32 to index
        %get3A_465 = arith.constant 32 : index
        %get3A_466 = tpu.vector_load %arg14[%get3A_464, %get3A_465] {strides = array<i32>} : memref<80x128xf32, #tpu.memory_space<vmem>>, vector<1x16xf32>,
        %get3A_467 = vector.shape_cast %get3A_466 : vector<1x16xf32> to vector<16xf32>
        %add3A_468 = arith.addf %get3A_463, %get3A_467 : vector<16xf32>
        %add3A_469 = arith.addf %add3A_468, %add3A_459 : vector<16xf32>
        %max3A_470 = arith.constant 0.000000e+00 : f32
        %max3A_471 = vector.broadcast %max3A_470 : f32 to vector<16xf32>
        %max3A_472 = arith.maximumf %add3A_469, %max3A_471 : vector<16xf32>
        %swap3A_473 = arith.index_cast %add3A_382 : i32 to index
        %swap3A_474 = arith.constant 32 : index
        %swap3A_475 = tpu.vector_load %arg13[%swap3A_473, %swap3A_474] {strides = array<i32>} : memref<80x128xf32, #tpu.memory_space<vmem>>, vector<1x16xf32>,
        %swap3A_476 = vector.shape_cast %swap3A_475 : vector<1x16xf32> to vector<16xf32>
        %swap3A_477 = vector.shape_cast %max3A_472 : vector<16xf32> to vector<1x16xf32>
        tpu.vector_store %arg13[%swap3A_473, %swap3A_474], %swap3A_477 {strides = array<i32>} : memref<80x128xf32, #tpu.memory_space<vmem>>, vector<1x16xf32>,
        %mul3A_478 = vector.broadcast %squeeze3A : f32 to vector<16xf32>
        %mul3A_479 = arith.mulf %mul3A_478, %get3A_107 : vector<16xf32>
        %add3A_480 = arith.addf %get3A_127, %mul3A_479 : vector<16xf32>
        %mul3A_481 = vector.broadcast %squeeze3A_384 : f32 to vector<16xf32>
        %mul3A_482 = arith.mulf %mul3A_481, %get3A_112 : vector<16xf32>
        %add3A_483 = arith.addf %add3A_480, %mul3A_482 : vector<16xf32>
        %mul3A_484 = vector.broadcast %squeeze3A_386 : f32 to vector<16xf32>
        %mul3A_485 = arith.mulf %mul3A_484, %get3A_117 : vector<16xf32>
        %add3A_486 = arith.addf %add3A_483, %mul3A_485 : vector<16xf32>
        %mul3A_487 = vector.broadcast %squeeze3A_388 : f32 to vector<16xf32>
        %mul3A_488 = arith.mulf %mul3A_487, %get3A_122 : vector<16xf32>
        %add3A_489 = arith.addf %add3A_486, %mul3A_488 : vector<16xf32>
        %get3A_490 = arith.index_cast %add3A_382 : i32 to index
        %get3A_491 = arith.constant 48 : index
        %get3A_492 = tpu.vector_load %arg13[%get3A_490, %get3A_491] {strides = array<i32>} : memref<80x128xf32, #tpu.memory_space<vmem>>, vector<1x16xf32>,
        %get3A_493 = vector.shape_cast %get3A_492 : vector<1x16xf32> to vector<16xf32>
        %get3A_494 = arith.index_cast %add3A_382 : i32 to index
        %get3A_495 = arith.constant 48 : index
        %get3A_496 = tpu.vector_load %arg14[%get3A_494, %get3A_495] {strides = array<i32>} : memref<80x128xf32, #tpu.memory_space<vmem>>, vector<1x16xf32>,
        %get3A_497 = vector.shape_cast %get3A_496 : vector<1x16xf32> to vector<16xf32>
        %add3A_498 = arith.addf %get3A_493, %get3A_497 : vector<16xf32>
        %add3A_499 = arith.addf %add3A_498, %add3A_489 : vector<16xf32>
        %max3A_500 = arith.constant 0.000000e+00 : f32
        %max3A_501 = vector.broadcast %max3A_500 : f32 to vector<16xf32>
        %max3A_502 = arith.maximumf %add3A_499, %max3A_501 : vector<16xf32>
        %swap3A_503 = arith.index_cast %add3A_382 : i32 to index
        %swap3A_504 = arith.constant 48 : index
        %swap3A_505 = tpu.vector_load %arg13[%swap3A_503, %swap3A_504] {strides = array<i32>} : memref<80x128xf32, #tpu.memory_space<vmem>>, vector<1x16xf32>,
        %swap3A_506 = vector.shape_cast %swap3A_505 : vector<1x16xf32> to vector<16xf32>
        %swap3A_507 = vector.shape_cast %max3A_502 : vector<16xf32> to vector<1x16xf32>
        tpu.vector_store %arg13[%swap3A_503, %swap3A_504], %swap3A_507 {strides = array<i32>} : memref<80x128xf32, #tpu.memory_space<vmem>>, vector<1x16xf32>,
        %mul3A_508 = vector.broadcast %squeeze3A : f32 to vector<16xf32>
        %mul3A_509 = arith.mulf %mul3A_508, %get3A_132 : vector<16xf32>
        %add3A_510 = arith.addf %get3A_152, %mul3A_509 : vector<16xf32>
        %mul3A_511 = vector.broadcast %squeeze3A_384 : f32 to vector<16xf32>
        %mul3A_512 = arith.mulf %mul3A_511, %get3A_137 : vector<16xf32>
        %add3A_513 = arith.addf %add3A_510, %mul3A_512 : vector<16xf32>
        %mul3A_514 = vector.broadcast %squeeze3A_386 : f32 to vector<16xf32>
        %mul3A_515 = arith.mulf %mul3A_514, %get3A_142 : vector<16xf32>
        %add3A_516 = arith.addf %add3A_513, %mul3A_515 : vector<16xf32>
        %mul3A_517 = vector.broadcast %squeeze3A_388 : f32 to vector<16xf32>
        %mul3A_518 = arith.mulf %mul3A_517, %get3A_147 : vector<16xf32>
        %add3A_519 = arith.addf %add3A_516, %mul3A_518 : vector<16xf32>
        %get3A_520 = arith.index_cast %add3A_382 : i32 to index
        %get3A_521 = arith.constant 64 : index
        %get3A_522 = tpu.vector_load %arg13[%get3A_520, %get3A_521] {strides = array<i32>} : memref<80x128xf32, #tpu.memory_space<vmem>>, vector<1x16xf32>,
        %get3A_523 = vector.shape_cast %get3A_522 : vector<1x16xf32> to vector<16xf32>
        %get3A_524 = arith.index_cast %add3A_382 : i32 to index
        %get3A_525 = arith.constant 64 : index
        %get3A_526 = tpu.vector_load %arg14[%get3A_524, %get3A_525] {strides = array<i32>} : memref<80x128xf32, #tpu.memory_space<vmem>>, vector<1x16xf32>,
        %get3A_527 = vector.shape_cast %get3A_526 : vector<1x16xf32> to vector<16xf32>
        %add3A_528 = arith.addf %get3A_523, %get3A_527 : vector<16xf32>
        %add3A_529 = arith.addf %add3A_528, %add3A_519 : vector<16xf32>
        %max3A_530 = arith.constant 0.000000e+00 : f32
        %max3A_531 = vector.broadcast %max3A_530 : f32 to vector<16xf32>
        %max3A_532 = arith.maximumf %add3A_529, %max3A_531 : vector<16xf32>
        %swap3A_533 = arith.index_cast %add3A_382 : i32 to index
        %swap3A_534 = arith.constant 64 : index
        %swap3A_535 = tpu.vector_load %arg13[%swap3A_533, %swap3A_534] {strides = array<i32>} : memref<80x128xf32, #tpu.memory_space<vmem>>, vector<1x16xf32>,
        %swap3A_536 = vector.shape_cast %swap3A_535 : vector<1x16xf32> to vector<16xf32>
        %swap3A_537 = vector.shape_cast %max3A_532 : vector<16xf32> to vector<1x16xf32>
        tpu.vector_store %arg13[%swap3A_533, %swap3A_534], %swap3A_537 {strides = array<i32>} : memref<80x128xf32, #tpu.memory_space<vmem>>, vector<1x16xf32>,
        %mul3A_538 = vector.broadcast %squeeze3A : f32 to vector<16xf32>
        %mul3A_539 = arith.mulf %mul3A_538, %get3A_157 : vector<16xf32>
        %add3A_540 = arith.addf %get3A_177, %mul3A_539 : vector<16xf32>
        %mul3A_541 = vector.broadcast %squeeze3A_384 : f32 to vector<16xf32>
        %mul3A_542 = arith.mulf %mul3A_541, %get3A_162 : vector<16xf32>
        %add3A_543 = arith.addf %add3A_540, %mul3A_542 : vector<16xf32>
        %mul3A_544 = vector.broadcast %squeeze3A_386 : f32 to vector<16xf32>
        %mul3A_545 = arith.mulf %mul3A_544, %get3A_167 : vector<16xf32>
        %add3A_546 = arith.addf %add3A_543, %mul3A_545 : vector<16xf32>
        %mul3A_547 = vector.broadcast %squeeze3A_388 : f32 to vector<16xf32>
        %mul3A_548 = arith.mulf %mul3A_547, %get3A_172 : vector<16xf32>
        %add3A_549 = arith.addf %add3A_546, %mul3A_548 : vector<16xf32>
        %get3A_550 = arith.index_cast %add3A_382 : i32 to index
        %get3A_551 = arith.constant 80 : index
        %get3A_552 = tpu.vector_load %arg13[%get3A_550, %get3A_551] {strides = array<i32>} : memref<80x128xf32, #tpu.memory_space<vmem>>, vector<1x16xf32>,
        %get3A_553 = vector.shape_cast %get3A_552 : vector<1x16xf32> to vector<16xf32>
        %get3A_554 = arith.index_cast %add3A_382 : i32 to index
        %get3A_555 = arith.constant 80 : index
        %get3A_556 = tpu.vector_load %arg14[%get3A_554, %get3A_555] {strides = array<i32>} : memref<80x128xf32, #tpu.memory_space<vmem>>, vector<1x16xf32>,
        %get3A_557 = vector.shape_cast %get3A_556 : vector<1x16xf32> to vector<16xf32>
        %add3A_558 = arith.addf %get3A_553, %get3A_557 : vector<16xf32>
        %add3A_559 = arith.addf %add3A_558, %add3A_549 : vector<16xf32>
        %max3A_560 = arith.constant 0.000000e+00 : f32
        %max3A_561 = vector.broadcast %max3A_560 : f32 to vector<16xf32>
        %max3A_562 = arith.maximumf %add3A_559, %max3A_561 : vector<16xf32>
        %swap3A_563 = arith.index_cast %add3A_382 : i32 to index
        %swap3A_564 = arith.constant 80 : index
        %swap3A_565 = tpu.vector_load %arg13[%swap3A_563, %swap3A_564] {strides = array<i32>} : memref<80x128xf32, #tpu.memory_space<vmem>>, vector<1x16xf32>,
        %swap3A_566 = vector.shape_cast %swap3A_565 : vector<1x16xf32> to vector<16xf32>
        %swap3A_567 = vector.shape_cast %max3A_562 : vector<16xf32> to vector<1x16xf32>
        tpu.vector_store %arg13[%swap3A_563, %swap3A_564], %swap3A_567 {strides = array<i32>} : memref<80x128xf32, #tpu.memory_space<vmem>>, vector<1x16xf32>,
        %mul3A_568 = vector.broadcast %squeeze3A : f32 to vector<16xf32>
        %mul3A_569 = arith.mulf %mul3A_568, %get3A_182 : vector<16xf32>
        %add3A_570 = arith.addf %get3A_202, %mul3A_569 : vector<16xf32>
        %mul3A_571 = vector.broadcast %squeeze3A_384 : f32 to vector<16xf32>
        %mul3A_572 = arith.mulf %mul3A_571, %get3A_187 : vector<16xf32>
        %add3A_573 = arith.addf %add3A_570, %mul3A_572 : vector<16xf32>
        %mul3A_574 = vector.broadcast %squeeze3A_386 : f32 to vector<16xf32>
        %mul3A_575 = arith.mulf %mul3A_574, %get3A_192 : vector<16xf32>
        %add3A_576 = arith.addf %add3A_573, %mul3A_575 : vector<16xf32>
        %mul3A_577 = vector.broadcast %squeeze3A_388 : f32 to vector<16xf32>
        %mul3A_578 = arith.mulf %mul3A_577, %get3A_197 : vector<16xf32>
        %add3A_579 = arith.addf %add3A_576, %mul3A_578 : vector<16xf32>
        %get3A_580 = arith.index_cast %add3A_382 : i32 to index
        %get3A_581 = arith.constant 96 : index
        %get3A_582 = tpu.vector_load %arg13[%get3A_580, %get3A_581] {strides = array<i32>} : memref<80x128xf32, #tpu.memory_space<vmem>>, vector<1x16xf32>,
        %get3A_583 = vector.shape_cast %get3A_582 : vector<1x16xf32> to vector<16xf32>
        %get3A_584 = arith.index_cast %add3A_382 : i32 to index
        %get3A_585 = arith.constant 96 : index
        %get3A_586 = tpu.vector_load %arg14[%get3A_584, %get3A_585] {strides = array<i32>} : memref<80x128xf32, #tpu.memory_space<vmem>>, vector<1x16xf32>,
        %get3A_587 = vector.shape_cast %get3A_586 : vector<1x16xf32> to vector<16xf32>
        %add3A_588 = arith.addf %get3A_583, %get3A_587 : vector<16xf32>
        %add3A_589 = arith.addf %add3A_588, %add3A_579 : vector<16xf32>
        %max3A_590 = arith.constant 0.000000e+00 : f32
        %max3A_591 = vector.broadcast %max3A_590 : f32 to vector<16xf32>
        %max3A_592 = arith.maximumf %add3A_589, %max3A_591 : vector<16xf32>
        %swap3A_593 = arith.index_cast %add3A_382 : i32 to index
        %swap3A_594 = arith.constant 96 : index
        %swap3A_595 = tpu.vector_load %arg13[%swap3A_593, %swap3A_594] {strides = array<i32>} : memref<80x128xf32, #tpu.memory_space<vmem>>, vector<1x16xf32>,
        %swap3A_596 = vector.shape_cast %swap3A_595 : vector<1x16xf32> to vector<16xf32>
        %swap3A_597 = vector.shape_cast %max3A_592 : vector<16xf32> to vector<1x16xf32>
        tpu.vector_store %arg13[%swap3A_593, %swap3A_594], %swap3A_597 {strides = array<i32>} : memref<80x128xf32, #tpu.memory_space<vmem>>, vector<1x16xf32>,
        %mul3A_598 = vector.broadcast %squeeze3A : f32 to vector<16xf32>
        %mul3A_599 = arith.mulf %mul3A_598, %get3A_207 : vector<16xf32>
        %add3A_600 = arith.addf %get3A_227, %mul3A_599 : vector<16xf32>
        %mul3A_601 = vector.broadcast %squeeze3A_384 : f32 to vector<16xf32>
        %mul3A_602 = arith.mulf %mul3A_601, %get3A_212 : vector<16xf32>
        %add3A_603 = arith.addf %add3A_600, %mul3A_602 : vector<16xf32>
        %mul3A_604 = vector.broadcast %squeeze3A_386 : f32 to vector<16xf32>
        %mul3A_605 = arith.mulf %mul3A_604, %get3A_217 : vector<16xf32>
        %add3A_606 = arith.addf %add3A_603, %mul3A_605 : vector<16xf32>
        %mul3A_607 = vector.broadcast %squeeze3A_388 : f32 to vector<16xf32>
        %mul3A_608 = arith.mulf %mul3A_607, %get3A_222 : vector<16xf32>
        %add3A_609 = arith.addf %add3A_606, %mul3A_608 : vector<16xf32>
        %get3A_610 = arith.index_cast %add3A_382 : i32 to index
        %get3A_611 = arith.constant 112 : index
        %get3A_612 = tpu.vector_load %arg13[%get3A_610, %get3A_611] {strides = array<i32>} : memref<80x128xf32, #tpu.memory_space<vmem>>, vector<1x16xf32>,
        %get3A_613 = vector.shape_cast %get3A_612 : vector<1x16xf32> to vector<16xf32>
        %get3A_614 = arith.index_cast %add3A_382 : i32 to index
        %get3A_615 = arith.constant 112 : index
        %get3A_616 = tpu.vector_load %arg14[%get3A_614, %get3A_615] {strides = array<i32>} : memref<80x128xf32, #tpu.memory_space<vmem>>, vector<1x16xf32>,
        %get3A_617 = vector.shape_cast %get3A_616 : vector<1x16xf32> to vector<16xf32>
        %add3A_618 = arith.addf %get3A_613, %get3A_617 : vector<16xf32>
        %add3A_619 = arith.addf %add3A_618, %add3A_609 : vector<16xf32>
        %max3A_620 = arith.constant 0.000000e+00 : f32
        %max3A_621 = vector.broadcast %max3A_620 : f32 to vector<16xf32>
        %max3A_622 = arith.maximumf %add3A_619, %max3A_621 : vector<16xf32>
        %swap3A_623 = arith.index_cast %add3A_382 : i32 to index
        %swap3A_624 = arith.constant 112 : index
        %swap3A_625 = tpu.vector_load %arg13[%swap3A_623, %swap3A_624] {strides = array<i32>} : memref<80x128xf32, #tpu.memory_space<vmem>>, vector<1x16xf32>,
        %swap3A_626 = vector.shape_cast %swap3A_625 : vector<1x16xf32> to vector<16xf32>
        %swap3A_627 = vector.shape_cast %max3A_622 : vector<16xf32> to vector<1x16xf32>
        tpu.vector_store %arg13[%swap3A_623, %swap3A_624], %swap3A_627 {strides = array<i32>} : memref<80x128xf32, #tpu.memory_space<vmem>>, vector<1x16xf32>,
        %mul3A_628 = arith.constant 4 : i32
        %mul3A_629 = arith.muli %mul3A_628, %scan3A_372 : i32
        %add3A_630 = arith.constant 1 : i32
        %add3A_631 = arith.addi %mul3A_629, %add3A_630 : i32
        %slice3A_632 = vector.extract_strided_slice %get3A_378 {offsets = [4], sizes = [1], strides = [1]} : vector<16xf32> to vector<1xf32>
        %squeeze3A_633 = vector.extract %slice3A_632[0] : f32 from vector<1xf32>
        %slice3A_634 = vector.extract_strided_slice %get3A_378 {offsets = [5], sizes = [1], strides = [1]} : vector<16xf32> to vector<1xf32>
        %squeeze3A_635 = vector.extract %slice3A_634[0] : f32 from vector<1xf32>
        %slice3A_636 = vector.extract_strided_slice %get3A_378 {offsets = [6], sizes = [1], strides = [1]} : vector<16xf32> to vector<1xf32>
        %squeeze3A_637 = vector.extract %slice3A_636[0] : f32 from vector<1xf32>
        %slice3A_638 = vector.extract_strided_slice %get3A_378 {offsets = [7], sizes = [1], strides = [1]} : vector<16xf32> to vector<1xf32>
        %squeeze3A_639 = vector.extract %slice3A_638[0] : f32 from vector<1xf32>
        %mul3A_640 = vector.broadcast %squeeze3A_633 : f32 to vector<16xf32>
        %mul3A_641 = arith.mulf %mul3A_640, %get3A_32 : vector<16xf32>
        %add3A_642 = arith.addf %get3A_52, %mul3A_641 : vector<16xf32>
        %mul3A_643 = vector.broadcast %squeeze3A_635 : f32 to vector<16xf32>
        %mul3A_644 = arith.mulf %mul3A_643, %get3A_37 : vector<16xf32>
        %add3A_645 = arith.addf %add3A_642, %mul3A_644 : vector<16xf32>
        %mul3A_646 = vector.broadcast %squeeze3A_637 : f32 to vector<16xf32>
        %mul3A_647 = arith.mulf %mul3A_646, %get3A_42 : vector<16xf32>
        %add3A_648 = arith.addf %add3A_645, %mul3A_647 : vector<16xf32>
        %mul3A_649 = vector.broadcast %squeeze3A_639 : f32 to vector<16xf32>
        %mul3A_650 = arith.mulf %mul3A_649, %get3A_47 : vector<16xf32>
        %add3A_651 = arith.addf %add3A_648, %mul3A_650 : vector<16xf32>
        %get3A_652 = arith.index_cast %add3A_631 : i32 to index
        %get3A_653 = arith.constant 0 : index
        %get3A_654 = tpu.vector_load %arg13[%get3A_652, %get3A_653] {strides = array<i32>} : memref<80x128xf32, #tpu.memory_space<vmem>>, vector<1x16xf32>,
        %get3A_655 = vector.shape_cast %get3A_654 : vector<1x16xf32> to vector<16xf32>
        %get3A_656 = arith.index_cast %add3A_631 : i32 to index
        %get3A_657 = arith.constant 0 : index
        %get3A_658 = tpu.vector_load %arg14[%get3A_656, %get3A_657] {strides = array<i32>} : memref<80x128xf32, #tpu.memory_space<vmem>>, vector<1x16xf32>,
        %get3A_659 = vector.shape_cast %get3A_658 : vector<1x16xf32> to vector<16xf32>
        %add3A_660 = arith.addf %get3A_655, %get3A_659 : vector<16xf32>
        %add3A_661 = arith.addf %add3A_660, %add3A_651 : vector<16xf32>
        %max3A_662 = arith.constant 0.000000e+00 : f32
        %max3A_663 = vector.broadcast %max3A_662 : f32 to vector<16xf32>
        %max3A_664 = arith.maximumf %add3A_661, %max3A_663 : vector<16xf32>
        %swap3A_665 = arith.index_cast %add3A_631 : i32 to index
        %swap3A_666 = arith.constant 0 : index
        %swap3A_667 = tpu.vector_load %arg13[%swap3A_665, %swap3A_666] {strides = array<i32>} : memref<80x128xf32, #tpu.memory_space<vmem>>, vector<1x16xf32>,
        %swap3A_668 = vector.shape_cast %swap3A_667 : vector<1x16xf32> to vector<16xf32>
        %swap3A_669 = vector.shape_cast %max3A_664 : vector<16xf32> to vector<1x16xf32>
        tpu.vector_store %arg13[%swap3A_665, %swap3A_666], %swap3A_669 {strides = array<i32>} : memref<80x128xf32, #tpu.memory_space<vmem>>, vector<1x16xf32>,
        %mul3A_670 = vector.broadcast %squeeze3A_633 : f32 to vector<16xf32>
        %mul3A_671 = arith.mulf %mul3A_670, %get3A_57 : vector<16xf32>
        %add3A_672 = arith.addf %get3A_77, %mul3A_671 : vector<16xf32>
        %mul3A_673 = vector.broadcast %squeeze3A_635 : f32 to vector<16xf32>
        %mul3A_674 = arith.mulf %mul3A_673, %get3A_62 : vector<16xf32>
        %add3A_675 = arith.addf %add3A_672, %mul3A_674 : vector<16xf32>
        %mul3A_676 = vector.broadcast %squeeze3A_637 : f32 to vector<16xf32>
        %mul3A_677 = arith.mulf %mul3A_676, %get3A_67 : vector<16xf32>
        %add3A_678 = arith.addf %add3A_675, %mul3A_677 : vector<16xf32>
        %mul3A_679 = vector.broadcast %squeeze3A_639 : f32 to vector<16xf32>
        %mul3A_680 = arith.mulf %mul3A_679, %get3A_72 : vector<16xf32>
        %add3A_681 = arith.addf %add3A_678, %mul3A_680 : vector<16xf32>
        %get3A_682 = arith.index_cast %add3A_631 : i32 to index
        %get3A_683 = arith.constant 16 : index
        %get3A_684 = tpu.vector_load %arg13[%get3A_682, %get3A_683] {strides = array<i32>} : memref<80x128xf32, #tpu.memory_space<vmem>>, vector<1x16xf32>,
        %get3A_685 = vector.shape_cast %get3A_684 : vector<1x16xf32> to vector<16xf32>
        %get3A_686 = arith.index_cast %add3A_631 : i32 to index
        %get3A_687 = arith.constant 16 : index
        %get3A_688 = tpu.vector_load %arg14[%get3A_686, %get3A_687] {strides = array<i32>} : memref<80x128xf32, #tpu.memory_space<vmem>>, vector<1x16xf32>,
        %get3A_689 = vector.shape_cast %get3A_688 : vector<1x16xf32> to vector<16xf32>
        %add3A_690 = arith.addf %get3A_685, %get3A_689 : vector<16xf32>
        %add3A_691 = arith.addf %add3A_690, %add3A_681 : vector<16xf32>
        %max3A_692 = arith.constant 0.000000e+00 : f32
        %max3A_693 = vector.broadcast %max3A_692 : f32 to vector<16xf32>
        %max3A_694 = arith.maximumf %add3A_691, %max3A_693 : vector<16xf32>
        %swap3A_695 = arith.index_cast %add3A_631 : i32 to index
        %swap3A_696 = arith.constant 16 : index
        %swap3A_697 = tpu.vector_load %arg13[%swap3A_695, %swap3A_696] {strides = array<i32>} : memref<80x128xf32, #tpu.memory_space<vmem>>, vector<1x16xf32>,
        %swap3A_698 = vector.shape_cast %swap3A_697 : vector<1x16xf32> to vector<16xf32>
        %swap3A_699 = vector.shape_cast %max3A_694 : vector<16xf32> to vector<1x16xf32>
        tpu.vector_store %arg13[%swap3A_695, %swap3A_696], %swap3A_699 {strides = array<i32>} : memref<80x128xf32, #tpu.memory_space<vmem>>, vector<1x16xf32>,
        %mul3A_700 = vector.broadcast %squeeze3A_633 : f32 to vector<16xf32>
        %mul3A_701 = arith.mulf %mul3A_700, %get3A_82 : vector<16xf32>
        %add3A_702 = arith.addf %get3A_102, %mul3A_701 : vector<16xf32>
        %mul3A_703 = vector.broadcast %squeeze3A_635 : f32 to vector<16xf32>
        %mul3A_704 = arith.mulf %mul3A_703, %get3A_87 : vector<16xf32>
        %add3A_705 = arith.addf %add3A_702, %mul3A_704 : vector<16xf32>
        %mul3A_706 = vector.broadcast %squeeze3A_637 : f32 to vector<16xf32>
        %mul3A_707 = arith.mulf %mul3A_706, %get3A_92 : vector<16xf32>
        %add3A_708 = arith.addf %add3A_705, %mul3A_707 : vector<16xf32>
        %mul3A_709 = vector.broadcast %squeeze3A_639 : f32 to vector<16xf32>
        %mul3A_710 = arith.mulf %mul3A_709, %get3A_97 : vector<16xf32>
        %add3A_711 = arith.addf %add3A_708, %mul3A_710 : vector<16xf32>
        %get3A_712 = arith.index_cast %add3A_631 : i32 to index
        %get3A_713 = arith.constant 32 : index
        %get3A_714 = tpu.vector_load %arg13[%get3A_712, %get3A_713] {strides = array<i32>} : memref<80x128xf32, #tpu.memory_space<vmem>>, vector<1x16xf32>,
        %get3A_715 = vector.shape_cast %get3A_714 : vector<1x16xf32> to vector<16xf32>
        %get3A_716 = arith.index_cast %add3A_631 : i32 to index
        %get3A_717 = arith.constant 32 : index
        %get3A_718 = tpu.vector_load %arg14[%get3A_716, %get3A_717] {strides = array<i32>} : memref<80x128xf32, #tpu.memory_space<vmem>>, vector<1x16xf32>,
        %get3A_719 = vector.shape_cast %get3A_718 : vector<1x16xf32> to vector<16xf32>
        %add3A_720 = arith.addf %get3A_715, %get3A_719 : vector<16xf32>
        %add3A_721 = arith.addf %add3A_720, %add3A_711 : vector<16xf32>
        %max3A_722 = arith.constant 0.000000e+00 : f32
        %max3A_723 = vector.broadcast %max3A_722 : f32 to vector<16xf32>
        %max3A_724 = arith.maximumf %add3A_721, %max3A_723 : vector<16xf32>
        %swap3A_725 = arith.index_cast %add3A_631 : i32 to index
        %swap3A_726 = arith.constant 32 : index
        %swap3A_727 = tpu.vector_load %arg13[%swap3A_725, %swap3A_726] {strides = array<i32>} : memref<80x128xf32, #tpu.memory_space<vmem>>, vector<1x16xf32>,
        %swap3A_728 = vector.shape_cast %swap3A_727 : vector<1x16xf32> to vector<16xf32>
        %swap3A_729 = vector.shape_cast %max3A_724 : vector<16xf32> to vector<1x16xf32>
        tpu.vector_store %arg13[%swap3A_725, %swap3A_726], %swap3A_729 {strides = array<i32>} : memref<80x128xf32, #tpu.memory_space<vmem>>, vector<1x16xf32>,
        %mul3A_730 = vector.broadcast %squeeze3A_633 : f32 to vector<16xf32>
        %mul3A_731 = arith.mulf %mul3A_730, %get3A_107 : vector<16xf32>
        %add3A_732 = arith.addf %get3A_127, %mul3A_731 : vector<16xf32>
        %mul3A_733 = vector.broadcast %squeeze3A_635 : f32 to vector<16xf32>
        %mul3A_734 = arith.mulf %mul3A_733, %get3A_112 : vector<16xf32>
        %add3A_735 = arith.addf %add3A_732, %mul3A_734 : vector<16xf32>
        %mul3A_736 = vector.broadcast %squeeze3A_637 : f32 to vector<16xf32>
        %mul3A_737 = arith.mulf %mul3A_736, %get3A_117 : vector<16xf32>
        %add3A_738 = arith.addf %add3A_735, %mul3A_737 : vector<16xf32>
        %mul3A_739 = vector.broadcast %squeeze3A_639 : f32 to vector<16xf32>
        %mul3A_740 = arith.mulf %mul3A_739, %get3A_122 : vector<16xf32>
        %add3A_741 = arith.addf %add3A_738, %mul3A_740 : vector<16xf32>
        %get3A_742 = arith.index_cast %add3A_631 : i32 to index
        %get3A_743 = arith.constant 48 : index
        %get3A_744 = tpu.vector_load %arg13[%get3A_742, %get3A_743] {strides = array<i32>} : memref<80x128xf32, #tpu.memory_space<vmem>>, vector<1x16xf32>,
        %get3A_745 = vector.shape_cast %get3A_744 : vector<1x16xf32> to vector<16xf32>
        %get3A_746 = arith.index_cast %add3A_631 : i32 to index
        %get3A_747 = arith.constant 48 : index
        %get3A_748 = tpu.vector_load %arg14[%get3A_746, %get3A_747] {strides = array<i32>} : memref<80x128xf32, #tpu.memory_space<vmem>>, vector<1x16xf32>,
        %get3A_749 = vector.shape_cast %get3A_748 : vector<1x16xf32> to vector<16xf32>
        %add3A_750 = arith.addf %get3A_745, %get3A_749 : vector<16xf32>
        %add3A_751 = arith.addf %add3A_750, %add3A_741 : vector<16xf32>
        %max3A_752 = arith.constant 0.000000e+00 : f32
        %max3A_753 = vector.broadcast %max3A_752 : f32 to vector<16xf32>
        %max3A_754 = arith.maximumf %add3A_751, %max3A_753 : vector<16xf32>
        %swap3A_755 = arith.index_cast %add3A_631 : i32 to index
        %swap3A_756 = arith.constant 48 : index
        %swap3A_757 = tpu.vector_load %arg13[%swap3A_755, %swap3A_756] {strides = array<i32>} : memref<80x128xf32, #tpu.memory_space<vmem>>, vector<1x16xf32>,
        %swap3A_758 = vector.shape_cast %swap3A_757 : vector<1x16xf32> to vector<16xf32>
        %swap3A_759 = vector.shape_cast %max3A_754 : vector<16xf32> to vector<1x16xf32>
        tpu.vector_store %arg13[%swap3A_755, %swap3A_756], %swap3A_759 {strides = array<i32>} : memref<80x128xf32, #tpu.memory_space<vmem>>, vector<1x16xf32>,
        %mul3A_760 = vector.broadcast %squeeze3A_633 : f32 to vector<16xf32>
        %mul3A_761 = arith.mulf %mul3A_760, %get3A_132 : vector<16xf32>
        %add3A_762 = arith.addf %get3A_152, %mul3A_761 : vector<16xf32>
        %mul3A_763 = vector.broadcast %squeeze3A_635 : f32 to vector<16xf32>
        %mul3A_764 = arith.mulf %mul3A_763, %get3A_137 : vector<16xf32>
        %add3A_765 = arith.addf %add3A_762, %mul3A_764 : vector<16xf32>
        %mul3A_766 = vector.broadcast %squeeze3A_637 : f32 to vector<16xf32>
        %mul3A_767 = arith.mulf %mul3A_766, %get3A_142 : vector<16xf32>
        %add3A_768 = arith.addf %add3A_765, %mul3A_767 : vector<16xf32>
        %mul3A_769 = vector.broadcast %squeeze3A_639 : f32 to vector<16xf32>
        %mul3A_770 = arith.mulf %mul3A_769, %get3A_147 : vector<16xf32>
        %add3A_771 = arith.addf %add3A_768, %mul3A_770 : vector<16xf32>
        %get3A_772 = arith.index_cast %add3A_631 : i32 to index
        %get3A_773 = arith.constant 64 : index
        %get3A_774 = tpu.vector_load %arg13[%get3A_772, %get3A_773] {strides = array<i32>} : memref<80x128xf32, #tpu.memory_space<vmem>>, vector<1x16xf32>,
        %get3A_775 = vector.shape_cast %get3A_774 : vector<1x16xf32> to vector<16xf32>
        %get3A_776 = arith.index_cast %add3A_631 : i32 to index
        %get3A_777 = arith.constant 64 : index
        %get3A_778 = tpu.vector_load %arg14[%get3A_776, %get3A_777] {strides = array<i32>} : memref<80x128xf32, #tpu.memory_space<vmem>>, vector<1x16xf32>,
        %get3A_779 = vector.shape_cast %get3A_778 : vector<1x16xf32> to vector<16xf32>
        %add3A_780 = arith.addf %get3A_775, %get3A_779 : vector<16xf32>
        %add3A_781 = arith.addf %add3A_780, %add3A_771 : vector<16xf32>
        %max3A_782 = arith.constant 0.000000e+00 : f32
        %max3A_783 = vector.broadcast %max3A_782 : f32 to vector<16xf32>
        %max3A_784 = arith.maximumf %add3A_781, %max3A_783 : vector<16xf32>
        %swap3A_785 = arith.index_cast %add3A_631 : i32 to index
        %swap3A_786 = arith.constant 64 : index
        %swap3A_787 = tpu.vector_load %arg13[%swap3A_785, %swap3A_786] {strides = array<i32>} : memref<80x128xf32, #tpu.memory_space<vmem>>, vector<1x16xf32>,
        %swap3A_788 = vector.shape_cast %swap3A_787 : vector<1x16xf32> to vector<16xf32>
        %swap3A_789 = vector.shape_cast %max3A_784 : vector<16xf32> to vector<1x16xf32>
        tpu.vector_store %arg13[%swap3A_785, %swap3A_786], %swap3A_789 {strides = array<i32>} : memref<80x128xf32, #tpu.memory_space<vmem>>, vector<1x16xf32>,
        %mul3A_790 = vector.broadcast %squeeze3A_633 : f32 to vector<16xf32>
        %mul3A_791 = arith.mulf %mul3A_790, %get3A_157 : vector<16xf32>
        %add3A_792 = arith.addf %get3A_177, %mul3A_791 : vector<16xf32>
        %mul3A_793 = vector.broadcast %squeeze3A_635 : f32 to vector<16xf32>
        %mul3A_794 = arith.mulf %mul3A_793, %get3A_162 : vector<16xf32>
        %add3A_795 = arith.addf %add3A_792, %mul3A_794 : vector<16xf32>
        %mul3A_796 = vector.broadcast %squeeze3A_637 : f32 to vector<16xf32>
        %mul3A_797 = arith.mulf %mul3A_796, %get3A_167 : vector<16xf32>
        %add3A_798 = arith.addf %add3A_795, %mul3A_797 : vector<16xf32>
        %mul3A_799 = vector.broadcast %squeeze3A_639 : f32 to vector<16xf32>
        %mul3A_800 = arith.mulf %mul3A_799, %get3A_172 : vector<16xf32>
        %add3A_801 = arith.addf %add3A_798, %mul3A_800 : vector<16xf32>
        %get3A_802 = arith.index_cast %add3A_631 : i32 to index
        %get3A_803 = arith.constant 80 : index
        %get3A_804 = tpu.vector_load %arg13[%get3A_802, %get3A_803] {strides = array<i32>} : memref<80x128xf32, #tpu.memory_space<vmem>>, vector<1x16xf32>,
        %get3A_805 = vector.shape_cast %get3A_804 : vector<1x16xf32> to vector<16xf32>
        %get3A_806 = arith.index_cast %add3A_631 : i32 to index
        %get3A_807 = arith.constant 80 : index
        %get3A_808 = tpu.vector_load %arg14[%get3A_806, %get3A_807] {strides = array<i32>} : memref<80x128xf32, #tpu.memory_space<vmem>>, vector<1x16xf32>,
        %get3A_809 = vector.shape_cast %get3A_808 : vector<1x16xf32> to vector<16xf32>
        %add3A_810 = arith.addf %get3A_805, %get3A_809 : vector<16xf32>
        %add3A_811 = arith.addf %add3A_810, %add3A_801 : vector<16xf32>
        %max3A_812 = arith.constant 0.000000e+00 : f32
        %max3A_813 = vector.broadcast %max3A_812 : f32 to vector<16xf32>
        %max3A_814 = arith.maximumf %add3A_811, %max3A_813 : vector<16xf32>
        %swap3A_815 = arith.index_cast %add3A_631 : i32 to index
        %swap3A_816 = arith.constant 80 : index
        %swap3A_817 = tpu.vector_load %arg13[%swap3A_815, %swap3A_816] {strides = array<i32>} : memref<80x128xf32, #tpu.memory_space<vmem>>, vector<1x16xf32>,
        %swap3A_818 = vector.shape_cast %swap3A_817 : vector<1x16xf32> to vector<16xf32>
        %swap3A_819 = vector.shape_cast %max3A_814 : vector<16xf32> to vector<1x16xf32>
        tpu.vector_store %arg13[%swap3A_815, %swap3A_816], %swap3A_819 {strides = array<i32>} : memref<80x128xf32, #tpu.memory_space<vmem>>, vector<1x16xf32>,
        %mul3A_820 = vector.broadcast %squeeze3A_633 : f32 to vector<16xf32>
        %mul3A_821 = arith.mulf %mul3A_820, %get3A_182 : vector<16xf32>
        %add3A_822 = arith.addf %get3A_202, %mul3A_821 : vector<16xf32>
        %mul3A_823 = vector.broadcast %squeeze3A_635 : f32 to vector<16xf32>
        %mul3A_824 = arith.mulf %mul3A_823, %get3A_187 : vector<16xf32>
        %add3A_825 = arith.addf %add3A_822, %mul3A_824 : vector<16xf32>
        %mul3A_826 = vector.broadcast %squeeze3A_637 : f32 to vector<16xf32>
        %mul3A_827 = arith.mulf %mul3A_826, %get3A_192 : vector<16xf32>
        %add3A_828 = arith.addf %add3A_825, %mul3A_827 : vector<16xf32>
        %mul3A_829 = vector.broadcast %squeeze3A_639 : f32 to vector<16xf32>
        %mul3A_830 = arith.mulf %mul3A_829, %get3A_197 : vector<16xf32>
        %add3A_831 = arith.addf %add3A_828, %mul3A_830 : vector<16xf32>
        %get3A_832 = arith.index_cast %add3A_631 : i32 to index
        %get3A_833 = arith.constant 96 : index
        %get3A_834 = tpu.vector_load %arg13[%get3A_832, %get3A_833] {strides = array<i32>} : memref<80x128xf32, #tpu.memory_space<vmem>>, vector<1x16xf32>,
        %get3A_835 = vector.shape_cast %get3A_834 : vector<1x16xf32> to vector<16xf32>
        %get3A_836 = arith.index_cast %add3A_631 : i32 to index
        %get3A_837 = arith.constant 96 : index
        %get3A_838 = tpu.vector_load %arg14[%get3A_836, %get3A_837] {strides = array<i32>} : memref<80x128xf32, #tpu.memory_space<vmem>>, vector<1x16xf32>,
        %get3A_839 = vector.shape_cast %get3A_838 : vector<1x16xf32> to vector<16xf32>
        %add3A_840 = arith.addf %get3A_835, %get3A_839 : vector<16xf32>
        %add3A_841 = arith.addf %add3A_840, %add3A_831 : vector<16xf32>
        %max3A_842 = arith.constant 0.000000e+00 : f32
        %max3A_843 = vector.broadcast %max3A_842 : f32 to vector<16xf32>
        %max3A_844 = arith.maximumf %add3A_841, %max3A_843 : vector<16xf32>
        %swap3A_845 = arith.index_cast %add3A_631 : i32 to index
        %swap3A_846 = arith.constant 96 : index
        %swap3A_847 = tpu.vector_load %arg13[%swap3A_845, %swap3A_846] {strides = array<i32>} : memref<80x128xf32, #tpu.memory_space<vmem>>, vector<1x16xf32>,
        %swap3A_848 = vector.shape_cast %swap3A_847 : vector<1x16xf32> to vector<16xf32>
        %swap3A_849 = vector.shape_cast %max3A_844 : vector<16xf32> to vector<1x16xf32>
        tpu.vector_store %arg13[%swap3A_845, %swap3A_846], %swap3A_849 {strides = array<i32>} : memref<80x128xf32, #tpu.memory_space<vmem>>, vector<1x16xf32>,
        %mul3A_850 = vector.broadcast %squeeze3A_633 : f32 to vector<16xf32>
        %mul3A_851 = arith.mulf %mul3A_850, %get3A_207 : vector<16xf32>
        %add3A_852 = arith.addf %get3A_227, %mul3A_851 : vector<16xf32>
        %mul3A_853 = vector.broadcast %squeeze3A_635 : f32 to vector<16xf32>
        %mul3A_854 = arith.mulf %mul3A_853, %get3A_212 : vector<16xf32>
        %add3A_855 = arith.addf %add3A_852, %mul3A_854 : vector<16xf32>
        %mul3A_856 = vector.broadcast %squeeze3A_637 : f32 to vector<16xf32>
        %mul3A_857 = arith.mulf %mul3A_856, %get3A_217 : vector<16xf32>
        %add3A_858 = arith.addf %add3A_855, %mul3A_857 : vector<16xf32>
        %mul3A_859 = vector.broadcast %squeeze3A_639 : f32 to vector<16xf32>
        %mul3A_860 = arith.mulf %mul3A_859, %get3A_222 : vector<16xf32>
        %add3A_861 = arith.addf %add3A_858, %mul3A_860 : vector<16xf32>
        %get3A_862 = arith.index_cast %add3A_631 : i32 to index
        %get3A_863 = arith.constant 112 : index
        %get3A_864 = tpu.vector_load %arg13[%get3A_862, %get3A_863] {strides = array<i32>} : memref<80x128xf32, #tpu.memory_space<vmem>>, vector<1x16xf32>,
        %get3A_865 = vector.shape_cast %get3A_864 : vector<1x16xf32> to vector<16xf32>
        %get3A_866 = arith.index_cast %add3A_631 : i32 to index
        %get3A_867 = arith.constant 112 : index
        %get3A_868 = tpu.vector_load %arg14[%get3A_866, %get3A_867] {strides = array<i32>} : memref<80x128xf32, #tpu.memory_space<vmem>>, vector<1x16xf32>,
        %get3A_869 = vector.shape_cast %get3A_868 : vector<1x16xf32> to vector<16xf32>
        %add3A_870 = arith.addf %get3A_865, %get3A_869 : vector<16xf32>
        %add3A_871 = arith.addf %add3A_870, %add3A_861 : vector<16xf32>
        %max3A_872 = arith.constant 0.000000e+00 : f32
        %max3A_873 = vector.broadcast %max3A_872 : f32 to vector<16xf32>
        %max3A_874 = arith.maximumf %add3A_871, %max3A_873 : vector<16xf32>
        %swap3A_875 = arith.index_cast %add3A_631 : i32 to index
        %swap3A_876 = arith.constant 112 : index
        %swap3A_877 = tpu.vector_load %arg13[%swap3A_875, %swap3A_876] {strides = array<i32>} : memref<80x128xf32, #tpu.memory_space<vmem>>, vector<1x16xf32>,
        %swap3A_878 = vector.shape_cast %swap3A_877 : vector<1x16xf32> to vector<16xf32>
        %swap3A_879 = vector.shape_cast %max3A_874 : vector<16xf32> to vector<1x16xf32>
        tpu.vector_store %arg13[%swap3A_875, %swap3A_876], %swap3A_879 {strides = array<i32>} : memref<80x128xf32, #tpu.memory_space<vmem>>, vector<1x16xf32>,
        %mul3A_880 = arith.constant 4 : i32
        %mul3A_881 = arith.muli %mul3A_880, %scan3A_372 : i32
        %add3A_882 = arith.constant 2 : i32
        %add3A_883 = arith.addi %mul3A_881, %add3A_882 : i32
        %slice3A_884 = vector.extract_strided_slice %get3A_378 {offsets = [8], sizes = [1], strides = [1]} : vector<16xf32> to vector<1xf32>
        %squeeze3A_885 = vector.extract %slice3A_884[0] : f32 from vector<1xf32>
        %slice3A_886 = vector.extract_strided_slice %get3A_378 {offsets = [9], sizes = [1], strides = [1]} : vector<16xf32> to vector<1xf32>
        %squeeze3A_887 = vector.extract %slice3A_886[0] : f32 from vector<1xf32>
        %slice3A_888 = vector.extract_strided_slice %get3A_378 {offsets = [10], sizes = [1], strides = [1]} : vector<16xf32> to vector<1xf32>
        %squeeze3A_889 = vector.extract %slice3A_888[0] : f32 from vector<1xf32>
        %slice3A_890 = vector.extract_strided_slice %get3A_378 {offsets = [11], sizes = [1], strides = [1]} : vector<16xf32> to vector<1xf32>
        %squeeze3A_891 = vector.extract %slice3A_890[0] : f32 from vector<1xf32>
        %mul3A_892 = vector.broadcast %squeeze3A_885 : f32 to vector<16xf32>
        %mul3A_893 = arith.mulf %mul3A_892, %get3A_32 : vector<16xf32>
        %add3A_894 = arith.addf %get3A_52, %mul3A_893 : vector<16xf32>
        %mul3A_895 = vector.broadcast %squeeze3A_887 : f32 to vector<16xf32>
        %mul3A_896 = arith.mulf %mul3A_895, %get3A_37 : vector<16xf32>
        %add3A_897 = arith.addf %add3A_894, %mul3A_896 : vector<16xf32>
        %mul3A_898 = vector.broadcast %squeeze3A_889 : f32 to vector<16xf32>
        %mul3A_899 = arith.mulf %mul3A_898, %get3A_42 : vector<16xf32>
        %add3A_900 = arith.addf %add3A_897, %mul3A_899 : vector<16xf32>
        %mul3A_901 = vector.broadcast %squeeze3A_891 : f32 to vector<16xf32>
        %mul3A_902 = arith.mulf %mul3A_901, %get3A_47 : vector<16xf32>
        %add3A_903 = arith.addf %add3A_900, %mul3A_902 : vector<16xf32>
        %get3A_904 = arith.index_cast %add3A_883 : i32 to index
        %get3A_905 = arith.constant 0 : index
        %get3A_906 = tpu.vector_load %arg13[%get3A_904, %get3A_905] {strides = array<i32>} : memref<80x128xf32, #tpu.memory_space<vmem>>, vector<1x16xf32>,
        %get3A_907 = vector.shape_cast %get3A_906 : vector<1x16xf32> to vector<16xf32>
        %get3A_908 = arith.index_cast %add3A_883 : i32 to index
        %get3A_909 = arith.constant 0 : index
        %get3A_910 = tpu.vector_load %arg14[%get3A_908, %get3A_909] {strides = array<i32>} : memref<80x128xf32, #tpu.memory_space<vmem>>, vector<1x16xf32>,
        %get3A_911 = vector.shape_cast %get3A_910 : vector<1x16xf32> to vector<16xf32>
        %add3A_912 = arith.addf %get3A_907, %get3A_911 : vector<16xf32>
        %add3A_913 = arith.addf %add3A_912, %add3A_903 : vector<16xf32>
        %max3A_914 = arith.constant 0.000000e+00 : f32
        %max3A_915 = vector.broadcast %max3A_914 : f32 to vector<16xf32>
        %max3A_916 = arith.maximumf %add3A_913, %max3A_915 : vector<16xf32>
        %swap3A_917 = arith.index_cast %add3A_883 : i32 to index
        %swap3A_918 = arith.constant 0 : index
        %swap3A_919 = tpu.vector_load %arg13[%swap3A_917, %swap3A_918] {strides = array<i32>} : memref<80x128xf32, #tpu.memory_space<vmem>>, vector<1x16xf32>,
        %swap3A_920 = vector.shape_cast %swap3A_919 : vector<1x16xf32> to vector<16xf32>
        %swap3A_921 = vector.shape_cast %max3A_916 : vector<16xf32> to vector<1x16xf32>
        tpu.vector_store %arg13[%swap3A_917, %swap3A_918], %swap3A_921 {strides = array<i32>} : memref<80x128xf32, #tpu.memory_space<vmem>>, vector<1x16xf32>,
        %mul3A_922 = vector.broadcast %squeeze3A_885 : f32 to vector<16xf32>
        %mul3A_923 = arith.mulf %mul3A_922, %get3A_57 : vector<16xf32>
        %add3A_924 = arith.addf %get3A_77, %mul3A_923 : vector<16xf32>
        %mul3A_925 = vector.broadcast %squeeze3A_887 : f32 to vector<16xf32>
        %mul3A_926 = arith.mulf %mul3A_925, %get3A_62 : vector<16xf32>
        %add3A_927 = arith.addf %add3A_924, %mul3A_926 : vector<16xf32>
        %mul3A_928 = vector.broadcast %squeeze3A_889 : f32 to vector<16xf32>
        %mul3A_929 = arith.mulf %mul3A_928, %get3A_67 : vector<16xf32>
        %add3A_930 = arith.addf %add3A_927, %mul3A_929 : vector<16xf32>
        %mul3A_931 = vector.broadcast %squeeze3A_891 : f32 to vector<16xf32>
        %mul3A_932 = arith.mulf %mul3A_931, %get3A_72 : vector<16xf32>
        %add3A_933 = arith.addf %add3A_930, %mul3A_932 : vector<16xf32>
        %get3A_934 = arith.index_cast %add3A_883 : i32 to index
        %get3A_935 = arith.constant 16 : index
        %get3A_936 = tpu.vector_load %arg13[%get3A_934, %get3A_935] {strides = array<i32>} : memref<80x128xf32, #tpu.memory_space<vmem>>, vector<1x16xf32>,
        %get3A_937 = vector.shape_cast %get3A_936 : vector<1x16xf32> to vector<16xf32>
        %get3A_938 = arith.index_cast %add3A_883 : i32 to index
        %get3A_939 = arith.constant 16 : index
        %get3A_940 = tpu.vector_load %arg14[%get3A_938, %get3A_939] {strides = array<i32>} : memref<80x128xf32, #tpu.memory_space<vmem>>, vector<1x16xf32>,
        %get3A_941 = vector.shape_cast %get3A_940 : vector<1x16xf32> to vector<16xf32>
        %add3A_942 = arith.addf %get3A_937, %get3A_941 : vector<16xf32>
        %add3A_943 = arith.addf %add3A_942, %add3A_933 : vector<16xf32>
        %max3A_944 = arith.constant 0.000000e+00 : f32
        %max3A_945 = vector.broadcast %max3A_944 : f32 to vector<16xf32>
        %max3A_946 = arith.maximumf %add3A_943, %max3A_945 : vector<16xf32>
        %swap3A_947 = arith.index_cast %add3A_883 : i32 to index
        %swap3A_948 = arith.constant 16 : index
        %swap3A_949 = tpu.vector_load %arg13[%swap3A_947, %swap3A_948] {strides = array<i32>} : memref<80x128xf32, #tpu.memory_space<vmem>>, vector<1x16xf32>,
        %swap3A_950 = vector.shape_cast %swap3A_949 : vector<1x16xf32> to vector<16xf32>
        %swap3A_951 = vector.shape_cast %max3A_946 : vector<16xf32> to vector<1x16xf32>
        tpu.vector_store %arg13[%swap3A_947, %swap3A_948], %swap3A_951 {strides = array<i32>} : memref<80x128xf32, #tpu.memory_space<vmem>>, vector<1x16xf32>,
        %mul3A_952 = vector.broadcast %squeeze3A_885 : f32 to vector<16xf32>
        %mul3A_953 = arith.mulf %mul3A_952, %get3A_82 : vector<16xf32>
        %add3A_954 = arith.addf %get3A_102, %mul3A_953 : vector<16xf32>
        %mul3A_955 = vector.broadcast %squeeze3A_887 : f32 to vector<16xf32>
        %mul3A_956 = arith.mulf %mul3A_955, %get3A_87 : vector<16xf32>
        %add3A_957 = arith.addf %add3A_954, %mul3A_956 : vector<16xf32>
        %mul3A_958 = vector.broadcast %squeeze3A_889 : f32 to vector<16xf32>
        %mul3A_959 = arith.mulf %mul3A_958, %get3A_92 : vector<16xf32>
        %add3A_960 = arith.addf %add3A_957, %mul3A_959 : vector<16xf32>
        %mul3A_961 = vector.broadcast %squeeze3A_891 : f32 to vector<16xf32>
        %mul3A_962 = arith.mulf %mul3A_961, %get3A_97 : vector<16xf32>
        %add3A_963 = arith.addf %add3A_960, %mul3A_962 : vector<16xf32>
        %get3A_964 = arith.index_cast %add3A_883 : i32 to index
        %get3A_965 = arith.constant 32 : index
        %get3A_966 = tpu.vector_load %arg13[%get3A_964, %get3A_965] {strides = array<i32>} : memref<80x128xf32, #tpu.memory_space<vmem>>, vector<1x16xf32>,
        %get3A_967 = vector.shape_cast %get3A_966 : vector<1x16xf32> to vector<16xf32>
        %get3A_968 = arith.index_cast %add3A_883 : i32 to index
        %get3A_969 = arith.constant 32 : index
        %get3A_970 = tpu.vector_load %arg14[%get3A_968, %get3A_969] {strides = array<i32>} : memref<80x128xf32, #tpu.memory_space<vmem>>, vector<1x16xf32>,
        %get3A_971 = vector.shape_cast %get3A_970 : vector<1x16xf32> to vector<16xf32>
        %add3A_972 = arith.addf %get3A_967, %get3A_971 : vector<16xf32>
        %add3A_973 = arith.addf %add3A_972, %add3A_963 : vector<16xf32>
        %max3A_974 = arith.constant 0.000000e+00 : f32
        %max3A_975 = vector.broadcast %max3A_974 : f32 to vector<16xf32>
        %max3A_976 = arith.maximumf %add3A_973, %max3A_975 : vector<16xf32>
        %swap3A_977 = arith.index_cast %add3A_883 : i32 to index
        %swap3A_978 = arith.constant 32 : index
        %swap3A_979 = tpu.vector_load %arg13[%swap3A_977, %swap3A_978] {strides = array<i32>} : memref<80x128xf32, #tpu.memory_space<vmem>>, vector<1x16xf32>,
        %swap3A_980 = vector.shape_cast %swap3A_979 : vector<1x16xf32> to vector<16xf32>
        %swap3A_981 = vector.shape_cast %max3A_976 : vector<16xf32> to vector<1x16xf32>
        tpu.vector_store %arg13[%swap3A_977, %swap3A_978], %swap3A_981 {strides = array<i32>} : memref<80x128xf32, #tpu.memory_space<vmem>>, vector<1x16xf32>,
        %mul3A_982 = vector.broadcast %squeeze3A_885 : f32 to vector<16xf32>
        %mul3A_983 = arith.mulf %mul3A_982, %get3A_107 : vector<16xf32>
        %add3A_984 = arith.addf %get3A_127, %mul3A_983 : vector<16xf32>
        %mul3A_985 = vector.broadcast %squeeze3A_887 : f32 to vector<16xf32>
        %mul3A_986 = arith.mulf %mul3A_985, %get3A_112 : vector<16xf32>
        %add3A_987 = arith.addf %add3A_984, %mul3A_986 : vector<16xf32>
        %mul3A_988 = vector.broadcast %squeeze3A_889 : f32 to vector<16xf32>
        %mul3A_989 = arith.mulf %mul3A_988, %get3A_117 : vector<16xf32>
        %add3A_990 = arith.addf %add3A_987, %mul3A_989 : vector<16xf32>
        %mul3A_991 = vector.broadcast %squeeze3A_891 : f32 to vector<16xf32>
        %mul3A_992 = arith.mulf %mul3A_991, %get3A_122 : vector<16xf32>
        %add3A_993 = arith.addf %add3A_990, %mul3A_992 : vector<16xf32>
        %get3A_994 = arith.index_cast %add3A_883 : i32 to index
        %get3A_995 = arith.constant 48 : index
        %get3A_996 = tpu.vector_load %arg13[%get3A_994, %get3A_995] {strides = array<i32>} : memref<80x128xf32, #tpu.memory_space<vmem>>, vector<1x16xf32>,
        %get3A_997 = vector.shape_cast %get3A_996 : vector<1x16xf32> to vector<16xf32>
        %get3A_998 = arith.index_cast %add3A_883 : i32 to index
        %get3A_999 = arith.constant 48 : index
        %get3A_1000 = tpu.vector_load %arg14[%get3A_998, %get3A_999] {strides = array<i32>} : memref<80x128xf32, #tpu.memory_space<vmem>>, vector<1x16xf32>,
        %get3A_1001 = vector.shape_cast %get3A_1000 : vector<1x16xf32> to vector<16xf32>
        %add3A_1002 = arith.addf %get3A_997, %get3A_1001 : vector<16xf32>
        %add3A_1003 = arith.addf %add3A_1002, %add3A_993 : vector<16xf32>
        %max3A_1004 = arith.constant 0.000000e+00 : f32
        %max3A_1005 = vector.broadcast %max3A_1004 : f32 to vector<16xf32>
        %max3A_1006 = arith.maximumf %add3A_1003, %max3A_1005 : vector<16xf32>
        %swap3A_1007 = arith.index_cast %add3A_883 : i32 to index
        %swap3A_1008 = arith.constant 48 : index
        %swap3A_1009 = tpu.vector_load %arg13[%swap3A_1007, %swap3A_1008] {strides = array<i32>} : memref<80x128xf32, #tpu.memory_space<vmem>>, vector<1x16xf32>,
        %swap3A_1010 = vector.shape_cast %swap3A_1009 : vector<1x16xf32> to vector<16xf32>
        %swap3A_1011 = vector.shape_cast %max3A_1006 : vector<16xf32> to vector<1x16xf32>
        tpu.vector_store %arg13[%swap3A_1007, %swap3A_1008], %swap3A_1011 {strides = array<i32>} : memref<80x128xf32, #tpu.memory_space<vmem>>, vector<1x16xf32>,
        %mul3A_1012 = vector.broadcast %squeeze3A_885 : f32 to vector<16xf32>
        %mul3A_1013 = arith.mulf %mul3A_1012, %get3A_132 : vector<16xf32>
        %add3A_1014 = arith.addf %get3A_152, %mul3A_1013 : vector<16xf32>
        %mul3A_1015 = vector.broadcast %squeeze3A_887 : f32 to vector<16xf32>
        %mul3A_1016 = arith.mulf %mul3A_1015, %get3A_137 : vector<16xf32>
        %add3A_1017 = arith.addf %add3A_1014, %mul3A_1016 : vector<16xf32>
        %mul3A_1018 = vector.broadcast %squeeze3A_889 : f32 to vector<16xf32>
        %mul3A_1019 = arith.mulf %mul3A_1018, %get3A_142 : vector<16xf32>
        %add3A_1020 = arith.addf %add3A_1017, %mul3A_1019 : vector<16xf32>
        %mul3A_1021 = vector.broadcast %squeeze3A_891 : f32 to vector<16xf32>
        %mul3A_1022 = arith.mulf %mul3A_1021, %get3A_147 : vector<16xf32>
        %add3A_1023 = arith.addf %add3A_1020, %mul3A_1022 : vector<16xf32>
        %get3A_1024 = arith.index_cast %add3A_883 : i32 to index
        %get3A_1025 = arith.constant 64 : index
        %get3A_1026 = tpu.vector_load %arg13[%get3A_1024, %get3A_1025] {strides = array<i32>} : memref<80x128xf32, #tpu.memory_space<vmem>>, vector<1x16xf32>,
        %get3A_1027 = vector.shape_cast %get3A_1026 : vector<1x16xf32> to vector<16xf32>
        %get3A_1028 = arith.index_cast %add3A_883 : i32 to index
        %get3A_1029 = arith.constant 64 : index
        %get3A_1030 = tpu.vector_load %arg14[%get3A_1028, %get3A_1029] {strides = array<i32>} : memref<80x128xf32, #tpu.memory_space<vmem>>, vector<1x16xf32>,
        %get3A_1031 = vector.shape_cast %get3A_1030 : vector<1x16xf32> to vector<16xf32>
        %add3A_1032 = arith.addf %get3A_1027, %get3A_1031 : vector<16xf32>
        %add3A_1033 = arith.addf %add3A_1032, %add3A_1023 : vector<16xf32>
        %max3A_1034 = arith.constant 0.000000e+00 : f32
        %max3A_1035 = vector.broadcast %max3A_1034 : f32 to vector<16xf32>
        %max3A_1036 = arith.maximumf %add3A_1033, %max3A_1035 : vector<16xf32>
        %swap3A_1037 = arith.index_cast %add3A_883 : i32 to index
        %swap3A_1038 = arith.constant 64 : index
        %swap3A_1039 = tpu.vector_load %arg13[%swap3A_1037, %swap3A_1038] {strides = array<i32>} : memref<80x128xf32, #tpu.memory_space<vmem>>, vector<1x16xf32>,
        %swap3A_1040 = vector.shape_cast %swap3A_1039 : vector<1x16xf32> to vector<16xf32>
        %swap3A_1041 = vector.shape_cast %max3A_1036 : vector<16xf32> to vector<1x16xf32>
        tpu.vector_store %arg13[%swap3A_1037, %swap3A_1038], %swap3A_1041 {strides = array<i32>} : memref<80x128xf32, #tpu.memory_space<vmem>>, vector<1x16xf32>,
        %mul3A_1042 = vector.broadcast %squeeze3A_885 : f32 to vector<16xf32>
        %mul3A_1043 = arith.mulf %mul3A_1042, %get3A_157 : vector<16xf32>
        %add3A_1044 = arith.addf %get3A_177, %mul3A_1043 : vector<16xf32>
        %mul3A_1045 = vector.broadcast %squeeze3A_887 : f32 to vector<16xf32>
        %mul3A_1046 = arith.mulf %mul3A_1045, %get3A_162 : vector<16xf32>
        %add3A_1047 = arith.addf %add3A_1044, %mul3A_1046 : vector<16xf32>
        %mul3A_1048 = vector.broadcast %squeeze3A_889 : f32 to vector<16xf32>
        %mul3A_1049 = arith.mulf %mul3A_1048, %get3A_167 : vector<16xf32>
        %add3A_1050 = arith.addf %add3A_1047, %mul3A_1049 : vector<16xf32>
        %mul3A_1051 = vector.broadcast %squeeze3A_891 : f32 to vector<16xf32>
        %mul3A_1052 = arith.mulf %mul3A_1051, %get3A_172 : vector<16xf32>
        %add3A_1053 = arith.addf %add3A_1050, %mul3A_1052 : vector<16xf32>
        %get3A_1054 = arith.index_cast %add3A_883 : i32 to index
        %get3A_1055 = arith.constant 80 : index
        %get3A_1056 = tpu.vector_load %arg13[%get3A_1054, %get3A_1055] {strides = array<i32>} : memref<80x128xf32, #tpu.memory_space<vmem>>, vector<1x16xf32>,
        %get3A_1057 = vector.shape_cast %get3A_1056 : vector<1x16xf32> to vector<16xf32>
        %get3A_1058 = arith.index_cast %add3A_883 : i32 to index
        %get3A_1059 = arith.constant 80 : index
        %get3A_1060 = tpu.vector_load %arg14[%get3A_1058, %get3A_1059] {strides = array<i32>} : memref<80x128xf32, #tpu.memory_space<vmem>>, vector<1x16xf32>,
        %get3A_1061 = vector.shape_cast %get3A_1060 : vector<1x16xf32> to vector<16xf32>
        %add3A_1062 = arith.addf %get3A_1057, %get3A_1061 : vector<16xf32>
        %add3A_1063 = arith.addf %add3A_1062, %add3A_1053 : vector<16xf32>
        %max3A_1064 = arith.constant 0.000000e+00 : f32
        %max3A_1065 = vector.broadcast %max3A_1064 : f32 to vector<16xf32>
        %max3A_1066 = arith.maximumf %add3A_1063, %max3A_1065 : vector<16xf32>
        %swap3A_1067 = arith.index_cast %add3A_883 : i32 to index
        %swap3A_1068 = arith.constant 80 : index
        %swap3A_1069 = tpu.vector_load %arg13[%swap3A_1067, %swap3A_1068] {strides = array<i32>} : memref<80x128xf32, #tpu.memory_space<vmem>>, vector<1x16xf32>,
        %swap3A_1070 = vector.shape_cast %swap3A_1069 : vector<1x16xf32> to vector<16xf32>
        %swap3A_1071 = vector.shape_cast %max3A_1066 : vector<16xf32> to vector<1x16xf32>
        tpu.vector_store %arg13[%swap3A_1067, %swap3A_1068], %swap3A_1071 {strides = array<i32>} : memref<80x128xf32, #tpu.memory_space<vmem>>, vector<1x16xf32>,
        %mul3A_1072 = vector.broadcast %squeeze3A_885 : f32 to vector<16xf32>
        %mul3A_1073 = arith.mulf %mul3A_1072, %get3A_182 : vector<16xf32>
        %add3A_1074 = arith.addf %get3A_202, %mul3A_1073 : vector<16xf32>
        %mul3A_1075 = vector.broadcast %squeeze3A_887 : f32 to vector<16xf32>
        %mul3A_1076 = arith.mulf %mul3A_1075, %get3A_187 : vector<16xf32>
        %add3A_1077 = arith.addf %add3A_1074, %mul3A_1076 : vector<16xf32>
        %mul3A_1078 = vector.broadcast %squeeze3A_889 : f32 to vector<16xf32>
        %mul3A_1079 = arith.mulf %mul3A_1078, %get3A_192 : vector<16xf32>
        %add3A_1080 = arith.addf %add3A_1077, %mul3A_1079 : vector<16xf32>
        %mul3A_1081 = vector.broadcast %squeeze3A_891 : f32 to vector<16xf32>
        %mul3A_1082 = arith.mulf %mul3A_1081, %get3A_197 : vector<16xf32>
        %add3A_1083 = arith.addf %add3A_1080, %mul3A_1082 : vector<16xf32>
        %get3A_1084 = arith.index_cast %add3A_883 : i32 to index
        %get3A_1085 = arith.constant 96 : index
        %get3A_1086 = tpu.vector_load %arg13[%get3A_1084, %get3A_1085] {strides = array<i32>} : memref<80x128xf32, #tpu.memory_space<vmem>>, vector<1x16xf32>,
        %get3A_1087 = vector.shape_cast %get3A_1086 : vector<1x16xf32> to vector<16xf32>
        %get3A_1088 = arith.index_cast %add3A_883 : i32 to index
        %get3A_1089 = arith.constant 96 : index
        %get3A_1090 = tpu.vector_load %arg14[%get3A_1088, %get3A_1089] {strides = array<i32>} : memref<80x128xf32, #tpu.memory_space<vmem>>, vector<1x16xf32>,
        %get3A_1091 = vector.shape_cast %get3A_1090 : vector<1x16xf32> to vector<16xf32>
        %add3A_1092 = arith.addf %get3A_1087, %get3A_1091 : vector<16xf32>
        %add3A_1093 = arith.addf %add3A_1092, %add3A_1083 : vector<16xf32>
        %max3A_1094 = arith.constant 0.000000e+00 : f32
        %max3A_1095 = vector.broadcast %max3A_1094 : f32 to vector<16xf32>
        %max3A_1096 = arith.maximumf %add3A_1093, %max3A_1095 : vector<16xf32>
        %swap3A_1097 = arith.index_cast %add3A_883 : i32 to index
        %swap3A_1098 = arith.constant 96 : index
        %swap3A_1099 = tpu.vector_load %arg13[%swap3A_1097, %swap3A_1098] {strides = array<i32>} : memref<80x128xf32, #tpu.memory_space<vmem>>, vector<1x16xf32>,
        %swap3A_1100 = vector.shape_cast %swap3A_1099 : vector<1x16xf32> to vector<16xf32>
        %swap3A_1101 = vector.shape_cast %max3A_1096 : vector<16xf32> to vector<1x16xf32>
        tpu.vector_store %arg13[%swap3A_1097, %swap3A_1098], %swap3A_1101 {strides = array<i32>} : memref<80x128xf32, #tpu.memory_space<vmem>>, vector<1x16xf32>,
        %mul3A_1102 = vector.broadcast %squeeze3A_885 : f32 to vector<16xf32>
        %mul3A_1103 = arith.mulf %mul3A_1102, %get3A_207 : vector<16xf32>
        %add3A_1104 = arith.addf %get3A_227, %mul3A_1103 : vector<16xf32>
        %mul3A_1105 = vector.broadcast %squeeze3A_887 : f32 to vector<16xf32>
        %mul3A_1106 = arith.mulf %mul3A_1105, %get3A_212 : vector<16xf32>
        %add3A_1107 = arith.addf %add3A_1104, %mul3A_1106 : vector<16xf32>
        %mul3A_1108 = vector.broadcast %squeeze3A_889 : f32 to vector<16xf32>
        %mul3A_1109 = arith.mulf %mul3A_1108, %get3A_217 : vector<16xf32>
        %add3A_1110 = arith.addf %add3A_1107, %mul3A_1109 : vector<16xf32>
        %mul3A_1111 = vector.broadcast %squeeze3A_891 : f32 to vector<16xf32>
        %mul3A_1112 = arith.mulf %mul3A_1111, %get3A_222 : vector<16xf32>
        %add3A_1113 = arith.addf %add3A_1110, %mul3A_1112 : vector<16xf32>
        %get3A_1114 = arith.index_cast %add3A_883 : i32 to index
        %get3A_1115 = arith.constant 112 : index
        %get3A_1116 = tpu.vector_load %arg13[%get3A_1114, %get3A_1115] {strides = array<i32>} : memref<80x128xf32, #tpu.memory_space<vmem>>, vector<1x16xf32>,
        %get3A_1117 = vector.shape_cast %get3A_1116 : vector<1x16xf32> to vector<16xf32>
        %get3A_1118 = arith.index_cast %add3A_883 : i32 to index
        %get3A_1119 = arith.constant 112 : index
        %get3A_1120 = tpu.vector_load %arg14[%get3A_1118, %get3A_1119] {strides = array<i32>} : memref<80x128xf32, #tpu.memory_space<vmem>>, vector<1x16xf32>,
        %get3A_1121 = vector.shape_cast %get3A_1120 : vector<1x16xf32> to vector<16xf32>
        %add3A_1122 = arith.addf %get3A_1117, %get3A_1121 : vector<16xf32>
        %add3A_1123 = arith.addf %add3A_1122, %add3A_1113 : vector<16xf32>
        %max3A_1124 = arith.constant 0.000000e+00 : f32
        %max3A_1125 = vector.broadcast %max3A_1124 : f32 to vector<16xf32>
        %max3A_1126 = arith.maximumf %add3A_1123, %max3A_1125 : vector<16xf32>
        %swap3A_1127 = arith.index_cast %add3A_883 : i32 to index
        %swap3A_1128 = arith.constant 112 : index
        %swap3A_1129 = tpu.vector_load %arg13[%swap3A_1127, %swap3A_1128] {strides = array<i32>} : memref<80x128xf32, #tpu.memory_space<vmem>>, vector<1x16xf32>,
        %swap3A_1130 = vector.shape_cast %swap3A_1129 : vector<1x16xf32> to vector<16xf32>
        %swap3A_1131 = vector.shape_cast %max3A_1126 : vector<16xf32> to vector<1x16xf32>
        tpu.vector_store %arg13[%swap3A_1127, %swap3A_1128], %swap3A_1131 {strides = array<i32>} : memref<80x128xf32, #tpu.memory_space<vmem>>, vector<1x16xf32>,
        %mul3A_1132 = arith.constant 4 : i32
        %mul3A_1133 = arith.muli %mul3A_1132, %scan3A_372 : i32
        %add3A_1134 = arith.constant 3 : i32
        %add3A_1135 = arith.addi %mul3A_1133, %add3A_1134 : i32
        %slice3A_1136 = vector.extract_strided_slice %get3A_378 {offsets = [12], sizes = [1], strides = [1]} : vector<16xf32> to vector<1xf32>
        %squeeze3A_1137 = vector.extract %slice3A_1136[0] : f32 from vector<1xf32>
        %slice3A_1138 = vector.extract_strided_slice %get3A_378 {offsets = [13], sizes = [1], strides = [1]} : vector<16xf32> to vector<1xf32>
        %squeeze3A_1139 = vector.extract %slice3A_1138[0] : f32 from vector<1xf32>
        %slice3A_1140 = vector.extract_strided_slice %get3A_378 {offsets = [14], sizes = [1], strides = [1]} : vector<16xf32> to vector<1xf32>
        %squeeze3A_1141 = vector.extract %slice3A_1140[0] : f32 from vector<1xf32>
        %slice3A_1142 = vector.extract_strided_slice %get3A_378 {offsets = [15], sizes = [1], strides = [1]} : vector<16xf32> to vector<1xf32>
        %squeeze3A_1143 = vector.extract %slice3A_1142[0] : f32 from vector<1xf32>
        %mul3A_1144 = vector.broadcast %squeeze3A_1137 : f32 to vector<16xf32>
        %mul3A_1145 = arith.mulf %mul3A_1144, %get3A_32 : vector<16xf32>
        %add3A_1146 = arith.addf %get3A_52, %mul3A_1145 : vector<16xf32>
        %mul3A_1147 = vector.broadcast %squeeze3A_1139 : f32 to vector<16xf32>
        %mul3A_1148 = arith.mulf %mul3A_1147, %get3A_37 : vector<16xf32>
        %add3A_1149 = arith.addf %add3A_1146, %mul3A_1148 : vector<16xf32>
        %mul3A_1150 = vector.broadcast %squeeze3A_1141 : f32 to vector<16xf32>
        %mul3A_1151 = arith.mulf %mul3A_1150, %get3A_42 : vector<16xf32>
        %add3A_1152 = arith.addf %add3A_1149, %mul3A_1151 : vector<16xf32>
        %mul3A_1153 = vector.broadcast %squeeze3A_1143 : f32 to vector<16xf32>
        %mul3A_1154 = arith.mulf %mul3A_1153, %get3A_47 : vector<16xf32>
        %add3A_1155 = arith.addf %add3A_1152, %mul3A_1154 : vector<16xf32>
        %get3A_1156 = arith.index_cast %add3A_1135 : i32 to index
        %get3A_1157 = arith.constant 0 : index
        %get3A_1158 = tpu.vector_load %arg13[%get3A_1156, %get3A_1157] {strides = array<i32>} : memref<80x128xf32, #tpu.memory_space<vmem>>, vector<1x16xf32>,
        %get3A_1159 = vector.shape_cast %get3A_1158 : vector<1x16xf32> to vector<16xf32>
        %get3A_1160 = arith.index_cast %add3A_1135 : i32 to index
        %get3A_1161 = arith.constant 0 : index
        %get3A_1162 = tpu.vector_load %arg14[%get3A_1160, %get3A_1161] {strides = array<i32>} : memref<80x128xf32, #tpu.memory_space<vmem>>, vector<1x16xf32>,
        %get3A_1163 = vector.shape_cast %get3A_1162 : vector<1x16xf32> to vector<16xf32>
        %add3A_1164 = arith.addf %get3A_1159, %get3A_1163 : vector<16xf32>
        %add3A_1165 = arith.addf %add3A_1164, %add3A_1155 : vector<16xf32>
        %max3A_1166 = arith.constant 0.000000e+00 : f32
        %max3A_1167 = vector.broadcast %max3A_1166 : f32 to vector<16xf32>
        %max3A_1168 = arith.maximumf %add3A_1165, %max3A_1167 : vector<16xf32>
        %swap3A_1169 = arith.index_cast %add3A_1135 : i32 to index
        %swap3A_1170 = arith.constant 0 : index
        %swap3A_1171 = tpu.vector_load %arg13[%swap3A_1169, %swap3A_1170] {strides = array<i32>} : memref<80x128xf32, #tpu.memory_space<vmem>>, vector<1x16xf32>,
        %swap3A_1172 = vector.shape_cast %swap3A_1171 : vector<1x16xf32> to vector<16xf32>
        %swap3A_1173 = vector.shape_cast %max3A_1168 : vector<16xf32> to vector<1x16xf32>
        tpu.vector_store %arg13[%swap3A_1169, %swap3A_1170], %swap3A_1173 {strides = array<i32>} : memref<80x128xf32, #tpu.memory_space<vmem>>, vector<1x16xf32>,
        %mul3A_1174 = vector.broadcast %squeeze3A_1137 : f32 to vector<16xf32>
        %mul3A_1175 = arith.mulf %mul3A_1174, %get3A_57 : vector<16xf32>
        %add3A_1176 = arith.addf %get3A_77, %mul3A_1175 : vector<16xf32>
        %mul3A_1177 = vector.broadcast %squeeze3A_1139 : f32 to vector<16xf32>
        %mul3A_1178 = arith.mulf %mul3A_1177, %get3A_62 : vector<16xf32>
        %add3A_1179 = arith.addf %add3A_1176, %mul3A_1178 : vector<16xf32>
        %mul3A_1180 = vector.broadcast %squeeze3A_1141 : f32 to vector<16xf32>
        %mul3A_1181 = arith.mulf %mul3A_1180, %get3A_67 : vector<16xf32>
        %add3A_1182 = arith.addf %add3A_1179, %mul3A_1181 : vector<16xf32>
        %mul3A_1183 = vector.broadcast %squeeze3A_1143 : f32 to vector<16xf32>
        %mul3A_1184 = arith.mulf %mul3A_1183, %get3A_72 : vector<16xf32>
        %add3A_1185 = arith.addf %add3A_1182, %mul3A_1184 : vector<16xf32>
        %get3A_1186 = arith.index_cast %add3A_1135 : i32 to index
        %get3A_1187 = arith.constant 16 : index
        %get3A_1188 = tpu.vector_load %arg13[%get3A_1186, %get3A_1187] {strides = array<i32>} : memref<80x128xf32, #tpu.memory_space<vmem>>, vector<1x16xf32>,
        %get3A_1189 = vector.shape_cast %get3A_1188 : vector<1x16xf32> to vector<16xf32>
        %get3A_1190 = arith.index_cast %add3A_1135 : i32 to index
        %get3A_1191 = arith.constant 16 : index
        %get3A_1192 = tpu.vector_load %arg14[%get3A_1190, %get3A_1191] {strides = array<i32>} : memref<80x128xf32, #tpu.memory_space<vmem>>, vector<1x16xf32>,
        %get3A_1193 = vector.shape_cast %get3A_1192 : vector<1x16xf32> to vector<16xf32>
        %add3A_1194 = arith.addf %get3A_1189, %get3A_1193 : vector<16xf32>
        %add3A_1195 = arith.addf %add3A_1194, %add3A_1185 : vector<16xf32>
        %max3A_1196 = arith.constant 0.000000e+00 : f32
        %max3A_1197 = vector.broadcast %max3A_1196 : f32 to vector<16xf32>
        %max3A_1198 = arith.maximumf %add3A_1195, %max3A_1197 : vector<16xf32>
        %swap3A_1199 = arith.index_cast %add3A_1135 : i32 to index
        %swap3A_1200 = arith.constant 16 : index
        %swap3A_1201 = tpu.vector_load %arg13[%swap3A_1199, %swap3A_1200] {strides = array<i32>} : memref<80x128xf32, #tpu.memory_space<vmem>>, vector<1x16xf32>,
        %swap3A_1202 = vector.shape_cast %swap3A_1201 : vector<1x16xf32> to vector<16xf32>
        %swap3A_1203 = vector.shape_cast %max3A_1198 : vector<16xf32> to vector<1x16xf32>
        tpu.vector_store %arg13[%swap3A_1199, %swap3A_1200], %swap3A_1203 {strides = array<i32>} : memref<80x128xf32, #tpu.memory_space<vmem>>, vector<1x16xf32>,
        %mul3A_1204 = vector.broadcast %squeeze3A_1137 : f32 to vector<16xf32>
        %mul3A_1205 = arith.mulf %mul3A_1204, %get3A_82 : vector<16xf32>
        %add3A_1206 = arith.addf %get3A_102, %mul3A_1205 : vector<16xf32>
        %mul3A_1207 = vector.broadcast %squeeze3A_1139 : f32 to vector<16xf32>
        %mul3A_1208 = arith.mulf %mul3A_1207, %get3A_87 : vector<16xf32>
        %add3A_1209 = arith.addf %add3A_1206, %mul3A_1208 : vector<16xf32>
        %mul3A_1210 = vector.broadcast %squeeze3A_1141 : f32 to vector<16xf32>
        %mul3A_1211 = arith.mulf %mul3A_1210, %get3A_92 : vector<16xf32>
        %add3A_1212 = arith.addf %add3A_1209, %mul3A_1211 : vector<16xf32>
        %mul3A_1213 = vector.broadcast %squeeze3A_1143 : f32 to vector<16xf32>
        %mul3A_1214 = arith.mulf %mul3A_1213, %get3A_97 : vector<16xf32>
        %add3A_1215 = arith.addf %add3A_1212, %mul3A_1214 : vector<16xf32>
        %get3A_1216 = arith.index_cast %add3A_1135 : i32 to index
        %get3A_1217 = arith.constant 32 : index
        %get3A_1218 = tpu.vector_load %arg13[%get3A_1216, %get3A_1217] {strides = array<i32>} : memref<80x128xf32, #tpu.memory_space<vmem>>, vector<1x16xf32>,
        %get3A_1219 = vector.shape_cast %get3A_1218 : vector<1x16xf32> to vector<16xf32>
        %get3A_1220 = arith.index_cast %add3A_1135 : i32 to index
        %get3A_1221 = arith.constant 32 : index
        %get3A_1222 = tpu.vector_load %arg14[%get3A_1220, %get3A_1221] {strides = array<i32>} : memref<80x128xf32, #tpu.memory_space<vmem>>, vector<1x16xf32>,
        %get3A_1223 = vector.shape_cast %get3A_1222 : vector<1x16xf32> to vector<16xf32>
        %add3A_1224 = arith.addf %get3A_1219, %get3A_1223 : vector<16xf32>
        %add3A_1225 = arith.addf %add3A_1224, %add3A_1215 : vector<16xf32>
        %max3A_1226 = arith.constant 0.000000e+00 : f32
        %max3A_1227 = vector.broadcast %max3A_1226 : f32 to vector<16xf32>
        %max3A_1228 = arith.maximumf %add3A_1225, %max3A_1227 : vector<16xf32>
        %swap3A_1229 = arith.index_cast %add3A_1135 : i32 to index
        %swap3A_1230 = arith.constant 32 : index
        %swap3A_1231 = tpu.vector_load %arg13[%swap3A_1229, %swap3A_1230] {strides = array<i32>} : memref<80x128xf32, #tpu.memory_space<vmem>>, vector<1x16xf32>,
        %swap3A_1232 = vector.shape_cast %swap3A_1231 : vector<1x16xf32> to vector<16xf32>
        %swap3A_1233 = vector.shape_cast %max3A_1228 : vector<16xf32> to vector<1x16xf32>
        tpu.vector_store %arg13[%swap3A_1229, %swap3A_1230], %swap3A_1233 {strides = array<i32>} : memref<80x128xf32, #tpu.memory_space<vmem>>, vector<1x16xf32>,
        %mul3A_1234 = vector.broadcast %squeeze3A_1137 : f32 to vector<16xf32>
        %mul3A_1235 = arith.mulf %mul3A_1234, %get3A_107 : vector<16xf32>
        %add3A_1236 = arith.addf %get3A_127, %mul3A_1235 : vector<16xf32>
        %mul3A_1237 = vector.broadcast %squeeze3A_1139 : f32 to vector<16xf32>
        %mul3A_1238 = arith.mulf %mul3A_1237, %get3A_112 : vector<16xf32>
        %add3A_1239 = arith.addf %add3A_1236, %mul3A_1238 : vector<16xf32>
        %mul3A_1240 = vector.broadcast %squeeze3A_1141 : f32 to vector<16xf32>
        %mul3A_1241 = arith.mulf %mul3A_1240, %get3A_117 : vector<16xf32>
        %add3A_1242 = arith.addf %add3A_1239, %mul3A_1241 : vector<16xf32>
        %mul3A_1243 = vector.broadcast %squeeze3A_1143 : f32 to vector<16xf32>
        %mul3A_1244 = arith.mulf %mul3A_1243, %get3A_122 : vector<16xf32>
        %add3A_1245 = arith.addf %add3A_1242, %mul3A_1244 : vector<16xf32>
        %get3A_1246 = arith.index_cast %add3A_1135 : i32 to index
        %get3A_1247 = arith.constant 48 : index
        %get3A_1248 = tpu.vector_load %arg13[%get3A_1246, %get3A_1247] {strides = array<i32>} : memref<80x128xf32, #tpu.memory_space<vmem>>, vector<1x16xf32>,
        %get3A_1249 = vector.shape_cast %get3A_1248 : vector<1x16xf32> to vector<16xf32>
        %get3A_1250 = arith.index_cast %add3A_1135 : i32 to index
        %get3A_1251 = arith.constant 48 : index
        %get3A_1252 = tpu.vector_load %arg14[%get3A_1250, %get3A_1251] {strides = array<i32>} : memref<80x128xf32, #tpu.memory_space<vmem>>, vector<1x16xf32>,
        %get3A_1253 = vector.shape_cast %get3A_1252 : vector<1x16xf32> to vector<16xf32>
        %add3A_1254 = arith.addf %get3A_1249, %get3A_1253 : vector<16xf32>
        %add3A_1255 = arith.addf %add3A_1254, %add3A_1245 : vector<16xf32>
        %max3A_1256 = arith.constant 0.000000e+00 : f32
        %max3A_1257 = vector.broadcast %max3A_1256 : f32 to vector<16xf32>
        %max3A_1258 = arith.maximumf %add3A_1255, %max3A_1257 : vector<16xf32>
        %swap3A_1259 = arith.index_cast %add3A_1135 : i32 to index
        %swap3A_1260 = arith.constant 48 : index
        %swap3A_1261 = tpu.vector_load %arg13[%swap3A_1259, %swap3A_1260] {strides = array<i32>} : memref<80x128xf32, #tpu.memory_space<vmem>>, vector<1x16xf32>,
        %swap3A_1262 = vector.shape_cast %swap3A_1261 : vector<1x16xf32> to vector<16xf32>
        %swap3A_1263 = vector.shape_cast %max3A_1258 : vector<16xf32> to vector<1x16xf32>
        tpu.vector_store %arg13[%swap3A_1259, %swap3A_1260], %swap3A_1263 {strides = array<i32>} : memref<80x128xf32, #tpu.memory_space<vmem>>, vector<1x16xf32>,
        %mul3A_1264 = vector.broadcast %squeeze3A_1137 : f32 to vector<16xf32>
        %mul3A_1265 = arith.mulf %mul3A_1264, %get3A_132 : vector<16xf32>
        %add3A_1266 = arith.addf %get3A_152, %mul3A_1265 : vector<16xf32>
        %mul3A_1267 = vector.broadcast %squeeze3A_1139 : f32 to vector<16xf32>
        %mul3A_1268 = arith.mulf %mul3A_1267, %get3A_137 : vector<16xf32>
        %add3A_1269 = arith.addf %add3A_1266, %mul3A_1268 : vector<16xf32>
        %mul3A_1270 = vector.broadcast %squeeze3A_1141 : f32 to vector<16xf32>
        %mul3A_1271 = arith.mulf %mul3A_1270, %get3A_142 : vector<16xf32>
        %add3A_1272 = arith.addf %add3A_1269, %mul3A_1271 : vector<16xf32>
        %mul3A_1273 = vector.broadcast %squeeze3A_1143 : f32 to vector<16xf32>
        %mul3A_1274 = arith.mulf %mul3A_1273, %get3A_147 : vector<16xf32>
        %add3A_1275 = arith.addf %add3A_1272, %mul3A_1274 : vector<16xf32>
        %get3A_1276 = arith.index_cast %add3A_1135 : i32 to index
        %get3A_1277 = arith.constant 64 : index
        %get3A_1278 = tpu.vector_load %arg13[%get3A_1276, %get3A_1277] {strides = array<i32>} : memref<80x128xf32, #tpu.memory_space<vmem>>, vector<1x16xf32>,
        %get3A_1279 = vector.shape_cast %get3A_1278 : vector<1x16xf32> to vector<16xf32>
        %get3A_1280 = arith.index_cast %add3A_1135 : i32 to index
        %get3A_1281 = arith.constant 64 : index
        %get3A_1282 = tpu.vector_load %arg14[%get3A_1280, %get3A_1281] {strides = array<i32>} : memref<80x128xf32, #tpu.memory_space<vmem>>, vector<1x16xf32>,
        %get3A_1283 = vector.shape_cast %get3A_1282 : vector<1x16xf32> to vector<16xf32>
        %add3A_1284 = arith.addf %get3A_1279, %get3A_1283 : vector<16xf32>
        %add3A_1285 = arith.addf %add3A_1284, %add3A_1275 : vector<16xf32>
        %max3A_1286 = arith.constant 0.000000e+00 : f32
        %max3A_1287 = vector.broadcast %max3A_1286 : f32 to vector<16xf32>
        %max3A_1288 = arith.maximumf %add3A_1285, %max3A_1287 : vector<16xf32>
        %swap3A_1289 = arith.index_cast %add3A_1135 : i32 to index
        %swap3A_1290 = arith.constant 64 : index
        %swap3A_1291 = tpu.vector_load %arg13[%swap3A_1289, %swap3A_1290] {strides = array<i32>} : memref<80x128xf32, #tpu.memory_space<vmem>>, vector<1x16xf32>,
        %swap3A_1292 = vector.shape_cast %swap3A_1291 : vector<1x16xf32> to vector<16xf32>
        %swap3A_1293 = vector.shape_cast %max3A_1288 : vector<16xf32> to vector<1x16xf32>
        tpu.vector_store %arg13[%swap3A_1289, %swap3A_1290], %swap3A_1293 {strides = array<i32>} : memref<80x128xf32, #tpu.memory_space<vmem>>, vector<1x16xf32>,
        %mul3A_1294 = vector.broadcast %squeeze3A_1137 : f32 to vector<16xf32>
        %mul3A_1295 = arith.mulf %mul3A_1294, %get3A_157 : vector<16xf32>
        %add3A_1296 = arith.addf %get3A_177, %mul3A_1295 : vector<16xf32>
        %mul3A_1297 = vector.broadcast %squeeze3A_1139 : f32 to vector<16xf32>
        %mul3A_1298 = arith.mulf %mul3A_1297, %get3A_162 : vector<16xf32>
        %add3A_1299 = arith.addf %add3A_1296, %mul3A_1298 : vector<16xf32>
        %mul3A_1300 = vector.broadcast %squeeze3A_1141 : f32 to vector<16xf32>
        %mul3A_1301 = arith.mulf %mul3A_1300, %get3A_167 : vector<16xf32>
        %add3A_1302 = arith.addf %add3A_1299, %mul3A_1301 : vector<16xf32>
        %mul3A_1303 = vector.broadcast %squeeze3A_1143 : f32 to vector<16xf32>
        %mul3A_1304 = arith.mulf %mul3A_1303, %get3A_172 : vector<16xf32>
        %add3A_1305 = arith.addf %add3A_1302, %mul3A_1304 : vector<16xf32>
        %get3A_1306 = arith.index_cast %add3A_1135 : i32 to index
        %get3A_1307 = arith.constant 80 : index
        %get3A_1308 = tpu.vector_load %arg13[%get3A_1306, %get3A_1307] {strides = array<i32>} : memref<80x128xf32, #tpu.memory_space<vmem>>, vector<1x16xf32>,
        %get3A_1309 = vector.shape_cast %get3A_1308 : vector<1x16xf32> to vector<16xf32>
        %get3A_1310 = arith.index_cast %add3A_1135 : i32 to index
        %get3A_1311 = arith.constant 80 : index
        %get3A_1312 = tpu.vector_load %arg14[%get3A_1310, %get3A_1311] {strides = array<i32>} : memref<80x128xf32, #tpu.memory_space<vmem>>, vector<1x16xf32>,
        %get3A_1313 = vector.shape_cast %get3A_1312 : vector<1x16xf32> to vector<16xf32>
        %add3A_1314 = arith.addf %get3A_1309, %get3A_1313 : vector<16xf32>
        %add3A_1315 = arith.addf %add3A_1314, %add3A_1305 : vector<16xf32>
        %max3A_1316 = arith.constant 0.000000e+00 : f32
        %max3A_1317 = vector.broadcast %max3A_1316 : f32 to vector<16xf32>
        %max3A_1318 = arith.maximumf %add3A_1315, %max3A_1317 : vector<16xf32>
        %swap3A_1319 = arith.index_cast %add3A_1135 : i32 to index
        %swap3A_1320 = arith.constant 80 : index
        %swap3A_1321 = tpu.vector_load %arg13[%swap3A_1319, %swap3A_1320] {strides = array<i32>} : memref<80x128xf32, #tpu.memory_space<vmem>>, vector<1x16xf32>,
        %swap3A_1322 = vector.shape_cast %swap3A_1321 : vector<1x16xf32> to vector<16xf32>
        %swap3A_1323 = vector.shape_cast %max3A_1318 : vector<16xf32> to vector<1x16xf32>
        tpu.vector_store %arg13[%swap3A_1319, %swap3A_1320], %swap3A_1323 {strides = array<i32>} : memref<80x128xf32, #tpu.memory_space<vmem>>, vector<1x16xf32>,
        %mul3A_1324 = vector.broadcast %squeeze3A_1137 : f32 to vector<16xf32>
        %mul3A_1325 = arith.mulf %mul3A_1324, %get3A_182 : vector<16xf32>
        %add3A_1326 = arith.addf %get3A_202, %mul3A_1325 : vector<16xf32>
        %mul3A_1327 = vector.broadcast %squeeze3A_1139 : f32 to vector<16xf32>
        %mul3A_1328 = arith.mulf %mul3A_1327, %get3A_187 : vector<16xf32>
        %add3A_1329 = arith.addf %add3A_1326, %mul3A_1328 : vector<16xf32>
        %mul3A_1330 = vector.broadcast %squeeze3A_1141 : f32 to vector<16xf32>
        %mul3A_1331 = arith.mulf %mul3A_1330, %get3A_192 : vector<16xf32>
        %add3A_1332 = arith.addf %add3A_1329, %mul3A_1331 : vector<16xf32>
        %mul3A_1333 = vector.broadcast %squeeze3A_1143 : f32 to vector<16xf32>
        %mul3A_1334 = arith.mulf %mul3A_1333, %get3A_197 : vector<16xf32>
        %add3A_1335 = arith.addf %add3A_1332, %mul3A_1334 : vector<16xf32>
        %get3A_1336 = arith.index_cast %add3A_1135 : i32 to index
        %get3A_1337 = arith.constant 96 : index
        %get3A_1338 = tpu.vector_load %arg13[%get3A_1336, %get3A_1337] {strides = array<i32>} : memref<80x128xf32, #tpu.memory_space<vmem>>, vector<1x16xf32>,
        %get3A_1339 = vector.shape_cast %get3A_1338 : vector<1x16xf32> to vector<16xf32>
        %get3A_1340 = arith.index_cast %add3A_1135 : i32 to index
        %get3A_1341 = arith.constant 96 : index
        %get3A_1342 = tpu.vector_load %arg14[%get3A_1340, %get3A_1341] {strides = array<i32>} : memref<80x128xf32, #tpu.memory_space<vmem>>, vector<1x16xf32>,
        %get3A_1343 = vector.shape_cast %get3A_1342 : vector<1x16xf32> to vector<16xf32>
        %add3A_1344 = arith.addf %get3A_1339, %get3A_1343 : vector<16xf32>
        %add3A_1345 = arith.addf %add3A_1344, %add3A_1335 : vector<16xf32>
        %max3A_1346 = arith.constant 0.000000e+00 : f32
        %max3A_1347 = vector.broadcast %max3A_1346 : f32 to vector<16xf32>
        %max3A_1348 = arith.maximumf %add3A_1345, %max3A_1347 : vector<16xf32>
        %swap3A_1349 = arith.index_cast %add3A_1135 : i32 to index
        %swap3A_1350 = arith.constant 96 : index
        %swap3A_1351 = tpu.vector_load %arg13[%swap3A_1349, %swap3A_1350] {strides = array<i32>} : memref<80x128xf32, #tpu.memory_space<vmem>>, vector<1x16xf32>,
        %swap3A_1352 = vector.shape_cast %swap3A_1351 : vector<1x16xf32> to vector<16xf32>
        %swap3A_1353 = vector.shape_cast %max3A_1348 : vector<16xf32> to vector<1x16xf32>
        tpu.vector_store %arg13[%swap3A_1349, %swap3A_1350], %swap3A_1353 {strides = array<i32>} : memref<80x128xf32, #tpu.memory_space<vmem>>, vector<1x16xf32>,
        %mul3A_1354 = vector.broadcast %squeeze3A_1137 : f32 to vector<16xf32>
        %mul3A_1355 = arith.mulf %mul3A_1354, %get3A_207 : vector<16xf32>
        %add3A_1356 = arith.addf %get3A_227, %mul3A_1355 : vector<16xf32>
        %mul3A_1357 = vector.broadcast %squeeze3A_1139 : f32 to vector<16xf32>
        %mul3A_1358 = arith.mulf %mul3A_1357, %get3A_212 : vector<16xf32>
        %add3A_1359 = arith.addf %add3A_1356, %mul3A_1358 : vector<16xf32>
        %mul3A_1360 = vector.broadcast %squeeze3A_1141 : f32 to vector<16xf32>
        %mul3A_1361 = arith.mulf %mul3A_1360, %get3A_217 : vector<16xf32>
        %add3A_1362 = arith.addf %add3A_1359, %mul3A_1361 : vector<16xf32>
        %mul3A_1363 = vector.broadcast %squeeze3A_1143 : f32 to vector<16xf32>
        %mul3A_1364 = arith.mulf %mul3A_1363, %get3A_222 : vector<16xf32>
        %add3A_1365 = arith.addf %add3A_1362, %mul3A_1364 : vector<16xf32>
        %get3A_1366 = arith.index_cast %add3A_1135 : i32 to index
        %get3A_1367 = arith.constant 112 : index
        %get3A_1368 = tpu.vector_load %arg13[%get3A_1366, %get3A_1367] {strides = array<i32>} : memref<80x128xf32, #tpu.memory_space<vmem>>, vector<1x16xf32>,
        %get3A_1369 = vector.shape_cast %get3A_1368 : vector<1x16xf32> to vector<16xf32>
        %get3A_1370 = arith.index_cast %add3A_1135 : i32 to index
        %get3A_1371 = arith.constant 112 : index
        %get3A_1372 = tpu.vector_load %arg14[%get3A_1370, %get3A_1371] {strides = array<i32>} : memref<80x128xf32, #tpu.memory_space<vmem>>, vector<1x16xf32>,
        %get3A_1373 = vector.shape_cast %get3A_1372 : vector<1x16xf32> to vector<16xf32>
        %add3A_1374 = arith.addf %get3A_1369, %get3A_1373 : vector<16xf32>
        %add3A_1375 = arith.addf %add3A_1374, %add3A_1365 : vector<16xf32>
        %max3A_1376 = arith.constant 0.000000e+00 : f32
        %max3A_1377 = vector.broadcast %max3A_1376 : f32 to vector<16xf32>
        %max3A_1378 = arith.maximumf %add3A_1375, %max3A_1377 : vector<16xf32>
        %swap3A_1379 = arith.index_cast %add3A_1135 : i32 to index
        %swap3A_1380 = arith.constant 112 : index
        %swap3A_1381 = tpu.vector_load %arg13[%swap3A_1379, %swap3A_1380] {strides = array<i32>} : memref<80x128xf32, #tpu.memory_space<vmem>>, vector<1x16xf32>,
        %swap3A_1382 = vector.shape_cast %swap3A_1381 : vector<1x16xf32> to vector<16xf32>
        %swap3A_1383 = vector.shape_cast %max3A_1378 : vector<16xf32> to vector<1x16xf32>
        tpu.vector_store %arg13[%swap3A_1379, %swap3A_1380], %swap3A_1383 {strides = array<i32>} : memref<80x128xf32, #tpu.memory_space<vmem>>, vector<1x16xf32>,
        %scan3A_1384 = arith.constant 0 : i32
        scf.yield %scan3A_1384 : i32
      }
      %scan3A_369 = arith.constant 20 : i32
      %run_scoped3A = arith.constant 0 : i32
      "tpu.region"() ({
        %run_scoped3A_372 = tpu.sem_alloc : memref<!tpu.dma_semaphore, #tpu.memory_space<semaphore_mem>>
        %dma_start3A_373 = arith.constant 0 : i32
        %dma_start3A_374 = tpu.memref_slice %arg12[%run_scoped3A, %dma_start3A_373] : memref<1x80xi32, #tpu.memory_space<vmem>> -> memref<1x80xi32, #tpu.memory_space<vmem>>
        %dma_start3A_375 = tpu.memref_squeeze %dma_start3A_374 : memref<1x80xi32, #tpu.memory_space<vmem>> -> memref<80xi32, #tpu.memory_space<vmem>>
        %dma_start3A_376 = arith.constant 0 : i32
        %dma_start3A_377 = arith.constant 0 : i32
        %dma_start3A_378 = tpu.memref_slice %arg19[%dma_start3A_376, %dma_start3A_377] : memref<5128x128xf32, #tpu.memory_space<vmem_shared>> -> memref<5128x128xf32, #tpu.memory_space<vmem_shared>>
        tpu.enqueue_indirect_dma source(%arg13 : memref<80x128xf32, #tpu.memory_space<vmem>>) target(%dma_start3A_378 : memref<5128x128xf32, #tpu.memory_space<vmem_shared>>) offsets(%dma_start3A_375 : memref<80xi32, #tpu.memory_space<vmem>>) semaphore(%run_scoped3A_372 : memref<!tpu.dma_semaphore, #tpu.memory_space<semaphore_mem>>) {add = true}
        %dma_wait3A_379 = arith.constant 0 : i32
        %dma_wait3A_380 = tpu.memref_slice %arg12[%run_scoped3A, %dma_wait3A_379] : memref<1x80xi32, #tpu.memory_space<vmem>> -> memref<1x80xi32, #tpu.memory_space<vmem>>
        %dma_wait3A_381 = tpu.memref_squeeze %dma_wait3A_380 : memref<1x80xi32, #tpu.memory_space<vmem>> -> memref<80xi32, #tpu.memory_space<vmem>>
        %dma_wait3A_382 = arith.constant 0 : i32
        %dma_wait3A_383 = arith.constant 0 : i32
        %dma_wait3A_384 = tpu.memref_slice %arg19[%dma_wait3A_382, %dma_wait3A_383] : memref<5128x128xf32, #tpu.memory_space<vmem_shared>> -> memref<5128x128xf32, #tpu.memory_space<vmem_shared>>
        tpu.wait_indirect_dma semaphore(%run_scoped3A_372 : memref<!tpu.dma_semaphore, #tpu.memory_space<semaphore_mem>>) src(%arg13 : memref<80x128xf32, #tpu.memory_space<vmem>>) dst(%dma_wait3A_384 : memref<5128x128xf32, #tpu.memory_space<vmem_shared>>)
        tpu.yield
      }) : () -> ()
      %run_scoped3A_370 = arith.constant 0 : i32
      "tpu.region"() ({
        %run_scoped3A_372 = tpu.sem_alloc : memref<!tpu.dma_semaphore, #tpu.memory_space<semaphore_mem>>
        %dma_start3A_373 = arith.constant 0 : i32
        %dma_start3A_374 = tpu.memref_slice %arg12[%run_scoped3A_370, %dma_start3A_373] : memref<1x80xi32, #tpu.memory_space<vmem>> -> memref<1x80xi32, #tpu.memory_space<vmem>>
        %dma_start3A_375 = tpu.memref_squeeze %dma_start3A_374 : memref<1x80xi32, #tpu.memory_space<vmem>> -> memref<80xi32, #tpu.memory_space<vmem>>
        %dma_start3A_376 = arith.constant 0 : i32
        %dma_start3A_377 = arith.constant 0 : i32
        %dma_start3A_378 = tpu.memref_slice %arg20[%dma_start3A_376, %dma_start3A_377] : memref<5128x16xf32, #tpu.memory_space<vmem_shared>> -> memref<5128x16xf32, #tpu.memory_space<vmem_shared>>
        tpu.enqueue_indirect_dma source(%arg17 : memref<80x16xf32, #tpu.memory_space<vmem>>) target(%dma_start3A_378 : memref<5128x16xf32, #tpu.memory_space<vmem_shared>>) offsets(%dma_start3A_375 : memref<80xi32, #tpu.memory_space<vmem>>) semaphore(%run_scoped3A_372 : memref<!tpu.dma_semaphore, #tpu.memory_space<semaphore_mem>>) {add = true}
        %dma_wait3A_379 = arith.constant 0 : i32
        %dma_wait3A_380 = tpu.memref_slice %arg12[%run_scoped3A_370, %dma_wait3A_379] : memref<1x80xi32, #tpu.memory_space<vmem>> -> memref<1x80xi32, #tpu.memory_space<vmem>>
        %dma_wait3A_381 = tpu.memref_squeeze %dma_wait3A_380 : memref<1x80xi32, #tpu.memory_space<vmem>> -> memref<80xi32, #tpu.memory_space<vmem>>
        %dma_wait3A_382 = arith.constant 0 : i32
        %dma_wait3A_383 = arith.constant 0 : i32
        %dma_wait3A_384 = tpu.memref_slice %arg20[%dma_wait3A_382, %dma_wait3A_383] : memref<5128x16xf32, #tpu.memory_space<vmem_shared>> -> memref<5128x16xf32, #tpu.memory_space<vmem_shared>>
        tpu.wait_indirect_dma semaphore(%run_scoped3A_372 : memref<!tpu.dma_semaphore, #tpu.memory_space<semaphore_mem>>) src(%arg17 : memref<80x16xf32, #tpu.memory_space<vmem>>) dst(%dma_wait3A_384 : memref<5128x16xf32, #tpu.memory_space<vmem_shared>>)
        tpu.yield
      }) : () -> ()
      %scan3A_371 = arith.constant 0 : i32
      scf.yield %scan3A_371 : i32
    }
    %scan3A_236 = arith.constant 250 : i32
    %barrier3A_237 = arith.constant 0 : index
    tpu.barrier barrier_id(%barrier3A_237)
    %scan3A_238 = arith.constant 0 : i32
    %scan3A_239 = arith.constant 0 : i32
    %scan3A_240 = arith.constant 20 : i32
    %scan3A_241 = arith.addi %scan3A_239, %scan3A_240 : i32
    %scan3A_242 = arith.constant 1 : i32
    %scan3A_243 = scf.for %scan3A_245 = %scan3A_239 to %scan3A_241 step %scan3A_242 iter_args(%scan3A_246 = %scan3A_238) -> (i32)  : i32 {
      %mul3A_247 = arith.constant 320 : i32
      %mul3A_248 = arith.muli %arg1, %mul3A_247 : i32
      %mul3A_249 = arith.constant 16 : i32
      %mul3A_250 = arith.muli %scan3A_245, %mul3A_249 : i32
      %add3A = arith.addi %mul3A_248, %mul3A_250 : i32
      "tpu.region"() ({
        %run_scoped3A = tpu.sem_alloc : memref<!tpu.dma_semaphore, #tpu.memory_space<semaphore_mem>>
        %dma_start3A = arith.constant 0 : i32
        %dma_start3A_252 = tpu.memref_slice %arg8[%arg0, %add3A, %dma_start3A] : memref<2x5120x128xf32, #tpu.memory_space<hbm>> -> memref<1x16x128xf32, #tpu.memory_space<hbm>>
        %dma_start3A_253 = tpu.memref_squeeze %dma_start3A_252 : memref<1x16x128xf32, #tpu.memory_space<hbm>> -> memref<16x128xf32, #tpu.memory_space<hbm>>
        %dma_start3A_254 = arith.constant 0 : i32
        %dma_start3A_255 = tpu.memref_slice %arg19[%add3A, %dma_start3A_254] : memref<5128x128xf32, #tpu.memory_space<vmem_shared>> -> memref<16x128xf32, #tpu.memory_space<vmem_shared>>
        tpu.enqueue_dma source(%dma_start3A_255 : memref<16x128xf32, #tpu.memory_space<vmem_shared>>) target(%dma_start3A_253 : memref<16x128xf32, #tpu.memory_space<hbm>>) target_semaphore(%run_scoped3A : memref<!tpu.dma_semaphore, #tpu.memory_space<semaphore_mem>>)
        %dma_wait3A = arith.constant 0 : i32
        %dma_wait3A_256 = tpu.memref_slice %arg8[%arg0, %add3A, %dma_wait3A] : memref<2x5120x128xf32, #tpu.memory_space<hbm>> -> memref<1x16x128xf32, #tpu.memory_space<hbm>>
        %dma_wait3A_257 = tpu.memref_squeeze %dma_wait3A_256 : memref<1x16x128xf32, #tpu.memory_space<hbm>> -> memref<16x128xf32, #tpu.memory_space<hbm>>
        %dma_wait3A_258 = arith.constant 0 : i32
        %dma_wait3A_259 = tpu.memref_slice %arg19[%add3A, %dma_wait3A_258] : memref<5128x128xf32, #tpu.memory_space<vmem_shared>> -> memref<16x128xf32, #tpu.memory_space<vmem_shared>>
        tpu.wait_dma2 semaphore(%run_scoped3A : memref<!tpu.dma_semaphore, #tpu.memory_space<semaphore_mem>>) src(%dma_wait3A_259 : memref<16x128xf32, #tpu.memory_space<vmem_shared>>) dst(%dma_wait3A_257 : memref<16x128xf32, #tpu.memory_space<hbm>>)
        tpu.yield
      }) : () -> ()
      "tpu.region"() ({
        %run_scoped3A = tpu.sem_alloc : memref<!tpu.dma_semaphore, #tpu.memory_space<semaphore_mem>>
        %dma_start3A = arith.constant 0 : i32
        %dma_start3A_252 = tpu.memref_slice %arg9[%arg0, %add3A, %dma_start3A] : memref<2x5120x16xf32, #tpu.memory_space<hbm>> -> memref<1x16x16xf32, #tpu.memory_space<hbm>>
        %dma_start3A_253 = tpu.memref_squeeze %dma_start3A_252 : memref<1x16x16xf32, #tpu.memory_space<hbm>> -> memref<16x16xf32, #tpu.memory_space<hbm>>
        %dma_start3A_254 = arith.constant 0 : i32
        %dma_start3A_255 = tpu.memref_slice %arg20[%add3A, %dma_start3A_254] : memref<5128x16xf32, #tpu.memory_space<vmem_shared>> -> memref<16x16xf32, #tpu.memory_space<vmem_shared>>
        tpu.enqueue_dma source(%dma_start3A_255 : memref<16x16xf32, #tpu.memory_space<vmem_shared>>) target(%dma_start3A_253 : memref<16x16xf32, #tpu.memory_space<hbm>>) target_semaphore(%run_scoped3A : memref<!tpu.dma_semaphore, #tpu.memory_space<semaphore_mem>>)
        %dma_wait3A = arith.constant 0 : i32
        %dma_wait3A_256 = tpu.memref_slice %arg9[%arg0, %add3A, %dma_wait3A] : memref<2x5120x16xf32, #tpu.memory_space<hbm>> -> memref<1x16x16xf32, #tpu.memory_space<hbm>>
        %dma_wait3A_257 = tpu.memref_squeeze %dma_wait3A_256 : memref<1x16x16xf32, #tpu.memory_space<hbm>> -> memref<16x16xf32, #tpu.memory_space<hbm>>
        %dma_wait3A_258 = arith.constant 0 : i32
        %dma_wait3A_259 = tpu.memref_slice %arg20[%add3A, %dma_wait3A_258] : memref<5128x16xf32, #tpu.memory_space<vmem_shared>> -> memref<16x16xf32, #tpu.memory_space<vmem_shared>>
        tpu.wait_dma2 semaphore(%run_scoped3A : memref<!tpu.dma_semaphore, #tpu.memory_space<semaphore_mem>>) src(%dma_wait3A_259 : memref<16x16xf32, #tpu.memory_space<vmem_shared>>) dst(%dma_wait3A_257 : memref<16x16xf32, #tpu.memory_space<hbm>>)
        tpu.yield
      }) : () -> ()
      %scan3A_251 = arith.constant 0 : i32
      scf.yield %scan3A_251 : i32
    }
    %scan3A_244 = arith.constant 20 : i32
    return
  }
}

module attributes {stable_mosaic.version = 14 : i64} {
  func.func @_proj_body(%arg0: i32, %arg1: memref<1000x128xf32, #tpu.memory_space<vmem>>, %arg2: memref<260x128xf32, #tpu.memory_space<vmem>>, %arg3: memref<1000x128xf32, #tpu.memory_space<vmem>>, %arg4: memref<1000x128xf32, #tpu.memory_space<vmem>>) attributes {dimension_semantics = [#tpu.dimension_semantics<arbitrary>], iteration_bounds = array<i64: 10>, scalar_prefetch = 0 : i64, scratch_operands = 0 : i64, tpu.core_type = #tpu.core_type<tc>, window_params = [{transform_indices = @transform_0, window_bounds = array<i64: 1000, 128>}, {pipeline_mode = #tpu.pipeline_mode<synchronous>, transform_indices = @transform_1, window_bounds = array<i64: 260, 128>}, {transform_indices = @transform_2, window_bounds = array<i64: 1000, 128>}, {transform_indices = @transform_3, window_bounds = array<i64: 1000, 128>}]} {
    %get3A = arith.constant 0 : index
    %get3A_0 = arith.constant 0 : index
    %get3A_1 = vector.load %arg1[%get3A, %get3A_0] : memref<1000x128xf32, #tpu.memory_space<vmem>>, vector<1000x128xf32>
    %get3A_2 = arith.constant 0 : index
    %get3A_3 = arith.constant 0 : index
    %get3A_4 = vector.load %arg2[%get3A_2, %get3A_3] : memref<260x128xf32, #tpu.memory_space<vmem>>, vector<128x128xf32>
    %dot_general3A = arith.constant dense<0.000000e+00> : vector<1000x128xf32>
    %dot_general3A_5 = tpu.matmul %get3A_1, %get3A_4, %dot_general3A {dimension_numbers = #tpu.dot_dimension_numbers<[1], [0], [0], [1], [0, 0, 1, 1], [], []>, transpose_lhs_hint = false} : vector<1000x128xf32>, vector<128x128xf32>, vector<1000x128xf32> -> vector<1000x128xf32>
    %swap3A = arith.constant 0 : index
    %swap3A_6 = arith.constant 0 : index
    %swap3A_7 = vector.load %arg3[%swap3A, %swap3A_6] : memref<1000x128xf32, #tpu.memory_space<vmem>>, vector<1000x128xf32>
    tpu.vector_store %arg3[%swap3A, %swap3A_6], %dot_general3A_5 {strides = array<i32>} : memref<1000x128xf32, #tpu.memory_space<vmem>>, vector<1000x128xf32>,
    %get3A_8 = arith.constant 128 : index
    %get3A_9 = arith.constant 0 : index
    %get3A_10 = vector.load %arg2[%get3A_8, %get3A_9] : memref<260x128xf32, #tpu.memory_space<vmem>>, vector<128x128xf32>
    %dot_general3A_11 = arith.constant dense<0.000000e+00> : vector<1000x128xf32>
    %dot_general3A_12 = tpu.matmul %get3A_1, %get3A_10, %dot_general3A_11 {dimension_numbers = #tpu.dot_dimension_numbers<[1], [0], [0], [1], [0, 0, 1, 1], [], []>, transpose_lhs_hint = false} : vector<1000x128xf32>, vector<128x128xf32>, vector<1000x128xf32> -> vector<1000x128xf32>
    %swap3A_13 = arith.constant 0 : index
    %swap3A_14 = arith.constant 0 : index
    %swap3A_15 = vector.load %arg4[%swap3A_13, %swap3A_14] : memref<1000x128xf32, #tpu.memory_space<vmem>>, vector<1000x128xf32>
    tpu.vector_store %arg4[%swap3A_13, %swap3A_14], %dot_general3A_12 {strides = array<i32>} : memref<1000x128xf32, #tpu.memory_space<vmem>>, vector<1000x128xf32>,
    return
  }
  func.func @transform_0(%arg0: i32) -> (i32, i32) {
    %c0_i32 = arith.constant 0 : i32
    %c0_i32_0 = arith.constant 0 : i32
    return %arg0, %c0_i32 : i32, i32
  }
  func.func @transform_1(%arg0: i32) -> (i32, i32) {
    %c0_i32 = arith.constant 0 : i32
    %c0_i32_0 = arith.constant 0 : i32
    %c0_i32_1 = arith.constant 0 : i32
    return %c0_i32, %c0_i32_0 : i32, i32
  }
  func.func @transform_2(%arg0: i32) -> (i32, i32) {
    %c0_i32 = arith.constant 0 : i32
    %c0_i32_0 = arith.constant 0 : i32
    return %arg0, %c0_i32 : i32, i32
  }
  func.func @transform_3(%arg0: i32) -> (i32, i32) {
    %c0_i32 = arith.constant 0 : i32
    %c0_i32_0 = arith.constant 0 : i32
    return %arg0, %c0_i32 : i32, i32
  }
}

module attributes {stable_mosaic.version = 14 : i64} {
  func.func @_node_body(%arg0: i32, %arg1: memref<1000x128xf32, #tpu.memory_space<vmem>>, %arg2: memref<1000x128xf32, #tpu.memory_space<vmem>>, %arg3: memref<1000x16xf32, #tpu.memory_space<vmem>>, %arg4: memref<128x128xf32, #tpu.memory_space<vmem>>, %arg5: memref<1x128xf32, #tpu.memory_space<vmem>>, %arg6: memref<256x128xf32, #tpu.memory_space<vmem>>, %arg7: memref<1x128xf32, #tpu.memory_space<vmem>>, %arg8: memref<128x128xf32, #tpu.memory_space<vmem>>, %arg9: memref<1x128xf32, #tpu.memory_space<vmem>>, %arg10: memref<1000x128xf32, #tpu.memory_space<vmem>>) attributes {dimension_semantics = [#tpu.dimension_semantics<arbitrary>], iteration_bounds = array<i64: 10>, scalar_prefetch = 0 : i64, scratch_operands = 0 : i64, tpu.core_type = #tpu.core_type<tc>, window_params = [{transform_indices = @transform_0, window_bounds = array<i64: 1000, 128>}, {transform_indices = @transform_1, window_bounds = array<i64: 1000, 128>}, {transform_indices = @transform_2, window_bounds = array<i64: 1000, 16>}, {pipeline_mode = #tpu.pipeline_mode<synchronous>, transform_indices = @transform_3, window_bounds = array<i64: 128, 128>}, {pipeline_mode = #tpu.pipeline_mode<synchronous>, transform_indices = @transform_4, window_bounds = array<i64: 1, 128>}, {pipeline_mode = #tpu.pipeline_mode<synchronous>, transform_indices = @transform_5, window_bounds = array<i64: 256, 128>}, {pipeline_mode = #tpu.pipeline_mode<synchronous>, transform_indices = @transform_6, window_bounds = array<i64: 1, 128>}, {pipeline_mode = #tpu.pipeline_mode<synchronous>, transform_indices = @transform_7, window_bounds = array<i64: 128, 128>}, {pipeline_mode = #tpu.pipeline_mode<synchronous>, transform_indices = @transform_8, window_bounds = array<i64: 1, 128>}, {transform_indices = @transform_9, window_bounds = array<i64: 1000, 128>}]} {
    %get3A = arith.constant 0 : index
    %get3A_0 = arith.constant 0 : index
    %get3A_1 = vector.load %arg1[%get3A, %get3A_0] : memref<1000x128xf32, #tpu.memory_space<vmem>>, vector<1000x128xf32>
    %get3A_2 = arith.constant 0 : index
    %get3A_3 = arith.constant 0 : index
    %get3A_4 = vector.load %arg3[%get3A_2, %get3A_3] : memref<1000x16xf32, #tpu.memory_space<vmem>>, vector<1000x1xf32>
    %get3A_5 = arith.constant 0 : index
    %get3A_6 = arith.constant 0 : index
    %get3A_7 = vector.load %arg2[%get3A_5, %get3A_6] : memref<1000x128xf32, #tpu.memory_space<vmem>>, vector<1000x128xf32>
    %get3A_8 = arith.constant 0 : index
    %get3A_9 = arith.constant 0 : index
    %get3A_10 = vector.load %arg4[%get3A_8, %get3A_9] : memref<128x128xf32, #tpu.memory_space<vmem>>, vector<128x128xf32>
    %dot_general3A = arith.constant dense<0.000000e+00> : vector<1000x128xf32>
    %dot_general3A_11 = tpu.matmul %get3A_7, %get3A_10, %dot_general3A {dimension_numbers = #tpu.dot_dimension_numbers<[1], [0], [0], [1], [0, 0, 1, 1], [], []>, transpose_lhs_hint = false} : vector<1000x128xf32>, vector<128x128xf32>, vector<1000x128xf32> -> vector<1000x128xf32>
    %get3A_12 = arith.constant 0 : index
    %get3A_13 = arith.constant 0 : index
    %get3A_14 = vector.load %arg5[%get3A_12, %get3A_13] : memref<1x128xf32, #tpu.memory_space<vmem>>, vector<1x128xf32>
    %mul3A = vector.broadcast %get3A_4 : vector<1000x1xf32> to vector<1000x128xf32>
    %mul3A_15 = vector.broadcast %get3A_14 : vector<1x128xf32> to vector<1000x128xf32>
    %mul3A_16 = arith.mulf %mul3A, %mul3A_15 : vector<1000x128xf32>
    %add3A = arith.addf %dot_general3A_11, %mul3A_16 : vector<1000x128xf32>
    %get3A_17 = arith.constant 0 : index
    %get3A_18 = arith.constant 0 : index
    %get3A_19 = vector.load %arg6[%get3A_17, %get3A_18] : memref<256x128xf32, #tpu.memory_space<vmem>>, vector<128x128xf32>
    %dot_general3A_20 = arith.constant dense<0.000000e+00> : vector<1000x128xf32>
    %dot_general3A_21 = tpu.matmul %get3A_1, %get3A_19, %dot_general3A_20 {dimension_numbers = #tpu.dot_dimension_numbers<[1], [0], [0], [1], [0, 0, 1, 1], [], []>, transpose_lhs_hint = false} : vector<1000x128xf32>, vector<128x128xf32>, vector<1000x128xf32> -> vector<1000x128xf32>
    %get3A_22 = arith.constant 128 : index
    %get3A_23 = arith.constant 0 : index
    %get3A_24 = vector.load %arg6[%get3A_22, %get3A_23] : memref<256x128xf32, #tpu.memory_space<vmem>>, vector<128x128xf32>
    %dot_general3A_25 = arith.constant dense<0.000000e+00> : vector<1000x128xf32>
    %dot_general3A_26 = tpu.matmul %add3A, %get3A_24, %dot_general3A_25 {dimension_numbers = #tpu.dot_dimension_numbers<[1], [0], [0], [1], [0, 0, 1, 1], [], []>, transpose_lhs_hint = false} : vector<1000x128xf32>, vector<128x128xf32>, vector<1000x128xf32> -> vector<1000x128xf32>
    %add3A_27 = arith.addf %dot_general3A_21, %dot_general3A_26 : vector<1000x128xf32>
    %get3A_28 = arith.constant 0 : index
    %get3A_29 = arith.constant 0 : index
    %get3A_30 = vector.load %arg7[%get3A_28, %get3A_29] : memref<1x128xf32, #tpu.memory_space<vmem>>, vector<1x128xf32>
    %add3A_31 = vector.broadcast %get3A_30 : vector<1x128xf32> to vector<1000x128xf32>
    %add3A_32 = arith.addf %add3A_27, %add3A_31 : vector<1000x128xf32>
    %max3A = arith.constant 0.000000e+00 : f32
    %max3A_33 = vector.broadcast %max3A : f32 to vector<1000x128xf32>
    %max3A_34 = arith.maximumf %add3A_32, %max3A_33 : vector<1000x128xf32>
    %get3A_35 = arith.constant 0 : index
    %get3A_36 = arith.constant 0 : index
    %get3A_37 = vector.load %arg8[%get3A_35, %get3A_36] : memref<128x128xf32, #tpu.memory_space<vmem>>, vector<128x128xf32>
    %dot_general3A_38 = arith.constant dense<0.000000e+00> : vector<1000x128xf32>
    %dot_general3A_39 = tpu.matmul %max3A_34, %get3A_37, %dot_general3A_38 {dimension_numbers = #tpu.dot_dimension_numbers<[1], [0], [0], [1], [0, 0, 1, 1], [], []>, transpose_lhs_hint = false} : vector<1000x128xf32>, vector<128x128xf32>, vector<1000x128xf32> -> vector<1000x128xf32>
    %get3A_40 = arith.constant 0 : index
    %get3A_41 = arith.constant 0 : index
    %get3A_42 = vector.load %arg9[%get3A_40, %get3A_41] : memref<1x128xf32, #tpu.memory_space<vmem>>, vector<1x128xf32>
    %add3A_43 = vector.broadcast %get3A_42 : vector<1x128xf32> to vector<1000x128xf32>
    %add3A_44 = arith.addf %dot_general3A_39, %add3A_43 : vector<1000x128xf32>
    %add3A_45 = arith.addf %add3A_44, %get3A_1 : vector<1000x128xf32>
    %swap3A = arith.constant 0 : index
    %swap3A_46 = arith.constant 0 : index
    %swap3A_47 = vector.load %arg10[%swap3A, %swap3A_46] : memref<1000x128xf32, #tpu.memory_space<vmem>>, vector<1000x128xf32>
    tpu.vector_store %arg10[%swap3A, %swap3A_46], %add3A_45 {strides = array<i32>} : memref<1000x128xf32, #tpu.memory_space<vmem>>, vector<1000x128xf32>,
    return
  }
  func.func @transform_0(%arg0: i32) -> (i32, i32) {
    %c0_i32 = arith.constant 0 : i32
    %c0_i32_0 = arith.constant 0 : i32
    return %arg0, %c0_i32 : i32, i32
  }
  func.func @transform_1(%arg0: i32) -> (i32, i32) {
    %c0_i32 = arith.constant 0 : i32
    %c0_i32_0 = arith.constant 0 : i32
    return %arg0, %c0_i32 : i32, i32
  }
  func.func @transform_2(%arg0: i32) -> (i32, i32) {
    %c0_i32 = arith.constant 0 : i32
    %c0_i32_0 = arith.constant 0 : i32
    return %arg0, %c0_i32 : i32, i32
  }
  func.func @transform_3(%arg0: i32) -> (i32, i32) {
    %c0_i32 = arith.constant 0 : i32
    %c0_i32_0 = arith.constant 0 : i32
    %c0_i32_1 = arith.constant 0 : i32
    return %c0_i32, %c0_i32_0 : i32, i32
  }
  func.func @transform_4(%arg0: i32) -> (i32, i32) {
    %c0_i32 = arith.constant 0 : i32
    %c0_i32_0 = arith.constant 0 : i32
    %c0_i32_1 = arith.constant 0 : i32
    return %c0_i32, %c0_i32_0 : i32, i32
  }
  func.func @transform_5(%arg0: i32) -> (i32, i32) {
    %c0_i32 = arith.constant 0 : i32
    %c0_i32_0 = arith.constant 0 : i32
    %c0_i32_1 = arith.constant 0 : i32
    return %c0_i32, %c0_i32_0 : i32, i32
  }
  func.func @transform_6(%arg0: i32) -> (i32, i32) {
    %c0_i32 = arith.constant 0 : i32
    %c0_i32_0 = arith.constant 0 : i32
    %c0_i32_1 = arith.constant 0 : i32
    return %c0_i32, %c0_i32_0 : i32, i32
  }
  func.func @transform_7(%arg0: i32) -> (i32, i32) {
    %c0_i32 = arith.constant 0 : i32
    %c0_i32_0 = arith.constant 0 : i32
    %c0_i32_1 = arith.constant 0 : i32
    return %c0_i32, %c0_i32_0 : i32, i32
  }
  func.func @transform_8(%arg0: i32) -> (i32, i32) {
    %c0_i32 = arith.constant 0 : i32
    %c0_i32_0 = arith.constant 0 : i32
    %c0_i32_1 = arith.constant 0 : i32
    return %c0_i32, %c0_i32_0 : i32, i32
  }
  func.func @transform_9(%arg0: i32) -> (i32, i32) {
    %c0_i32 = arith.constant 0 : i32
    %c0_i32_0 = arith.constant 0 : i32
    return %arg0, %c0_i32 : i32, i32
  }
}

</mosaic_0001>

<sc_bundles>
// kernel: kernel.5.cloned.1.call-start
scs
__scs_entry_jumppad:
0x0: {  	(pc) =	sbr.rel $0x88, $3  }
0x1: {  	(tag) =	ssettag $0x0;
	lr =	simm.s32 $0x1  }
0x2: {  	[smem:$0x3F96] =	sst lr;
	_ =	strace $0xD0000000  }
0x3: {  	_ = 	snop  }
0x4: {  	_ = 	snop  }
0x5: {  	_ = 	snop  }
0x6: {  	_ = 	snop  }
0x7: {  	_ = 	snop  }
__scs_overlays_trampoline_lowered:
0x8: {  	[smem:$0x3FA5] =	sst s0  }
0x9: {  	[smem:$0x3FA6] =	sst s1  }
0xa: {  	[smem:$0x3FA7] =	sst s2  }
0xb: {  	[smem:$0x3FA8] =	sst s3  }
0xc: {  	[smem:$0x3FA9] =	sst s4  }
0xd: {  	[smem:$0x3FAA] =	sst s5  }
0xe: {  	[smem:$0x3FAB] =	sst s6  }
0xf: {  	[smem:$0x3FAC] =	sst s7  }
0x10: {  	[smem:$0x3FAD] =	sst s8  }
0x11: {  	[smem:$0x3FAE] =	sst s9;
	s0 =	simm.s32 @!p0 $0x0  }
0x12: {  	s1 =	sld [smem:$0x3F94];
	s0 =	simm.s32 @p0 $0x1  }
0x13: {  	[smem:$0x3FAF] =	sst s0;
	s0 =	simm.s32 @!p1 $0x0  }
0x14: {  	s2 =	sld [smem:$0x3F93];
	s0 =	simm.s32 @p1 $0x1  }
0x15: {  	[smem:$0x3FB0] =	sst s0;
	s0 =	simm.s32 @!p2 $0x0  }
0x16: {  	s3 =	sld [smem:$0x3FDB];
	s0 =	simm.s32 @p2 $0x1  }
0x17: {  	s4 =	simm.s32 $0x1BF5;
	[smem:$0x3FB2] =	sst s0  }
0x18: {  	s0 =	sld [smem:$0x3F95];
	_ =	swait.ge [sflag:s4], $0x0  }
0x19: {  	s7 =	sld [smem:$0x3F96]  }
0x1a: {  	s8 =	sadd.s32 $0xFFFFE003, lr  }
0x1b: {  	s9 =	sadd.s32 $0xFFFFFEF7, lr;
	s5 =	simm.s32 $0xFFFFFFFF;
	p2 =	slt.u32 s8, $0xFFFFF086  }
0x1c: {  	p1 =	slt.u32 s9, $0xF7A;
	s5 =	simm.s32 @!p2 $0x0  }
0x1d: {  	s5 =	simm.s32 @p1 $0x1;
	p0 =	seq.s32 s7, s2  }
0x1e: {  	s7 =	smul.u32 @!p0 $0xF7A, s2;
	p2 =	seq.s32 @!p0 s5, $0x0  }
0x1f: {  	s9 =	smul.u32 $0xF7A, s1;
	s8 =	simm.s32 @!p0 $0x1BF5;
	p2 =	por !p2, p0  }
0x20: {  	[sflag:s8] =	ssyncset.s32 @!p0 $0xFFFFF086;
	s6 =	sadd.s32 @!p0 s3, s7;
	s7 =	simm.s32 @!p0 $0x108  }
0x21: {  	s3 =	sadd.s32 s3, s9;
	s6 =	sadd.s32 @!p0 $0x88, s6;
	s7 =	simm.s32 @p2 $0x1082  }
0x22: {  	[simem:s7], [sflag:s8] =	dma.local @!p0 [hbm:s6], $0xF7A  }
0x23: {  	s9 =	sor.u32 $0xD0000000, s2;
	s6 =	simm.s32 $0x108;
	_ =	swait.ge @!p0 [sflag:s8], $0x0  }
0x24: {  	s3 =	sadd.s32 $0x88, s3;
	s6 =	simm.s32 @!p1 $0x1082;
	[sflag:s4] =	ssyncset.s32 $0xFFFFF086  }
0x25: {  	[simem:s6], [sflag:s4] =	dma.local [hbm:s3], $0xF7A  }
0x26: {  	[smem:$0x3F96] =	sst s1;
	(tag) =	ssettag s2;
	_ =	strace s9  }
0x27: {  	s1 =	sld [smem:$0x3FA6]  }
0x28: {  	s2 =	sld [smem:$0x3FA7]  }
0x29: {  	s4 =	sld [smem:$0x3FA9]  }
0x2a: {  	p0 =	seq.s32 s5, $0x0;
	s5 =	sld [smem:$0x3FAA]  }
0x2b: {  	s6 =	sld [smem:$0x3FAB]  }
0x2c: {  	s7 =	sld [smem:$0x3FAC]  }
0x2d: {  	s3 =	simm.s32 $0x108;
	s8 =	sld [smem:$0x3FAD]  }
0x2e: {  	s3 =	simm.s32 @!p0 $0x1082;
	s9 =	sld [smem:$0x3FAE]  }
0x2f: {  	lr =	sadd.s32 s0, s3;
	s0 =	sld [smem:$0x3FA5]  }
0x30: {  	s3 =	sld [smem:$0x3FA8]  }
0x31: {  	[smem:$0x3FB1] =	sst s10  }
0x32: {  	s10 =	sld [smem:$0x3FAF];
	_ =	sdelay $0x3  }
0x33: {  	p0 =	seq.s32 s10, $0x1;
	s10 =	sld [smem:$0x3FB1];
	_ =	sdelay $0x3  }
0x34: {  	[smem:$0x3FB1] =	sst s10  }
0x35: {  	s10 =	sld [smem:$0x3FB0];
	_ =	sdelay $0x3  }
0x36: {  	p1 =	seq.s32 s10, $0x1;
	s10 =	sld [smem:$0x3FB1];
	_ =	sdelay $0x3  }
0x37: {  	[smem:$0x3FB1] =	sst s10  }
0x38: {  	s10 =	sld [smem:$0x3FB2]  }
0x39: {  	_ = 	snop;
	(pc) =	sbr.ind lr, $3  }
0x3a: {  	_ = 	snop  }
0x3b: {  	_ = 	snop  }
0x3c: {  	p2 =	seq.s32 s10, $0x1;
	s10 =	sld [smem:$0x3FB1]  }
0x3d: {  	_ =	shalt  }
0x3e: {  	_ =	shalt  }
0x3f: {  	_ =	shalt  }
0x40: {  	_ =	shalt  }
0x41: {  	_ =	shalt  }
0x42: {  	_ =	shalt  }
0x43: {  	_ =	shalt  }
0x44: {  	_ =	shalt  }
0x45: {  	_ =	shalt  }
0x46: {  	_ =	shalt  }
0x47: {  	_ =	shalt  }
0x48: {  	_ =	shalt  }
0x49: {  	_ =	shalt  }
0x4a: {  	_ =	shalt  }
0x4b: {  	_ =	shalt  }
0x4c: {  	_ =	shalt  }
0x4d: {  	_ =	shalt  }
0x4e: {  	_ =	shalt  }
0x4f: {  	_ =	shalt  }
0x50: {  	_ =	shalt  }
0x51: {  	_ =	shalt  }
0x52: {  	_ =	shalt  }
0x53: {  	_ =	shalt  }
0x54: {  	_ =	shalt  }
0x55: {  	_ =	shalt  }
0x56: {  	_ =	shalt  }
0x57: {  	_ =	shalt  }
0x58: {  	_ =	shalt  }
0x59: {  	_ =	shalt  }
0x5a: {  	_ =	shalt  }
0x5b: {  	_ =	shalt  }
0x5c: {  	_ =	shalt  }
0x5d: {  	_ =	shalt  }
0x5e: {  	_ =	shalt  }
0x5f: {  	_ =	shalt  }
0x60: {  	_ =	shalt  }
0x61: {  	_ =	shalt  }
0x62: {  	_ =	shalt  }
0x63: {  	_ =	shalt  }
0x64: {  	_ =	shalt  }
0x65: {  	_ =	shalt  }
0x66: {  	_ =	shalt  }
0x67: {  	_ =	shalt  }
0x68: {  	_ =	shalt  }
0x69: {  	_ =	shalt  }
0x6a: {  	_ =	shalt  }
0x6b: {  	_ =	shalt  }
0x6c: {  	_ =	shalt  }
0x6d: {  	_ =	shalt  }
0x6e: {  	_ =	shalt  }
0x6f: {  	_ =	shalt  }
0x70: {  	_ =	shalt  }
0x71: {  	_ =	shalt  }
0x72: {  	_ =	shalt  }
0x73: {  	_ =	shalt  }
0x74: {  	_ =	shalt  }
0x75: {  	_ =	shalt  }
0x76: {  	_ =	shalt  }
0x77: {  	_ =	shalt  }
0x78: {  	_ =	shalt  }
0x79: {  	_ =	shalt  }
0x7a: {  	_ =	shalt  }
0x7b: {  	_ =	shalt  }
0x7c: {  	_ =	shalt  }
0x7d: {  	_ =	shalt  }
0x7e: {  	_ =	shalt  }
0x7f: {  	_ =	shalt  }
0x80: {  	_ =	shalt  }
0x81: {  	_ =	shalt  }
0x82: {  	_ =	shalt  }
0x83: {  	_ =	shalt  }
0x84: {  	_ =	shalt  }
0x85: {  	_ =	shalt  }
0x86: {  	_ =	shalt  }
0x87: {  	_ =	shalt  }
.Lfunc_end0:
.L_simem_size_0:
called_computation_lowered:
.L_overlay_start_0:
0x88: {  	s2 =	sld [smem:$0x3FD9]  }
0x89: {  	s3 =	sld [smem:$0x3FFE];
	_ =	sdelay $0x1  }
0x8a: {  	s1 =	srdreg.scid  }
0x8b: {  	s0 =	sand.u32 $0x1, s1  }
0x8c: {  	s17 =	sshll.u32 s0, $0xA;
	s2 =	sadd.s32 s3, s2  }
0x8d: {  	s2 =	sadd.s32 s2, s17  }
0x8e: {  	[smem:$0x3FBD] =	sst s2  }
0x8f: {  	_ = 	snop  }
0x90: {  	s2 =	sld [smem:$0x3FD0];
	(tm) =	ssettm $0x1  }
0x91: {  	s18 =	sld [smem:$0x3FFB];
	_ =	sdelay $0x3  }
0x92: {  	_ =	strace s18  }
0x93: {  	s3 =	sld [smem:$0x3FFC];
	_ =	sdelay $0x3  }
0x94: {  	_ =	strace s3  }
0x95: {  	s3 =	sld [smem:$0x3FFD];
	_ =	sdelay $0x3  }
0x96: {  	_ =	strace s3  }
0x97: {  	_ =	strace $0x8FFFFFFF  }
0x98: {  	s19 =	sld [smem:$0x3FDB];
	_ =	sdelay $0x1  }
0x99: {  	s4 =	simm.s32 $_scs_section_size  }
0x9a: {  	s5 =	simm.s32 $_size__tile_overlayer_lowered;
	s6 =	simm.s32 $_tile_overlayer_lowered  }
0x9b: {  	s22 =	simm.s32 $0x1BFF;
	s21 =	sshll.u32 s6, $0x1;
	s3 =	sadd.s32 s4, s19  }
0x9c: {  	s7 =	simm.s32 $0x0;
	s20 =	sshll.u32 s5, $0x1;
	s5 =	sadd.s32 s21, s3  }
0x9d: {  	[timem:s7], [sflag:s22] =	dma.local [hbm:s5], s20  }
0x9e: {  	_ =	swait.ge [sflag:s22], s20  }
0x9f: {  	s4 =	ssub.s32 $0x0, s20;
	[sflag:s22] =	ssyncset.done $0x0  }
0xa0: {  	[sflag:s22] =	ssyncadd.s32 s4;
	_ =	sdelay $0x1  }
0xa1: {  	s23 =	simm.s32 $0x1B8B  }
0xa2: {  	_ =	swait.ge [sflag:s23], $0x1  }
0xa3: {  	[sflag:s23] =	ssyncset.done $0x0  }
0xa4: {  	s25 =	simm.s32 $0x1B8E;
	s24 =	sld [smem:$0x3FFE];
	[sflag:s23] =	ssyncadd.s32 $0xFFFFFFFF  }
0xa5: {  	s26 =	simm.s32 $execute0_lowered;
	[smem:$0x3FD2] =	sst s25  }
0xa6: {  	s5 =	sshll.u32 s26, $0x1;
	_ =	strace $0x80000046;
	[dreg:$0x1] =	wrdreg $0xFFFFFFFF  }
0xa7: {  	s28 =	simm.s32 $_size_execute0_lowered;
	s3 =	sadd.s32 s3, s5;
	[dreg:$0x0] =	wrdreg $0x0  }
0xa8: {  	s5 =	sshll.u32 s28, $0x1;
	[dreg:$0x2] =	wrdreg s3  }
0xa9: {  	[dreg:$0x3] =	wrdreg s5  }
0xaa: {  	[dreg:$0x4] =	wrdreg $0xC0  }
0xab: {  	_ =	task [dreg:s7], $0x5FFFF  }
0xac: {  	[dreg:$0x1] =	wrdreg $0xFFFFFFFF  }
0xad: {  	[dreg:$0x0] =	wrdreg $0x60  }
0xae: {  	[dreg:$0x2] =	wrdreg s2  }
0xaf: {  	[dreg:$0x3] =	wrdreg s24  }
0xb0: {  	[dreg:$0x4] =	wrdreg $0x87000  }
0xb1: {  	[dreg:$0x5] =	wrdreg $0x127400  }
0xb2: {  	[dreg:$0x6] =	wrdreg $0x9  }
0xb3: {  	_ =	task.clear_ibuf [dreg:s7], $0x7FFFF;
	_ =	strace $0x90000046  }
0xb4: {  	s29 =	simm.s32 $0x9;
	_ =	strace $0x80000048  }
0xb5: {  	_ =	swait.ge [sflag:s29], $0x1  }
0xb6: {  	[sflag:s29] =	ssyncadd.s32 $0xFFFFFFFF  }
0xb7: {  	_ =	strace $0x90000048  }
0xb8: {  	_ =	sfence  }
0xb9: {  	s30 =	sld [smem:$0x0];
	_ =	sdelay $0x2  }
0xba: {  	s31 =	sshll.u32 s1, $0xD;
	s1 =	sshrl.u32 s1, $0x2  }
0xbb: {  	s3 =	sand.u32 $0x4000, s31;
	s1 =	sadd.s32 s1, s30  }
0xbc: {  	s0 =	sor.u32 s3, s0;
	s1 =	sshll.u32 s1, $0x11  }
0xbd: {  	s0 =	sor.u32 s1, s0  }
0xbe: {  	s0 =	sadd.s32 $0x8F2B, s0  }
0xbf: {  	[sflag:s0] =	ssyncadd.remote.s32 $0x1  }
0xc0: {  	_ =	sfence.sel $0xFFFF  }
0xc1: {  	[dreg:$0x0] =	wrdreg $0xFFFFFFFF;
	(pc) =	sbr.abs _section_cstart, $3  }
0xc2: {  	[dreg:$0x1] =	wrdreg $0xFFFFFFFF  }
0xc3: {  	_ =	task.clear_ibuf [dreg:s7], $0x2FFFF;
	_ =	strace $0x9FFFFFFF  }
0xc4: {  	(tm) =	ssettm $0x7FFFFFFF  }
0xc5: {  	_ =	shalt  }
tec
execute0_lowered:
.L_overlay_start_1:
0x0: {  	(tag) =	ssettag $0x1  }
0x1: {  	s4 =	rddreg [dreg:$0x0]  }
0x2: {  	s0 =	rddreg [dreg:$0x1]  }
0x3: {  	s6 =	rddreg [dreg:$0x2]  }
0x4: {  	s25 =	rddreg [dreg:$0x3]  }
0x5: {  	s12 =	simm.s32 $0x0;
	s1 =	srdreg.scid;
	s11 =	stileid.u32  }
0x6: {  	s17 =	simm.s32 $0x180;
	s18 =	simm.s32 $0x6;
	s19 =	simm.s32 $0x7F00  }
0x7: {  	s21 =	simm.s32 $0x80;
	s28 =	simm.s32 $0x1;
	s29 =	simm.s32 $0x2  }
0x8: {  	s30 =	simm.s32 $0x100;
	[smem:$0x7FF] =	sst s12;
	s1 =	sand.u32 $0x1, s1  }
0x9: {  	s2 =	smul.u32 $0xA000, s11;
	s31 =	sadd.s32 $0x2C00, s0;
	s7 =	sadd.s32 $0x50BE00, s0  }
0xa: {  	s5 =	sadd.s32 $0x3DA00, s0;
	s9 =	sadd.s32 $0x33C00, s0;
	s8 =	smul.u32 $0x28000, s11  }
0xb: {  	s10 =	sadd.s32 $0x29E00, s0;
	s11 =	smul.u32 $0x4E20, s11;
	_ =	strace $0x80000047  }
0xc: {  	s3 =	smul.u32 $0xA0000, s1;
	[dreg:$0x7] =	wrdreg s5;
	s22 =	ssub.s32 $0x2, s1  }
0xd: {  	s1 =	smul.u32 $0x1400, s1;
	[dreg:$0x6] =	wrdreg s31;
	s23 =	sshrl.u32 s22, $0x1  }
0xe: {  	s26 =	sshrl.u32 s8, $0x2;
	s2 =	sadd.s32 s2, s3;
	s24 =	ssub.s32 s22, s23  }
0xf: {  	s13 =	sadd.s32 s26, s25;
	s14 =	sadd.s32 s26, s6;
	s22 =	simm.s32 $0x4  }
0x10: {  	v0 =	vimm.f32 $0.0e+00;
	vm0 =	vcmask $0x300;
	s23 =	simm.s32 $0x5;
	s26 =	simm.s32 $0x3;
	v1 =	vmov s1;
	s2 =	sshrl.u32 s2, $0x3  }
0x11: {  	[tilespmem:$0x1FFE0] =	vst v1;
	v1 =	vsel vm0, $0x3F800000, v0;
	s0 =	sadd.s32 s2, s0;
	s2 =	smax.u32 s24, $0x1;
	s24 =	simm.s32 $0x50  }
0x12: {  	[tilespmem:$0x1FFF0] =	vst v1;
	[dreg:$0x8] =	wrdreg s2;
	s15 =	sadd.s32 $0x65C00, s0;
	s16 =	sadd.s32 $0x3DC00, s0  }
.LBB2_1:
0x13: {  	s0 =	simm.s32 $0x0;
	s1 =	simm.s32 $0x200  }
.LBB2_2:
0x14: {  	p0 =	sne.s32 s1, $0x1E00;
	[tilespmem:s0+$0x7F00] =	vst v0  }
0x15: {  	[tilespmem:s0+$0x180] =	vst v0  }
0x16: {  	[tilespmem:s0+$0x190] =	vst v0  }
0x17: {  	[tilespmem:s0+$0x1A0] =	vst v0  }
.Ltmp0:
0x18: {  	[tilespmem:s0+$0x1B0] =	vst v0;
	(pc) =	sbr.rel @p0 .LBB2_2-.Ltmp0, $4  }
0x19: {  	[tilespmem:s0+$0x1C0] =	vst v0  }
0x1a: {  	[tilespmem:s0+$0x1D0] =	vst v0  }
0x1b: {  	[tilespmem:s0+$0x1E0] =	vst v0  }
0x1c: {  	[tilespmem:s0+$0x1F0] =	vst v0;
	s0 =	sshra.s32 s1, $0x2;
	s1 =	sadd.s32 $0x200, s1  }
0x1d: {  	[tilespmem:s0+$0x7F00] =	vst v0  }
0x1e: {  	[tilespmem:s0+$0x180] =	vst v0  }
0x1f: {  	[tilespmem:s0+$0x190] =	vst v0  }
0x20: {  	[tilespmem:s0+$0x1A0] =	vst v0  }
0x21: {  	[tilespmem:s0+$0x1B0] =	vst v0  }
0x22: {  	[tilespmem:s0+$0x1C0] =	vst v0  }
0x23: {  	[tilespmem:s0+$0x1D0] =	vst v0  }
0x24: {  	[tilespmem:s0+$0x1E0] =	vst v0  }
0x25: {  	[tilespmem:s0+$0x1F0] =	vst v0;
	s0 =	simm.s32 $0x200;
	s1 =	simm.s32 $0x0  }
.LBB2_4:
0x26: {  	p0 =	sne.s32 s0, $0x9E00;
	[tilespmem:s1+$0x5700] =	vst v1;
	s1 =	smov.u32 s0;
	s0 =	sadd.s32 $0x200, s0  }
.Ltmp1:
0x27: {  	(pc) =	sbr.rel @p0 .LBB2_4-.Ltmp1, $2  }
0x28: {  	_ =	sdelay $0x2  }
0x29: {  	s1 =	sshra.s32 s1, $0x2  }
0x2a: {  	[dreg:$0x5] =	wrdreg s12;
	[tilespmem:s1+$0x5700] =	vst v1;
	s0 =	sadd.s32 $0x0, s14  }
0x2b: {  	[spmem:s0] =	stream.linear.scatter [tilespmem:s17], [sflag:$0x6], $0x800, $0x38;
	[tilespmem:$0x13B48] =	vst v63  }
0x2c: {  	_ =	swait.ge [sflag:s18], $0x800  }
0x2d: {  	[sflag:s18] =	ssyncset.done $0x0  }
0x2e: {  	s20 =	sadd.s32 $0x0, s13;
	[sflag:s18] =	ssyncadd.s32 $0xFFFFF800  }
0x2f: {  	[spmem:s20] =	stream.linear.scatter [tilespmem:s19], [sflag:$0x6], $0x800, $0x38;
	[tilespmem:$0x13B48] =	vst v63  }
0x30: {  	_ =	swait.ge [sflag:s18], $0x800  }
0x31: {  	s1 =	simm.s32 $0x4000;
	s0 =	simm.s32 $0x800;
	[sflag:s18] =	ssyncset.done $0x0  }
.LBB2_6:
0x32: {  	s2 =	sadd.s32 s0, s14  }
0x33: {  	[sflag:s18] =	ssyncadd.s32 $0xFFFFF800;
	s3 =	smov.u32 s1;
	s5 =	sadd.s32 $0x2000, s1  }
0x34: {  	[spmem:s2] =	stream.linear.scatter [tilespmem:s17], [sflag:$0x6], $0x800, $0x38;
	[tilespmem:$0x13B48] =	vst v63  }
0x35: {  	p0 =	sne.s32 s1, $0x26000;
	_ =	swait.ge [sflag:s18], $0x800  }
.Ltmp2:
0x36: {  	[sflag:s18] =	ssyncset.done $0x0;
	(pc) =	sbr.rel @p0 .LBB2_6-.Ltmp2, $4  }
0x37: {  	s0 =	sadd.s32 s0, s13;
	[sflag:s18] =	ssyncadd.s32 $0xFFFFF800  }
0x38: {  	[spmem:s0] =	stream.linear.scatter [tilespmem:s19], [sflag:$0x6], $0x800, $0x38;
	[tilespmem:$0x13B48] =	vst v63  }
0x39: {  	_ =	swait.ge [sflag:s18], $0x800  }
0x3a: {  	s1 =	smov.u32 s5;
	s0 =	sshra.s32 s3, $0x2;
	[sflag:s18] =	ssyncset.done $0x0  }
0x3b: {  	s1 =	sadd.s32 s0, s14;
	[sflag:s18] =	ssyncadd.s32 $0xFFFFF800  }
0x3c: {  	[spmem:s1] =	stream.linear.scatter [tilespmem:s17], [sflag:$0x6], $0x800, $0x38;
	[tilespmem:$0x13B48] =	vst v63  }
0x3d: {  	_ =	swait.ge [sflag:s18], $0x800  }
0x3e: {  	[sflag:s18] =	ssyncset.done $0x0  }
0x3f: {  	s12 =	sadd.s32 s0, s13;
	[sflag:s18] =	ssyncadd.s32 $0xFFFFF800  }
0x40: {  	[spmem:s12] =	stream.linear.scatter [tilespmem:s19], [sflag:$0x6], $0x800, $0x38;
	[tilespmem:$0x13B48] =	vst v63  }
0x41: {  	_ =	swait.ge [sflag:s18], $0x800  }
0x42: {  	[sflag:s18] =	ssyncset.done $0x0  }
0x43: {  	[sflag:s18] =	ssyncadd.s32 $0xFFFFF800  }
0x44: {  	[bflag:$0x0] =	sbarrier.arrive $0xFFFF  }
0x45: {  	s0 =	simm.s32 $0x0;
	s2 =	simm.s32 $0x5300;
	s20 =	rddreg [dreg:$0x7]  }
0x46: {  	[tilespmem:s2], [sflag:$0x6] =	stream.linear.gather [hbm4b:s20+s0], $0x280, $0x38;
	[tilespmem:$0x13B48] =	vst v63  }
0x47: {  	_ =	swait.ge [sflag:s18], $0x280  }
0x48: {  	[sflag:s18] =	ssyncset.done $0x0  }
0x49: {  	[sflag:s18] =	ssyncadd.s32 $0xFFFFFD80  }
0x4a: {  	v14 =	vld [tilespmem:$0x54F0]  }
0x4b: {  	v56 =	vld [tilespmem:$0x54E0]  }
0x4c: {  	v2 =	vld [tilespmem:$0x5470]  }
0x4d: {  	v57 =	vld [tilespmem:$0x5540]  }
0x4e: {  	v4 =	vld [tilespmem:$0x5560]  }
0x4f: {  	v36 =	vld [tilespmem:$0x5370];
	[tilespmem:$0x1FD70] =	vst v14  }
0x50: {  	v37 =	vld [tilespmem:$0x5440];
	[tilespmem:$0x1FD80] =	vst v56  }
0x51: {  	v38 =	vld [tilespmem:$0x53F0];
	[tilespmem:$0x1FD90] =	vst v2  }
0x52: {  	v8 =	vld [tilespmem:$0x5340];
	[tilespmem:$0x1FDA0] =	vst v57  }
0x53: {  	v55 =	vld [tilespmem:$0x5530];
	[tilespmem:$0x1FDB0] =	vst v4  }
0x54: {  	v31 =	vld [tilespmem:$0x5460];
	[tilespmem:$0x1FDC0] =	vst v36  }
0x55: {  	v12 =	vld [tilespmem:$0x54C0];
	[tilespmem:$0x1FDD0] =	vst v37  }
0x56: {  	v46 =	vld [tilespmem:$0x5570];
	[tilespmem:$0x1FDE0] =	vst v38  }
0x57: {  	v15 =	vld [tilespmem:$0x5350];
	[tilespmem:$0x1FDF0] =	vst v8  }
0x58: {  	v16 =	vld [tilespmem:$0x54D0];
	[tilespmem:$0x1FE00] =	vst v55  }
0x59: {  	v17 =	vld [tilespmem:$0x53D0];
	[tilespmem:$0x1FE10] =	vst v31  }
0x5a: {  	v11 =	vld [tilespmem:$0x54B0];
	[tilespmem:$0x1FE20] =	vst v12  }
0x5b: {  	v54 =	vld [tilespmem:$0x53C0];
	[tilespmem:$0x1FE30] =	vst v46  }
0x5c: {  	v18 =	vld [tilespmem:$0x53E0];
	[tilespmem:$0x1FE40] =	vst v15  }
0x5d: {  	v19 =	vld [tilespmem:$0x5550];
	[tilespmem:$0x1FE50] =	vst v16  }
0x5e: {  	v20 =	vld [tilespmem:$0x5360];
	[tilespmem:$0x1FE60] =	vst v17  }
0x5f: {  	v41 =	vld [tilespmem:$0x5450];
	[tilespmem:$0x1FE70] =	vst v11  }
0x60: {  	v30 =	vld [tilespmem:$0x5380];
	[tilespmem:$0x1FE80] =	vst v54  }
0x61: {  	v29 =	vld [tilespmem:$0x5300];
	[tilespmem:$0x1FE90] =	vst v18  }
0x62: {  	v52 =	vld [tilespmem:$0x5400];
	[tilespmem:$0x1FEA0] =	vst v19  }
0x63: {  	v32 =	vld [tilespmem:$0x5310];
	[tilespmem:$0x1FEB0] =	vst v20  }
0x64: {  	v33 =	vld [tilespmem:$0x5500];
	[tilespmem:$0x1FEC0] =	vst v41  }
0x65: {  	v47 =	vld [tilespmem:$0x5480];
	[tilespmem:$0x1FED0] =	vst v30  }
0x66: {  	v48 =	vld [tilespmem:$0x54A0];
	[tilespmem:$0x1FEE0] =	vst v29  }
0x67: {  	v44 =	vld [tilespmem:$0x5420];
	[tilespmem:$0x1FEF0] =	vst v52  }
0x68: {  	v45 =	vld [tilespmem:$0x53A0];
	[tilespmem:$0x1FF00] =	vst v32  }
0x69: {  	v35 =	vld [tilespmem:$0x5320];
	[tilespmem:$0x1FF10] =	vst v33  }
0x6a: {  	v34 =	vld [tilespmem:$0x5410];
	[tilespmem:$0x1FF20] =	vst v47  }
0x6b: {  	v40 =	vld [tilespmem:$0x5390];
	[tilespmem:$0x1FF30] =	vst v48  }
0x6c: {  	v49 =	vld [tilespmem:$0x5510];
	[tilespmem:$0x1FF40] =	vst v44  }
0x6d: {  	v28 =	vld [tilespmem:$0x5430];
	[tilespmem:$0x1FF50] =	vst v45  }
0x6e: {  	v42 =	vld [tilespmem:$0x5490];
	[tilespmem:$0x1FF60] =	vst v35  }
0x6f: {  	v27 =	vld [tilespmem:$0x53B0];
	[tilespmem:$0x1FF70] =	vst v34  }
0x70: {  	v26 =	vld [tilespmem:$0x5330];
	[tilespmem:$0x1FF80] =	vst v40  }
0x71: {  	[tilespmem:$0x1FF90] =	vst v49  }
0x72: {  	[tilespmem:$0x1FFA0] =	vst v28  }
0x73: {  	[tilespmem:$0x1FFB0] =	vst v42  }
0x74: {  	[tilespmem:$0x1FFC0] =	vst v27  }
0x75: {  	s20 =	simm.s32 $0x0;
	v25 =	vld [tilespmem:$0x5520];
	[tilespmem:$0x1FFD0] =	vst v26  }
.LBB2_8:
0x76: {  	s1 =	smul.u32 $0x50, s20;
	_ =	sdelay $0x1  }
0x77: {  	s1 =	sadd.s32 s11, s1  }
0x78: {  	s2 =	sshrl.u32 s1, $0x1  }
0x79: {  	s8 =	simm.s32 $0x5180;
	s1 =	sshrl.u32 s1, $0x3;
	s2 =	sadd.s32 s7, s2  }
0x7a: {  	[tilespmem:s8], [sflag:$0x3] =	stream.linear.gather [hbm4b:s2+s0], $0x140, $0x38;
	[tilespmem:$0x13B48] =	vst v63  }
0x7b: {  	s5 =	sadd.s32 s9, s1  }
0x7c: {  	[tilespmem:s0], [sflag:$0x4] =	stream.linear.gather [hbm4b:s5+s0], $0x50, $0x38;
	[tilespmem:$0x13B48] =	vst v63  }
0x7d: {  	s1 =	sadd.s32 s10, s1  }
0x7e: {  	[tilespmem:s21], [sflag:$0x5] =	stream.linear.gather [hbm4b:s1+s0], $0x50, $0x38;
	[tilespmem:$0x13B48] =	vst v63  }
0x7f: {  	_ =	swait.ge [sflag:s22], $0x50  }
0x80: {  	[sflag:s22] =	ssyncset.done $0x0  }
0x81: {  	[sflag:s22] =	ssyncadd.s32 $0xFFFFFFB0  }
0x82: {  	_ =	swait.ge [sflag:s23], $0x50  }
0x83: {  	[sflag:s23] =	ssyncset.done $0x0  }
0x84: {  	[sflag:s23] =	ssyncadd.s32 $0xFFFFFFB0  }
0x85: {  	[tilespmem:s17], [sflag:$0x1] =	stream.indirect.gather [hbm4b:s4+s24], $0x80, s0, s24, $0xb8;
	[tilespmem:$0x13B48] =	vst v63  }
0x86: {  	s12 =	simm.s32 $0x2980  }
0x87: {  	[tilespmem:s12], [sflag:$0x2] =	stream.indirect.gather [hbm4b:s31+s24], $0x80, s21, s24, $0xb8;
	[tilespmem:$0x13B48] =	vst v63  }
0x88: {  	_ =	swait.ge [sflag:s26], $0x140  }
0x89: {  	[sflag:s26] =	ssyncset.done $0x0  }
0x8a: {  	v5 =	vld [tilespmem:$0x1FFE0];
	[sflag:s26] =	ssyncadd.s32 $0xFFFFFEC0  }
0x8b: {  	v0 =	vld [tilespmem:$0x80]  }
0x8c: {  	v1 =	vld [tilespmem:$0x90]  }
0x8d: {  	v2 =	vld [tilespmem:$0xA0]  }
0x8e: {  	v3 =	vld [tilespmem:$0xB0]  }
0x8f: {  	v4 =	vld [tilespmem:$0xC0]  }
0x90: {  	v0 =	vsub.s32 v0, v5  }
0x91: {  	v1 =	vsub.s32 v1, v5;
	v0 =	vmin.u32 v0, $0x1400  }
0x92: {  	[tilespmem:$0x100] =	vst v0;
	v0 =	vmin.u32 v1, $0x1400;
	v1 =	vsub.s32 v2, v5  }
0x93: {  	[tilespmem:$0x110] =	vst v0;
	v0 =	vmin.u32 v1, $0x1400;
	v1 =	vsub.s32 v3, v5  }
0x94: {  	[tilespmem:$0x120] =	vst v0;
	v0 =	vmin.u32 v1, $0x1400;
	v1 =	vsub.s32 v4, v5  }
0x95: {  	[tilespmem:$0x130] =	vst v0;
	v0 =	vmin.u32 v1, $0x1400  }
0x96: {  	[tilespmem:$0x140] =	vst v0  }
0x97: {  	_ =	swait.ge [sflag:s28], $0x2800  }
0x98: {  	[sflag:s28] =	ssyncset.done $0x0  }
0x99: {  	[sflag:s28] =	ssyncadd.s32 $0xFFFFD800  }
0x9a: {  	_ =	swait.ge [sflag:s29], $0x2800  }
0x9b: {  	[sflag:s29] =	ssyncset.done $0x0  }
0x9c: {  	s3 =	simm.s32 $0x0;
	[sflag:s29] =	ssyncadd.s32 $0xFFFFD800  }
0x9d: {  	v1 =	vld [tilespmem:s3+$0x2A80];
	_ =	sdelay $0x4  }
0x9e: {  	[tilespmem:$0x1FD30] =	vst v1;
	v1 =	vld [tilespmem:s3+$0x2A90];
	_ =	sdelay $0x4  }
0x9f: {  	[tilespmem:$0x1FD40] =	vst v1;
	v1 =	vld [tilespmem:s3+$0x2AA0];
	_ =	sdelay $0x4  }
0xa0: {  	[tilespmem:$0x1FD00] =	vst v1;
	v1 =	vld [tilespmem:s3+$0x270]  }
0xa1: {  	v21 =	vld [tilespmem:s3+$0x2980]  }
0xa2: {  	v22 =	vld [tilespmem:s3+$0x2990]  }
0xa3: {  	v12 =	vld [tilespmem:s3+$0x2B40]  }
0xa4: {  	v38 =	vld [tilespmem:s3+$0x340]  }
0xa5: {  	[tilespmem:$0x1FD50] =	vst v1;
	v1 =	vld [tilespmem:s3+$0x250]  }
0xa6: {  	v43 =	vld [tilespmem:s3+$0x2B50]  }
0xa7: {  	v46 =	vld [tilespmem:s3+$0x350]  }
0xa8: {  	v15 =	vld [tilespmem:s3+$0x2B20]  }
0xa9: {  	v50 =	vld [tilespmem:s3+$0x320]  }
0xaa: {  	v37 =	vld [tilespmem:s3+$0x2B30];
	[tilespmem:$0x1FD60] =	vst v1;
	v1 =	vadd.f32 v12, v38  }
0xab: {  	v39 =	vld [tilespmem:s3+$0x330]  }
0xac: {  	v14 =	vld [tilespmem:s3+$0x2B00];
	[tilespmem:$0x1FC60] =	vst v1;
	v1 =	vadd.f32 v43, v46  }
0xad: {  	v55 =	vld [tilespmem:s3+$0x300]  }
0xae: {  	v60 =	vld [tilespmem:s3+$0x2B10];
	[tilespmem:$0x1FC70] =	vst v1;
	v1 =	vadd.f32 v15, v50  }
0xaf: {  	v53 =	vld [tilespmem:s3+$0x310]  }
0xb0: {  	v17 =	vld [tilespmem:s3+$0x2AE0];
	[tilespmem:$0x1FC80] =	vst v1;
	v1 =	vadd.f32 v37, v39  }
0xb1: {  	v59 =	vld [tilespmem:s3+$0x2E0]  }
0xb2: {  	v36 =	vld [tilespmem:s3+$0x2AF0];
	[tilespmem:$0x1FC90] =	vst v1;
	v1 =	vadd.f32 v14, v55  }
0xb3: {  	v57 =	vld [tilespmem:s3+$0x2F0]  }
0xb4: {  	v16 =	vld [tilespmem:s3+$0x2AC0];
	[tilespmem:$0x1FCA0] =	vst v1;
	v1 =	vadd.f32 v60, v53  }
0xb5: {  	v10 =	vld [tilespmem:s3+$0x2C0]  }
0xb6: {  	v31 =	vld [tilespmem:s3+$0x2AD0];
	[tilespmem:$0x1FCB0] =	vst v1;
	v1 =	vadd.f32 v17, v59  }
0xb7: {  	v61 =	vld [tilespmem:s3+$0x2D0]  }
0xb8: {  	v41 =	vld [tilespmem:s3+$0x29A0];
	[tilespmem:$0x1FCC0] =	vst v1;
	v1 =	vadd.f32 v36, v57  }
0xb9: {  	v2 =	vld [tilespmem:s3+$0x29B0]  }
0xba: {  	v0 =	vld [tilespmem:s3+$0x29C0];
	[tilespmem:$0x1FCD0] =	vst v1;
	v1 =	vadd.f32 v16, v10  }
0xbb: {  	v3 =	vld [tilespmem:s3+$0x29D0]  }
0xbc: {  	v4 =	vld [tilespmem:s3+$0x29E0];
	[tilespmem:$0x1FCE0] =	vst v1;
	v1 =	vadd.f32 v31, v61  }
0xbd: {  	v18 =	vld [tilespmem:s3+$0x2A0]  }
0xbe: {  	[tilespmem:$0x1FCF0] =	vst v1;
	v1 =	vld [tilespmem:$0x1FD00]  }
0xbf: {  	v54 =	vld [tilespmem:s3+$0x2AB0]  }
0xc0: {  	v51 =	vld [tilespmem:s3+$0x2B0]  }
0xc1: {  	v5 =	vld [tilespmem:s3+$0x29F0]  }
0xc2: {  	v6 =	vld [tilespmem:s3+$0x2A00]  }
0xc3: {  	v7 =	vld [tilespmem:s3+$0x2A10];
	v1 =	vadd.f32 v1, v18  }
0xc4: {  	v8 =	vld [tilespmem:s3+$0x2A20]  }
0xc5: {  	v9 =	vld [tilespmem:s3+$0x2A30];
	[tilespmem:$0x1FD10] =	vst v1;
	v1 =	vadd.f32 v54, v51  }
0xc6: {  	v19 =	vld [tilespmem:s3+$0x280]  }
0xc7: {  	[tilespmem:$0x1FD20] =	vst v1;
	v1 =	vld [tilespmem:$0x1FD30]  }
0xc8: {  	v23 =	vld [tilespmem:s3+$0x2A40]  }
0xc9: {  	v62 =	vld [tilespmem:s3+$0x2A50]  }
0xca: {  	v24 =	vld [tilespmem:s3+$0x2A60]  }
0xcb: {  	v56 =	vld [tilespmem:s3+$0x290]  }
0xcc: {  	v55 =	vadd.f32 v1, v19;
	v1 =	vld [tilespmem:$0x1FD40]  }
0xcd: {  	v63 =	vld [tilespmem:s3+$0x2A70]  }
0xce: {  	v58 =	vld [tilespmem:s3+$0x260]  }
0xcf: {  	v20 =	vld [tilespmem:s3+$0x240]  }
0xd0: {  	v11 =	vld [tilespmem:s3+$0x230]  }
0xd1: {  	v57 =	vadd.f32 v1, v56;
	v1 =	vld [tilespmem:$0x1FD50]  }
0xd2: {  	v13 =	vld [tilespmem:s3+$0x220]  }
0xd3: {  	v12 =	vld [tilespmem:s3+$0x210]  }
0xd4: {  	v15 =	vld [tilespmem:s3+$0x200]  }
0xd5: {  	v14 =	vld [tilespmem:s3+$0x1F0]  }
0xd6: {  	v53 =	vadd.f32 v24, v58;
	v24 =	vadd.f32 v63, v1;
	v1 =	vld [tilespmem:$0x1FD60]  }
0xd7: {  	v17 =	vld [tilespmem:s3+$0x1E0]  }
0xd8: {  	v16 =	vld [tilespmem:s3+$0x1D0]  }
0xd9: {  	v51 =	vld [tilespmem:s8+$0x0]  }
0xda: {  	v18 =	vld [tilespmem:s3+$0x1C0]  }
0xdb: {  	s12 =	simm.s32 $0x800;
	v61 =	vadd.f32 v23, v20;
	v19 =	vld [tilespmem:s3+$0x1B0];
	v59 =	vadd.f32 v62, v1  }
.LBB2_9:
0xdc: {  	v10 =	vadd.f32 v8, v13  }
0xdd: {  	v20 =	vld [tilespmem:s3+$0x1A0];
	v8 =	vadd.f32 v9, v11;
	v9 =	vadd.f32 v6, v15  }
0xde: {  	v11 =	vld [tilespmem:s3+$0x190];
	v6 =	vadd.f32 v7, v12;
	v7 =	vadd.f32 v4, v17;
	v13 =	vbroadcast v51, $0x0  }
0xdf: {  	v12 =	vld [tilespmem:s3+$0x180];
	v4 =	vadd.f32 v5, v14;
	v5 =	vadd.f32 v0, v18  }
0xe0: {  	v3 =	vadd.f32 v3, v16;
	v17 =	vbroadcast v51, $0x1;
	v16 =	vmul.f32 v13, v29  }
0xe1: {  	v14 =	vadd.f32 v2, v19;
	v18 =	vmul.f32 v13, v32;
	v19 =	vmul.f32 v13, v35  }
0xe2: {  	v62 =	vbroadcast v51, $0x2;
	v15 =	vadd.f32 v41, v20;
	v16 =	vadd.f32 v16, v33  }
0xe3: {  	v20 =	vmul.f32 v17, v30;
	v18 =	vadd.f32 v18, v49;
	v19 =	vadd.f32 v19, v25  }
0xe4: {  	[tilespmem:$0x1FBB0] =	vst v55;
	v63 =	vmul.f32 v17, v40;
	v11 =	vadd.f32 v22, v11;
	v12 =	vadd.f32 v21, v12  }
0xe5: {  	[tilespmem:$0x1FB90] =	vst v59;
	v21 =	vbroadcast v51, $0x3;
	v16 =	vadd.f32 v16, v20;
	v20 =	vmul.f32 v62, v52  }
0xe6: {  	v59 =	vld [tilespmem:$0x1FE00];
	v55 =	vmovc v52;
	v22 =	vmul.f32 v17, v45;
	v18 =	vadd.f32 v18, v63;
	v52 =	vmul.f32 v62, v34  }
0xe7: {  	v23 =	vmul.f32 v21, v42;
	v16 =	vadd.f32 v16, v20;
	v20 =	vmul.f32 v21, v47  }
0xe8: {  	v19 =	vadd.f32 v19, v22;
	v22 =	vmul.f32 v62, v44;
	v18 =	vadd.f32 v18, v52  }
0xe9: {  	v31 =	vld [tilespmem:$0x1FE80];
	v54 =	vmul.f32 v13, v26;
	v16 =	vadd.f32 v16, v20  }
0xea: {  	v37 =	vld [tilespmem:$0x1FE40];
	v19 =	vadd.f32 v19, v22;
	v18 =	vadd.f32 v18, v23  }
0xeb: {  	v36 =	vld [tilespmem:$0x1FE60];
	v22 =	vmul.f32 v17, v27;
	v12 =	vadd.f32 v16, v12;
	v16 =	vadd.f32 v54, v59  }
0xec: {  	v43 =	vld [tilespmem:$0x1FEA0];
	v11 =	vadd.f32 v18, v11  }
0xed: {  	[tilespmem:$0x1FBA0] =	vst v24;
	v24 =	vld [tilespmem:$0x1FDF0];
	v23 =	vmul.f32 v62, v28;
	v16 =	vadd.f32 v16, v22  }
0xee: {  	v58 =	vld [tilespmem:$0x1FEC0];
	v11 =	vmax.f32 v11, $0.0e+00  }
0xef: {  	v20 =	vmul.f32 v21, v48;
	[tilespmem:s3+$0x190] =	vst v11;
	v11 =	vadd.f32 v16, v23;
	v23 =	vld [tilespmem:$0x1FDA0]  }
0xf0: {  	v54 =	vld [tilespmem:$0x1FE70]  }
0xf1: {  	[tilespmem:$0x1FBC0] =	vst v57;
	v57 =	vmov v30;
	v30 =	vld [tilespmem:$0x1FDD0];
	v18 =	vadd.f32 v19, v20  }
0xf2: {  	v52 =	vld [tilespmem:$0x1FE20];
	v20 =	vmul.f32 v13, v24;
	v12 =	vmax.f32 v12, $0.0e+00  }
0xf3: {  	v38 =	vld [tilespmem:$0x1FE50];
	[tilespmem:s3+$0x180] =	vst v12;
	v12 =	vadd.f32 v15, v18  }
0xf4: {  	v39 =	vld [tilespmem:$0x1FEB0];
	v15 =	vmul.f32 v17, v31;
	v16 =	vadd.f32 v20, v23  }
0xf5: {  	v56 =	vld [tilespmem:$0x1FE10];
	v19 =	vmul.f32 v21, v54;
	v12 =	vmax.f32 v12, $0.0e+00  }
0xf6: {  	v46 =	vld [tilespmem:$0x1FD80];
	v22 =	vmul.f32 v13, v37;
	v18 =	vmul.f32 v62, v30;
	[tilespmem:s3+$0x1A0] =	vst v12;
	v12 =	vadd.f32 v16, v15  }
0xf7: {  	v50 =	vld [tilespmem:$0x1FDE0];
	v11 =	vadd.f32 v11, v19;
	v20 =	vmul.f32 v21, v52  }
0xf8: {  	v41 =	vld [tilespmem:$0x1FE90];
	v15 =	vmul.f32 v17, v36;
	v16 =	vadd.f32 v22, v43;
	v12 =	vadd.f32 v12, v18  }
0xf9: {  	v63 =	vld [tilespmem:$0x1FDB0];
	v11 =	vadd.f32 v14, v11  }
0xfa: {  	v19 =	vmul.f32 v62, v58;
	v15 =	vadd.f32 v16, v15;
	v12 =	vadd.f32 v12, v20;
	v20 =	vld [tilespmem:$0x1FDC0]  }
0xfb: {  	v60 =	vld [tilespmem:$0x1FD90];
	v11 =	vmax.f32 v11, $0.0e+00  }
0xfc: {  	v14 =	vmul.f32 v13, v39;
	[tilespmem:s3+$0x1B0] =	vst v11;
	v11 =	vadd.f32 v15, v19;
	v19 =	vld [tilespmem:$0x1FE30]  }
0xfd: {  	v2 =	vbroadcast v51, $0x4;
	v22 =	vmul.f32 v21, v38  }
0xfe: {  	v14 =	vadd.f32 v14, v63;
	v16 =	vmul.f32 v17, v41;
	v18 =	vmul.f32 v62, v56  }
0xff: {  	v15 =	vmul.f32 v21, v46;
	v5 =	vadd.f32 v5, v12;
	v13 =	vmul.f32 v13, v20  }
0x100: {  	v12 =	vadd.f32 v14, v16;
	v11 =	vadd.f32 v11, v22;
	v16 =	vmul.f32 v62, v60;
	v62 =	vld [tilespmem:$0x1FD70]  }
0x101: {  	v14 =	vmul.f32 v17, v50;
	v5 =	vmax.f32 v5, $0.0e+00;
	v13 =	vadd.f32 v13, v19  }
0x102: {  	v12 =	vadd.f32 v12, v18;
	v3 =	vadd.f32 v3, v11;
	v11 =	vmul.f32 v2, v29  }
0x103: {  	v1 =	vbroadcast v51, $0x5;
	v0 =	vbroadcast v51, $0x6;
	[tilespmem:s3+$0x1C0] =	vst v5;
	v5 =	vadd.f32 v13, v14  }
0x104: {  	v12 =	vadd.f32 v12, v15;
	v3 =	vmax.f32 v3, $0.0e+00;
	v11 =	vadd.f32 v11, v33  }
0x105: {  	v17 =	vmul.f32 v21, v62;
	v13 =	vmul.f32 v1, v57;
	v5 =	vadd.f32 v5, v16  }
0x106: {  	[tilespmem:s3+$0x1D0] =	vst v3;
	v3 =	vadd.f32 v7, v12;
	v7 =	vbroadcast v51, $0x7;
	v12 =	vmul.f32 v2, v32  }
0x107: {  	v14 =	vmul.f32 v0, v55;
	v11 =	vadd.f32 v11, v13;
	v5 =	vadd.f32 v5, v17  }
0x108: {  	v3 =	vmax.f32 v3, $0.0e+00;
	v12 =	vadd.f32 v12, v49;
	v13 =	vmul.f32 v1, v40  }
0x109: {  	v15 =	vmul.f32 v7, v47;
	[tilespmem:s3+$0x1E0] =	vst v3;
	v3 =	vadd.f32 v4, v5;
	v4 =	vadd.f32 v11, v14  }
0x10a: {  	v5 =	vmul.f32 v0, v34;
	v11 =	vadd.f32 v12, v13;
	v13 =	vmul.f32 v2, v35  }
0x10b: {  	v12 =	vmul.f32 v7, v42;
	v3 =	vmax.f32 v3, $0.0e+00;
	v4 =	vadd.f32 v4, v15  }
0x10c: {  	v14 =	vmul.f32 v1, v45;
	[tilespmem:s3+$0x1F0] =	vst v3;
	v3 =	vadd.f32 v11, v5;
	v5 =	vadd.f32 v13, v25  }
0x10d: {  	v13 =	vmul.f32 v2, v26;
	v4 =	vadd.f32 v9, v4  }
0x10e: {  	v11 =	vmul.f32 v0, v44;
	v3 =	vadd.f32 v3, v12;
	v5 =	vadd.f32 v5, v14  }
0x10f: {  	v12 =	vmul.f32 v1, v27;
	v13 =	vadd.f32 v13, v59;
	v4 =	vmax.f32 v4, $0.0e+00  }
0x110: {  	v9 =	vmul.f32 v7, v48;
	[tilespmem:s3+$0x200] =	vst v4;
	v3 =	vadd.f32 v6, v3;
	v4 =	vadd.f32 v5, v11  }
0x111: {  	v14 =	vmul.f32 v0, v28;
	v6 =	vadd.f32 v13, v12;
	v11 =	vmul.f32 v2, v24  }
0x112: {  	v5 =	vmul.f32 v7, v54;
	v3 =	vmax.f32 v3, $0.0e+00;
	v4 =	vadd.f32 v4, v9  }
0x113: {  	v12 =	vmul.f32 v1, v31;
	[tilespmem:s3+$0x210] =	vst v3;
	v3 =	vadd.f32 v6, v14;
	v6 =	vadd.f32 v11, v23  }
0x114: {  	v4 =	vadd.f32 v10, v4  }
0x115: {  	v9 =	vmul.f32 v0, v30;
	v3 =	vadd.f32 v3, v5;
	v5 =	vadd.f32 v6, v12  }
0x116: {  	v4 =	vmax.f32 v4, $0.0e+00  }
0x117: {  	v11 =	vmul.f32 v7, v52;
	[tilespmem:s3+$0x220] =	vst v4;
	v4 =	vadd.f32 v5, v9;
	_ =	sdelay $0x1  }
0x118: {  	v10 =	vmul.f32 v2, v37;
	v4 =	vadd.f32 v4, v11;
	_ =	sdelay $0x1  }
0x119: {  	v13 =	vmul.f32 v1, v36;
	v10 =	vadd.f32 v10, v43;
	v4 =	vadd.f32 v61, v4  }
0x11a: {  	v3 =	vadd.f32 v8, v3;
	v5 =	vmul.f32 v2, v39  }
0x11b: {  	v6 =	vmul.f32 v0, v58;
	v8 =	vadd.f32 v10, v13;
	v4 =	vmax.f32 v4, $0.0e+00  }
0x11c: {  	v9 =	vmul.f32 v1, v41;
	v3 =	vmax.f32 v3, $0.0e+00;
	v5 =	vadd.f32 v5, v63;
	[tilespmem:s3+$0x240] =	vst v4;
	v4 =	vld [tilespmem:$0x1FB90]  }
0x11d: {  	v12 =	vmul.f32 v7, v38;
	[tilespmem:s3+$0x230] =	vst v3;
	v3 =	vadd.f32 v8, v6  }
0x11e: {  	v10 =	vmul.f32 v0, v56;
	v5 =	vadd.f32 v5, v9  }
0x11f: {  	v2 =	vmul.f32 v2, v20;
	v3 =	vadd.f32 v3, v12  }
0x120: {  	v6 =	vmul.f32 v7, v46;
	v5 =	vadd.f32 v5, v10  }
0x121: {  	v1 =	vmul.f32 v1, v50;
	v2 =	vadd.f32 v2, v19;
	v3 =	vadd.f32 v4, v3  }
0x122: {  	v4 =	vadd.f32 v5, v6  }
0x123: {  	v0 =	vmul.f32 v0, v60;
	v1 =	vadd.f32 v2, v1;
	v3 =	vmax.f32 v3, $0.0e+00  }
0x124: {  	v2 =	vbroadcast v51, $0x8;
	[tilespmem:s3+$0x250] =	vst v3;
	v3 =	vadd.f32 v53, v4  }
0x125: {  	v0 =	vadd.f32 v1, v0  }
0x126: {  	v1 =	vmul.f32 v2, v29;
	v5 =	vbroadcast v51, $0x9;
	v3 =	vmax.f32 v3, $0.0e+00  }
0x127: {  	v7 =	vmul.f32 v7, v62;
	[tilespmem:s3+$0x260] =	vst v3;
	v3 =	vld [tilespmem:$0x1FBA0]  }
0x128: {  	v1 =	vadd.f32 v1, v33;
	v6 =	vbroadcast v51, $0xA;
	v4 =	vmul.f32 v5, v57  }
0x129: {  	v0 =	vadd.f32 v0, v7  }
0x12a: {  	v7 =	vbroadcast v51, $0xB;
	v8 =	vmul.f32 v6, v55;
	v1 =	vadd.f32 v1, v4  }
0x12b: {  	v15 =	vld [tilespmem:$0x1FBB0]  }
0x12c: {  	v1 =	vadd.f32 v1, v8;
	v0 =	vadd.f32 v3, v0;
	v3 =	vmul.f32 v7, v47;
	_ =	sdelay $0x1  }
0x12d: {  	v9 =	vmul.f32 v2, v32;
	v1 =	vadd.f32 v1, v3;
	_ =	sdelay $0x1  }
0x12e: {  	v10 =	vmul.f32 v5, v40;
	v4 =	vadd.f32 v9, v49;
	v1 =	vadd.f32 v15, v1  }
0x12f: {  	v0 =	vmax.f32 v0, $0.0e+00  }
0x130: {  	v9 =	vmul.f32 v6, v34;
	[tilespmem:s3+$0x270] =	vst v0;
	v0 =	vadd.f32 v4, v10;
	v1 =	vmax.f32 v1, $0.0e+00  }
0x131: {  	[tilespmem:s3+$0x280] =	vst v1;
	v1 =	vld [tilespmem:$0x1FBC0]  }
0x132: {  	v11 =	vmul.f32 v7, v42;
	v0 =	vadd.f32 v0, v9;
	_ =	sdelay $0x1  }
0x133: {  	v8 =	vmul.f32 v2, v35;
	v0 =	vadd.f32 v0, v11;
	_ =	sdelay $0x1  }
0x134: {  	v3 =	vadd.f32 v8, v25;
	v4 =	vmul.f32 v5, v45;
	v0 =	vadd.f32 v1, v0;
	_ =	sdelay $0x1  }
0x135: {  	v10 =	vmul.f32 v6, v44;
	v3 =	vadd.f32 v3, v4;
	v0 =	vmax.f32 v0, $0.0e+00  }
0x136: {  	[tilespmem:s3+$0x290] =	vst v0;
	v0 =	vld [tilespmem:$0x1FD10]  }
0x137: {  	v8 =	vmul.f32 v7, v48;
	v3 =	vadd.f32 v3, v10;
	_ =	sdelay $0x1  }
0x138: {  	v9 =	vmul.f32 v2, v26;
	v3 =	vadd.f32 v3, v8;
	_ =	sdelay $0x1  }
0x139: {  	v12 =	vmul.f32 v5, v27;
	v9 =	vadd.f32 v9, v59;
	v0 =	vadd.f32 v0, v3;
	_ =	sdelay $0x1  }
0x13a: {  	v4 =	vmul.f32 v6, v28;
	v1 =	vadd.f32 v9, v12;
	v0 =	vmax.f32 v0, $0.0e+00  }
0x13b: {  	[tilespmem:s3+$0x2A0] =	vst v0;
	v0 =	vld [tilespmem:$0x1FD20]  }
0x13c: {  	v11 =	vmul.f32 v7, v54;
	v1 =	vadd.f32 v1, v4;
	_ =	sdelay $0x1  }
0x13d: {  	v10 =	vmul.f32 v2, v24;
	v1 =	vadd.f32 v1, v11;
	_ =	sdelay $0x1  }
0x13e: {  	v8 =	vadd.f32 v10, v23;
	v9 =	vmul.f32 v5, v31;
	v0 =	vadd.f32 v0, v1  }
0x13f: {  	v10 =	vmul.f32 v6, v30  }
0x140: {  	v3 =	vadd.f32 v8, v9;
	v8 =	vmul.f32 v2, v37;
	v0 =	vmax.f32 v0, $0.0e+00  }
0x141: {  	v4 =	vmul.f32 v7, v52;
	[tilespmem:s3+$0x2B0] =	vst v0;
	v0 =	vld [tilespmem:$0x1FCE0]  }
0x142: {  	v9 =	vmul.f32 v5, v36;
	v3 =	vadd.f32 v3, v10;
	v8 =	vadd.f32 v8, v43;
	_ =	sdelay $0x1  }
0x143: {  	v11 =	vmul.f32 v6, v58;
	v3 =	vadd.f32 v3, v4;
	v4 =	vadd.f32 v8, v9;
	_ =	sdelay $0x1  }
0x144: {  	v1 =	vmul.f32 v7, v38;
	v0 =	vadd.f32 v0, v3;
	v3 =	vadd.f32 v4, v11  }
0x145: {  	s5 =	sshra.s32 s12, $0x2  }
0x146: {  	v10 =	vmul.f32 v2, v39;
	v3 =	vadd.f32 v3, v1;
	v1 =	vld [tilespmem:s5+$0x2990];
	_ =	sdelay $0x1  }
0x147: {  	v8 =	vmul.f32 v5, v41;
	v9 =	vadd.f32 v10, v63  }
0x148: {  	v0 =	vmax.f32 v0, $0.0e+00  }
0x149: {  	v8 =	vadd.f32 v9, v8;
	v9 =	vld [tilespmem:s5+$0x2980];
	[tilespmem:s3+$0x2C0] =	vst v0  }
0x14a: {  	[tilespmem:$0x1FC10] =	vst v1;
	v1 =	vld [tilespmem:s5+$0x29A0];
	_ =	sdelay $0x4  }
0x14b: {  	[tilespmem:$0x1FC50] =	vst v1;
	v1 =	vld [tilespmem:$0x1FCF0];
	_ =	sdelay $0x4  }
0x14c: {  	v10 =	vmul.f32 v6, v56;
	v3 =	vadd.f32 v1, v3;
	v1 =	vld [tilespmem:s5+$0x29B0];
	_ =	sdelay $0x1  }
0x14d: {  	v4 =	vmul.f32 v7, v46;
	v0 =	vadd.f32 v8, v10;
	_ =	sdelay $0x1  }
0x14e: {  	v4 =	vadd.f32 v0, v4;
	v0 =	vld [tilespmem:s5+$0x29C0]  }
0x14f: {  	v2 =	vmul.f32 v2, v20;
	[tilespmem:$0x1FBF0] =	vst v1;
	v1 =	vld [tilespmem:$0x1FCC0];
	_ =	sdelay $0x1  }
0x150: {  	v5 =	vmul.f32 v5, v50;
	v8 =	vadd.f32 v2, v19  }
0x151: {  	v61 =	vbroadcast v51, $0xE;
	v53 =	vbroadcast v51, $0xC;
	[tilespmem:$0x1FC00] =	vst v9  }
0x152: {  	v14 =	vmovc v29;
	v6 =	vmul.f32 v6, v60;
	v5 =	vadd.f32 v8, v5;
	[tilespmem:$0x1FBE0] =	vst v0;
	v0 =	vld [tilespmem:s5+$0x29D0];
	v8 =	vmax.f32 v3, $0.0e+00  }
0x153: {  	v13 =	vmovc v55;
	v55 =	vbroadcast v51, $0xD;
	v9 =	vmul.f32 v53, v14;
	[tilespmem:s3+$0x2D0] =	vst v8;
	v8 =	vadd.f32 v1, v4;
	v1 =	vld [tilespmem:$0x1FCD0]  }
0x154: {  	v7 =	vmul.f32 v7, v62;
	v6 =	vadd.f32 v5, v6  }
0x155: {  	v11 =	vmul.f32 v61, v13;
	v10 =	vmul.f32 v55, v57;
	v9 =	vadd.f32 v9, v33;
	v5 =	vld [tilespmem:s5+$0x29F0]  }
0x156: {  	v13 =	vmul.f32 v53, v32;
	v14 =	vadd.f32 v6, v7;
	v6 =	vld [tilespmem:s5+$0x2A00];
	v8 =	vmax.f32 v8, $0.0e+00  }
0x157: {  	v9 =	vadd.f32 v9, v10;
	v4 =	vld [tilespmem:s5+$0x29E0];
	[tilespmem:s3+$0x2E0] =	vst v8  }
0x158: {  	v10 =	vadd.f32 v13, v49;
	v13 =	vadd.f32 v1, v14;
	v1 =	vld [tilespmem:s5+$0x2A40];
	_ =	sdelay $0x1  }
0x159: {  	v7 =	vld [tilespmem:s5+$0x2A10]  }
0x15a: {  	v8 =	vld [tilespmem:s5+$0x2A20];
	v13 =	vmax.f32 v13, $0.0e+00  }
0x15b: {  	v11 =	vadd.f32 v9, v11;
	v9 =	vld [tilespmem:s5+$0x2A30];
	[tilespmem:s3+$0x2F0] =	vst v13  }
0x15c: {  	[tilespmem:$0x1FC30] =	vst v1;
	v1 =	vld [tilespmem:s5+$0x2A50];
	_ =	sdelay $0x4  }
0x15d: {  	[tilespmem:$0x1FC40] =	vst v1;
	v1 =	vld [tilespmem:s5+$0x2A60];
	_ =	sdelay $0x2  }
0x15e: {  	v12 =	vbroadcast v51, $0xF  }
0x15f: {  	v15 =	vmul.f32 v55, v40  }
0x160: {  	v17 =	vmov v34;
	v16 =	vmul.f32 v12, v47;
	[tilespmem:$0x1FC20] =	vst v1;
	v1 =	vld [tilespmem:$0x1FCA0]  }
0x161: {  	v21 =	vmov v35;
	v15 =	vadd.f32 v10, v15;
	v14 =	vmul.f32 v61, v17  }
0x162: {  	v22 =	vmovc v27;
	v29 =	vmovc v26;
	v27 =	vmov v20;
	v18 =	vmul.f32 v53, v21;
	v10 =	vld [tilespmem:$0x1FCB0];
	v11 =	vadd.f32 v11, v16  }
0x163: {  	v32 =	vmovc v17;
	[tilespmem:$0x1FBD0] =	vst v0;
	v0 =	vmov v44;
	v17 =	vmul.f32 v12, v42;
	v13 =	vadd.f32 v15, v14  }
0x164: {  	v20 =	vmul.f32 v61, v44;
	v16 =	vmul.f32 v53, v29;
	v44 =	vmovc v0;
	v0 =	vld [tilespmem:$0x1FBE0];
	v15 =	vadd.f32 v18, v25  }
0x165: {  	v26 =	vmovc v19;
	v19 =	vmul.f32 v55, v45;
	v51 =	vld [tilespmem:s5+$0x2A70];
	v13 =	vadd.f32 v13, v17;
	v11 =	vadd.f32 v1, v11  }
0x166: {  	v2 =	vmovc v21;
	v21 =	vmul.f32 v53, v24;
	v16 =	vadd.f32 v16, v59;
	v14 =	vmul.f32 v12, v48;
	v59 =	vld [tilespmem:s5+$0x2A90]  }
0x167: {  	v15 =	vadd.f32 v15, v19;
	v13 =	vadd.f32 v10, v13;
	v10 =	vld [tilespmem:$0x1FC80];
	v11 =	vmax.f32 v11, $0.0e+00  }
0x168: {  	v18 =	vmul.f32 v55, v22;
	v17 =	vmul.f32 v61, v28;
	v1 =	vld [tilespmem:s5+$0x2A80];
	[tilespmem:s3+$0x300] =	vst v11  }
0x169: {  	v19 =	vmul.f32 v12, v54;
	v13 =	vmax.f32 v13, $0.0e+00;
	v11 =	vadd.f32 v15, v20;
	v54 =	vld [tilespmem:s5+$0x2AA0]  }
0x16a: {  	v15 =	vadd.f32 v16, v18;
	v16 =	vmul.f32 v55, v31;
	v18 =	vadd.f32 v21, v23;
	v57 =	vld [tilespmem:s5+$0x2AB0];
	[tilespmem:s3+$0x310] =	vst v13  }
0x16b: {  	v11 =	vadd.f32 v11, v14;
	v14 =	vmul.f32 v12, v52;
	v52 =	vld [tilespmem:s5+$0x2AC0]  }
0x16c: {  	v13 =	vadd.f32 v15, v17;
	v15 =	vadd.f32 v18, v16;
	v18 =	vld [tilespmem:s5+$0x2AD0]  }
0x16d: {  	v11 =	vadd.f32 v10, v11;
	v10 =	vld [tilespmem:$0x1FC90]  }
0x16e: {  	v21 =	vld [tilespmem:s5+$0x2AE0]  }
0x16f: {  	v33 =	vmov v40;
	v3 =	vmov v22;
	v20 =	vmul.f32 v61, v30;
	v22 =	vld [tilespmem:s5+$0x2AF0]  }
0x170: {  	v34 =	vmovc v49;
	v16 =	vmul.f32 v53, v37;
	v37 =	vmov v33;
	v33 =	vld [tilespmem:$0x1FF10];
	v13 =	vadd.f32 v13, v19  }
0x171: {  	v19 =	vmul.f32 v61, v58;
	v15 =	vadd.f32 v15, v20;
	v58 =	vld [tilespmem:s3+$0x360]  }
0x172: {  	v17 =	vmul.f32 v55, v36;
	v16 =	vadd.f32 v16, v43;
	v13 =	vadd.f32 v10, v13;
	v10 =	vld [tilespmem:$0x1FC60]  }
0x173: {  	v20 =	vmul.f32 v12, v38;
	v38 =	vmovc v34;
	v34 =	vmov v32;
	v32 =	vld [tilespmem:$0x1FF00];
	v11 =	vmax.f32 v11, $0.0e+00  }
0x174: {  	v23 =	vmul.f32 v53, v39;
	[tilespmem:s3+$0x320] =	vst v11;
	v11 =	vadd.f32 v15, v14;
	v14 =	vadd.f32 v16, v17;
	v16 =	vld [tilespmem:s3+$0x2B60]  }
0x175: {  	v15 =	vmul.f32 v55, v41;
	v41 =	vmov v2;
	v2 =	vld [tilespmem:$0x1FBF0]  }
0x176: {  	v17 =	vadd.f32 v23, v63;
	v47 =	vld [tilespmem:s5+$0x2B00];
	v13 =	vmax.f32 v13, $0.0e+00  }
0x177: {  	[tilespmem:s3+$0x330] =	vst v13;
	v13 =	vadd.f32 v14, v19;
	v11 =	vadd.f32 v10, v11;
	v10 =	vld [tilespmem:$0x1FC70]  }
0x178: {  	v23 =	vmul.f32 v61, v56;
	v15 =	vadd.f32 v17, v15;
	v17 =	vmul.f32 v53, v27;
	v19 =	vld [tilespmem:s5+$0x2B10]  }
0x179: {  	v14 =	vmul.f32 v12, v46;
	v46 =	vld [tilespmem:s5+$0x2B20];
	v13 =	vadd.f32 v13, v20;
	v11 =	vmax.f32 v11, $0.0e+00  }
0x17a: {  	[tilespmem:s3+$0x340] =	vst v11;
	v11 =	vadd.f32 v15, v23;
	v15 =	vadd.f32 v17, v26;
	v17 =	vld [tilespmem:s3+$0x2B70]  }
0x17b: {  	v63 =	vmul.f32 v55, v50;
	v23 =	vld [tilespmem:s3+$0x370]  }
0x17c: {  	v40 =	vmov v45;
	v16 =	vadd.f32 v16, v58;
	v45 =	vld [tilespmem:s5+$0x2B30];
	v13 =	vadd.f32 v10, v13  }
0x17d: {  	v20 =	vmul.f32 v61, v60;
	v43 =	vld [tilespmem:s5+$0x2B50];
	v11 =	vadd.f32 v11, v14;
	v14 =	vadd.f32 v15, v63  }
0x17e: {  	v12 =	vmul.f32 v12, v62;
	v15 =	vld [tilespmem:s5+$0x2B40];
	v13 =	vmax.f32 v13, $0.0e+00  }
0x17f: {  	v63 =	vmov v3;
	v3 =	vld [tilespmem:$0x1FBD0];
	v11 =	vadd.f32 v16, v11;
	[tilespmem:s3+$0x350] =	vst v13;
	v13 =	vadd.f32 v14, v20  }
0x180: {  	v14 =	vld [tilespmem:s5+$0x350]  }
0x181: {  	v16 =	vld [tilespmem:s5+$0x340];
	v11 =	vmax.f32 v11, $0.0e+00;
	v12 =	vadd.f32 v13, v12;
	v13 =	vadd.f32 v17, v23  }
0x182: {  	v17 =	vld [tilespmem:s5+$0x330];
	[tilespmem:s3+$0x360] =	vst v11  }
0x183: {  	v20 =	vld [tilespmem:s5+$0x320];
	v11 =	vadd.f32 v13, v12  }
0x184: {  	v23 =	vld [tilespmem:s5+$0x310]  }
0x185: {  	v35 =	vmov v42;
	v42 =	vmov v48;
	v48 =	vld [tilespmem:s5+$0x300];
	v11 =	vmax.f32 v11, $0.0e+00  }
0x186: {  	v49 =	vld [tilespmem:s5+$0x2F0];
	[tilespmem:s3+$0x370] =	vst v11;
	s3 =	smov.u32 s5  }
0x187: {  	v50 =	vld [tilespmem:s3+$0x2E0]  }
0x188: {  	v55 =	vld [tilespmem:s3+$0x2D0]  }
0x189: {  	v53 =	vld [tilespmem:s3+$0x2C0]  }
0x18a: {  	v61 =	vld [tilespmem:s3+$0x2B0]  }
0x18b: {  	v24 =	vld [tilespmem:s3+$0x2A0]  }
0x18c: {  	v10 =	vmov v25;
	v25 =	vld [tilespmem:s3+$0x290]  }
0x18d: {  	v26 =	vld [tilespmem:s3+$0x280]  }
0x18e: {  	v27 =	vld [tilespmem:s3+$0x270]  }
0x18f: {  	v58 =	vmov v28;
	v12 =	vadd.f32 v15, v16;
	v28 =	vld [tilespmem:s3+$0x260]  }
0x190: {  	v60 =	vmov v29;
	v29 =	vld [tilespmem:s3+$0x250];
	v16 =	vadd.f32 v21, v50  }
0x191: {  	v30 =	vld [tilespmem:s3+$0x240];
	[tilespmem:$0x1FC60] =	vst v12;
	v12 =	vadd.f32 v43, v14  }
0x192: {  	v11 =	vld [tilespmem:s3+$0x230];
	[tilespmem:$0x1FCC0] =	vst v16;
	v16 =	vadd.f32 v22, v49  }
0x193: {  	v13 =	vld [tilespmem:s3+$0x220];
	v14 =	vadd.f32 v46, v20;
	[tilespmem:$0x1FC70] =	vst v12  }
0x194: {  	v15 =	vld [tilespmem:s3+$0x200];
	[tilespmem:$0x1FCD0] =	vst v16;
	v16 =	vadd.f32 v52, v53  }
0x195: {  	v12 =	vld [tilespmem:s3+$0x210];
	[tilespmem:$0x1FC80] =	vst v14;
	v14 =	vadd.f32 v45, v17  }
0x196: {  	[tilespmem:$0x1FCE0] =	vst v16;
	v16 =	vadd.f32 v18, v55;
	v55 =	vadd.f32 v1, v26;
	v1 =	vld [tilespmem:$0x1FC20]  }
0x197: {  	v17 =	vld [tilespmem:s3+$0x1E0]  }
0x198: {  	[tilespmem:$0x1FC90] =	vst v14;
	v14 =	vadd.f32 v47, v48;
	v47 =	vld [tilespmem:$0x1FF20]  }
0x199: {  	v48 =	vmov v42;
	v42 =	vmov v35;
	v35 =	vmov v41;
	v41 =	vld [tilespmem:$0x1FC50]  }
0x19a: {  	v21 =	vld [tilespmem:$0x1FC00]  }
0x19b: {  	v53 =	vadd.f32 v1, v28;
	v1 =	vld [tilespmem:$0x1FC30]  }
0x19c: {  	[tilespmem:$0x1FCA0] =	vst v14;
	v14 =	vadd.f32 v19, v23;
	v19 =	vld [tilespmem:s3+$0x1B0]  }
0x19d: {  	v22 =	vld [tilespmem:$0x1FC10]  }
0x19e: {  	[tilespmem:$0x1FCB0] =	vst v14;
	v14 =	vld [tilespmem:s3+$0x1F0];
	v18 =	vadd.f32 v54, v24  }
0x19f: {  	v52 =	vld [tilespmem:$0x1FEF0]  }
0x1a0: {  	p0 =	sne.s32 s12, $0x9800;
	s8 =	sadd.s32 $0x10, s8;
	[tilespmem:$0x1FD10] =	vst v18;
	v18 =	vadd.f32 v57, v61;
	v61 =	vadd.f32 v1, v30;
	v1 =	vld [tilespmem:$0x1FC40]  }
.Ltmp3:
0x1a1: {  	v24 =	vadd.f32 v51, v27;
	v51 =	vld [tilespmem:s8+$0x0];
	(pc) =	sbr.rel @p0 .LBB2_9-.Ltmp3, $4  }
0x1a2: {  	[tilespmem:$0x1FCF0] =	vst v16;
	v16 =	vld [tilespmem:s3+$0x1D0]  }
0x1a3: {  	[tilespmem:$0x1FD20] =	vst v18;
	v18 =	vld [tilespmem:s3+$0x1C0]  }
0x1a4: {  	v45 =	vmovc v40;
	v40 =	vmov v37;
	v49 =	vmov v38;
	v26 =	vmov v60;
	v30 =	vld [tilespmem:$0x1FED0]  }
0x1a5: {  	s12 =	sadd.s32 $0x800, s12;
	v27 =	vmovc v63;
	v57 =	vadd.f32 v59, v25;
	v25 =	vmovc v10;
	v28 =	vmov v58;
	v59 =	vadd.f32 v1, v29;
	v29 =	vld [tilespmem:$0x1FEE0]  }
0x1a6: {  	v1 =	vadd.f32 v8, v13  }
0x1a7: {  	v20 =	vld [tilespmem:s3+$0x1A0];
	v39 =	vadd.f32 v9, v11;
	v43 =	vadd.f32 v6, v15  }
0x1a8: {  	v46 =	vld [tilespmem:s3+$0x180];
	v50 =	vadd.f32 v7, v12;
	v56 =	vadd.f32 v5, v14;
	v5 =	vbroadcast v51, $0x0  }
0x1a9: {  	v54 =	vadd.f32 v4, v17;
	v38 =	vadd.f32 v2, v19;
	v15 =	vbroadcast v51, $0x1  }
0x1aa: {  	v17 =	vbroadcast v51, $0x2;
	v14 =	vadd.f32 v3, v16;
	v62 =	vmul.f32 v5, v29  }
0x1ab: {  	[tilespmem:$0x1FA40] =	vst v56;
	v36 =	vadd.f32 v0, v18;
	v4 =	vmul.f32 v5, v32;
	v8 =	vmul.f32 v5, v35;
	v56 =	vld [tilespmem:$0x1FE00]  }
0x1ac: {  	v9 =	vmul.f32 v15, v40;
	v7 =	vmul.f32 v15, v30;
	v0 =	vadd.f32 v62, v33  }
0x1ad: {  	v11 =	vmul.f32 v17, v52;
	v31 =	vadd.f32 v41, v20;
	v6 =	vadd.f32 v21, v46  }
0x1ae: {  	[tilespmem:$0x1FA80] =	vst v39;
	v20 =	vbroadcast v51, $0x3;
	v46 =	vmul.f32 v5, v26;
	v0 =	vadd.f32 v0, v7  }
0x1af: {  	[tilespmem:$0x1FA30] =	vst v54;
	v39 =	vmul.f32 v15, v45;
	v54 =	vmul.f32 v15, v27;
	v18 =	vadd.f32 v8, v25  }
0x1b0: {  	v23 =	vld [tilespmem:s3+$0x190];
	v41 =	vmul.f32 v20, v47;
	v19 =	vadd.f32 v46, v56;
	v0 =	vadd.f32 v0, v11  }
0x1b1: {  	[tilespmem:$0x1FA60] =	vst v50;
	v50 =	vmul.f32 v17, v44;
	v13 =	vadd.f32 v4, v49;
	v8 =	vld [tilespmem:$0x1FDF0];
	v18 =	vadd.f32 v18, v39  }
0x1b2: {  	v3 =	vmul.f32 v17, v28;
	v16 =	vadd.f32 v19, v54;
	v54 =	vld [tilespmem:$0x1FE70];
	v0 =	vadd.f32 v0, v41  }
0x1b3: {  	v37 =	vmul.f32 v17, v34;
	v13 =	vadd.f32 v13, v9;
	v18 =	vadd.f32 v18, v50;
	v41 =	vld [tilespmem:$0x1FDA0]  }
0x1b4: {  	v62 =	vmul.f32 v20, v48;
	v0 =	vadd.f32 v0, v6;
	v6 =	vadd.f32 v16, v3;
	v16 =	vld [tilespmem:$0x1FE80];
	_ =	sdelay $0x1  }
0x1b5: {  	[tilespmem:$0x1FA50] =	vst v43;
	v43 =	vmul.f32 v20, v42;
	v13 =	vadd.f32 v13, v37;
	v37 =	vld [tilespmem:$0x1FDD0];
	v18 =	vadd.f32 v18, v62  }
0x1b6: {  	v2 =	vadd.f32 v22, v23;
	v9 =	vmul.f32 v5, v8  }
0x1b7: {  	v13 =	vadd.f32 v13, v43;
	v46 =	vadd.f32 v31, v18;
	v31 =	vld [tilespmem:$0x1FE20]  }
0x1b8: {  	v50 =	vld [tilespmem:$0x1FE40];
	v11 =	vmul.f32 v20, v54;
	v19 =	vadd.f32 v9, v41;
	v23 =	vmul.f32 v15, v16  }
0x1b9: {  	v43 =	vadd.f32 v13, v2;
	v41 =	vld [tilespmem:$0x1FE60]  }
0x1ba: {  	v62 =	vmul.f32 v17, v37;
	v6 =	vadd.f32 v6, v11;
	v16 =	vadd.f32 v19, v23;
	v23 =	vld [tilespmem:$0x1FEA0];
	_ =	sdelay $0x1  }
0x1bb: {  	v2 =	vld [tilespmem:$0x1FEC0];
	[tilespmem:$0x1FAA0] =	vst v43;
	v9 =	vmul.f32 v20, v31;
	v39 =	vadd.f32 v38, v6;
	v43 =	vadd.f32 v16, v62  }
0x1bc: {  	v56 =	vmul.f32 v5, v50;
	v38 =	vld [tilespmem:$0x1FEB0]  }
0x1bd: {  	[tilespmem:$0x1FAC0] =	vst v39;
	v39 =	vld [tilespmem:$0x1FDB0];
	v6 =	vadd.f32 v43, v9  }
0x1be: {  	v11 =	vmul.f32 v15, v41;
	v9 =	vld [tilespmem:$0x1FE50];
	v13 =	vadd.f32 v56, v23  }
0x1bf: {  	v56 =	vld [tilespmem:$0x1FE90];
	v36 =	vadd.f32 v36, v6  }
0x1c0: {  	[tilespmem:$0x1FAB0] =	vst v46;
	v50 =	vmul.f32 v17, v2;
	v23 =	vld [tilespmem:$0x1FDC0];
	v13 =	vadd.f32 v13, v11  }
0x1c1: {  	v46 =	vmul.f32 v5, v38;
	[tilespmem:$0x1FAD0] =	vst v36;
	v36 =	vld [tilespmem:$0x1FE10]  }
0x1c2: {  	v13 =	vadd.f32 v13, v50;
	v50 =	vld [tilespmem:$0x1FDE0]  }
0x1c3: {  	v18 =	vbroadcast v51, $0x5;
	v16 =	vadd.f32 v46, v39;
	v46 =	vld [tilespmem:$0x1FD80];
	v11 =	vmul.f32 v20, v9  }
0x1c4: {  	v21 =	vbroadcast v51, $0x4;
	v62 =	vmul.f32 v15, v56;
	v56 =	vld [tilespmem:$0x1FE30]  }
0x1c5: {  	v22 =	vmul.f32 v18, v30;
	v19 =	vbroadcast v51, $0x6;
	v13 =	vadd.f32 v13, v11  }
0x1c6: {  	v11 =	vmul.f32 v21, v29;
	v16 =	vadd.f32 v16, v62;
	v43 =	vmul.f32 v17, v36  }
0x1c7: {  	v5 =	vmul.f32 v5, v23;
	v15 =	vmul.f32 v15, v50;
	v50 =	vld [tilespmem:$0x1FA30]  }
0x1c8: {  	v62 =	vmul.f32 v20, v46;
	v6 =	vadd.f32 v16, v43;
	v43 =	vadd.f32 v11, v33  }
0x1c9: {  	v7 =	vld [tilespmem:$0x1FD90];
	v14 =	vadd.f32 v14, v13;
	v5 =	vadd.f32 v5, v56  }
0x1ca: {  	v12 =	vld [tilespmem:$0x1FD70];
	v6 =	vadd.f32 v6, v62;
	v62 =	vmul.f32 v19, v52;
	v13 =	vadd.f32 v43, v22  }
0x1cb: {  	v15 =	vadd.f32 v5, v15;
	v5 =	vld [tilespmem:$0x1FF90]  }
0x1cc: {  	[tilespmem:$0x1FA90] =	vst v0;
	v0 =	vadd.f32 v50, v6;
	v50 =	vadd.f32 v13, v62;
	v62 =	vld [tilespmem:$0x1FF60]  }
0x1cd: {  	v4 =	vld [tilespmem:$0x1FF70]  }
0x1ce: {  	v3 =	vld [tilespmem:$0x1FF50];
	v9 =	vmul.f32 v17, v7;
	v56 =	vmul.f32 v21, v32  }
0x1cf: {  	v20 =	vmul.f32 v20, v12;
	v16 =	vbroadcast v51, $0x7;
	v43 =	vld [tilespmem:$0x1FA40]  }
0x1d0: {  	v23 =	vadd.f32 v15, v9;
	v15 =	vmul.f32 v18, v40;
	v11 =	vadd.f32 v56, v5  }
0x1d1: {  	[tilespmem:$0x1FA70] =	vst v1;
	v1 =	vld [tilespmem:$0x1FE00];
	v7 =	vmul.f32 v16, v42;
	v56 =	vmul.f32 v21, v62  }
0x1d2: {  	[tilespmem:$0x1FAE0] =	vst v14;
	v6 =	vmul.f32 v19, v4;
	v14 =	vadd.f32 v23, v20;
	v15 =	vadd.f32 v11, v15  }
0x1d3: {  	v9 =	vmul.f32 v16, v47;
	v11 =	vmul.f32 v18, v3;
	v13 =	vadd.f32 v56, v25  }
0x1d4: {  	[tilespmem:$0x1FAF0] =	vst v0;
	v0 =	vadd.f32 v43, v14;
	v43 =	vmul.f32 v21, v26;
	v14 =	vadd.f32 v15, v6  }
0x1d5: {  	v12 =	vadd.f32 v50, v9;
	v15 =	vmul.f32 v19, v44;
	v56 =	vadd.f32 v13, v11  }
0x1d6: {  	v50 =	vld [tilespmem:$0x1FA50];
	v6 =	vmul.f32 v18, v27;
	v11 =	vadd.f32 v14, v7;
	v7 =	vadd.f32 v43, v1;
	_ =	sdelay $0x1  }
0x1d7: {  	v43 =	vmul.f32 v19, v28;
	v15 =	vadd.f32 v56, v15;
	v56 =	vld [tilespmem:$0x1FA60];
	v6 =	vadd.f32 v7, v6;
	_ =	sdelay $0x1  }
0x1d8: {  	v13 =	vadd.f32 v6, v43;
	v43 =	vld [tilespmem:$0x1FA70]  }
0x1d9: {  	[tilespmem:$0x1FB00] =	vst v0;
	v0 =	vadd.f32 v50, v12;
	v12 =	vmul.f32 v16, v48;
	_ =	sdelay $0x1  }
0x1da: {  	[tilespmem:$0x1FB10] =	vst v0;
	v12 =	vadd.f32 v15, v12;
	v0 =	vadd.f32 v56, v11  }
0x1db: {  	v9 =	vld [tilespmem:$0x1FDA0]  }
0x1dc: {  	v50 =	vmul.f32 v21, v8;
	[tilespmem:$0x1FB20] =	vst v0;
	v0 =	vadd.f32 v43, v12;
	_ =	sdelay $0x1  }
0x1dd: {  	[tilespmem:$0x1FB30] =	vst v0;
	v0 =	vld [tilespmem:$0x1FE40]  }
0x1de: {  	v17 =	vmul.f32 v19, v37;
	v28 =	vld [tilespmem:$0x1FE80]  }
0x1df: {  	v22 =	vmul.f32 v18, v41;
	v8 =	vadd.f32 v50, v9;
	v50 =	vmovc v37;
	v37 =	vmov v41;
	v41 =	vld [tilespmem:$0x1FEA0];
	_ =	sdelay $0x2  }
0x1e0: {  	v56 =	vmul.f32 v21, v0;
	_ =	sdelay $0x1  }
0x1e1: {  	v7 =	vmul.f32 v18, v28;
	v12 =	vadd.f32 v56, v41;
	v56 =	vld [tilespmem:$0x1FA80]  }
0x1e2: {  	v23 =	vmul.f32 v21, v38;
	v11 =	vmul.f32 v16, v54  }
0x1e3: {  	v14 =	vadd.f32 v8, v7;
	v8 =	vmov v38;
	v38 =	vld [tilespmem:$0x1FE90]  }
0x1e4: {  	v20 =	vmul.f32 v16, v31;
	v31 =	vmovc v39;
	v11 =	vadd.f32 v13, v11;
	v13 =	vadd.f32 v23, v39;
	v39 =	vld [tilespmem:$0x1FE50];
	_ =	sdelay $0x1  }
0x1e5: {  	v7 =	vadd.f32 v56, v11  }
0x1e6: {  	v14 =	vadd.f32 v14, v17;
	v17 =	vmul.f32 v19, v2;
	v12 =	vadd.f32 v12, v22  }
0x1e7: {  	[tilespmem:$0x1FB40] =	vst v7;
	v7 =	vmul.f32 v18, v38  }
0x1e8: {  	v14 =	vadd.f32 v14, v20;
	v15 =	vmul.f32 v16, v39;
	v12 =	vadd.f32 v12, v17  }
0x1e9: {  	v43 =	vmov v36;
	v20 =	vmul.f32 v19, v36;
	v36 =	vld [tilespmem:$0x1FDC0];
	v11 =	vadd.f32 v13, v7  }
0x1ea: {  	v17 =	vadd.f32 v61, v14;
	v61 =	vld [tilespmem:$0x1FDE0];
	v12 =	vadd.f32 v12, v15  }
0x1eb: {  	v56 =	vmov v46;
	v13 =	vmul.f32 v16, v46;
	v46 =	vld [tilespmem:$0x1FE30];
	v11 =	vadd.f32 v11, v20  }
0x1ec: {  	v12 =	vadd.f32 v59, v12;
	v7 =	vld [tilespmem:$0x1FD90]  }
0x1ed: {  	v11 =	vadd.f32 v11, v13  }
0x1ee: {  	v21 =	vmul.f32 v21, v36;
	[tilespmem:$0x1FB60] =	vst v12;
	v12 =	vld [tilespmem:$0x1FEE0]  }
0x1ef: {  	v14 =	vld [tilespmem:$0x1FD70];
	v11 =	vadd.f32 v53, v11  }
0x1f0: {  	v22 =	vmul.f32 v18, v61;
	v23 =	vadd.f32 v21, v46  }
0x1f1: {  	v15 =	vmul.f32 v19, v7;
	v19 =	vbroadcast v51, $0x8;
	[tilespmem:$0x1FB70] =	vst v11;
	v11 =	vld [tilespmem:$0x1FED0]  }
0x1f2: {  	[tilespmem:$0x1FB50] =	vst v17;
	v17 =	vadd.f32 v23, v22  }
0x1f3: {  	v6 =	vmul.f32 v19, v12  }
0x1f4: {  	v16 =	vmul.f32 v16, v14;
	v13 =	vbroadcast v51, $0x9;
	v21 =	vld [tilespmem:$0x1FFD0];
	v15 =	vadd.f32 v17, v15  }
0x1f5: {  	v18 =	vadd.f32 v6, v33;
	v6 =	vmul.f32 v19, v32  }
0x1f6: {  	v15 =	vadd.f32 v15, v16;
	v59 =	vmul.f32 v13, v11  }
0x1f7: {  	v23 =	vmul.f32 v13, v40;
	v53 =	vadd.f32 v6, v5  }
0x1f8: {  	v17 =	vadd.f32 v18, v59;
	v59 =	vadd.f32 v24, v15;
	v24 =	vmul.f32 v19, v62;
	v15 =	vld [tilespmem:$0x1FFC0]  }
0x1f9: {  	v20 =	vbroadcast v51, $0xA;
	v18 =	vadd.f32 v53, v23;
	v62 =	vld [tilespmem:$0x1FFB0];
	v53 =	vmul.f32 v19, v21  }
0x1fa: {  	v6 =	vmul.f32 v13, v3;
	[tilespmem:$0x1FB80] =	vst v59;
	v59 =	vld [tilespmem:$0x1FF20];
	v24 =	vadd.f32 v24, v10  }
0x1fb: {  	v25 =	vmul.f32 v20, v4;
	v21 =	vadd.f32 v53, v1;
	v53 =	vld [tilespmem:$0x1FFA0]  }
0x1fc: {  	v22 =	vmul.f32 v20, v52;
	v16 =	vbroadcast v51, $0xB;
	v23 =	vadd.f32 v24, v6;
	v6 =	vld [tilespmem:$0x1FF30]  }
0x1fd: {  	v18 =	vadd.f32 v18, v25;
	v25 =	vmul.f32 v20, v44;
	v26 =	vmul.f32 v13, v15;
	v15 =	vld [tilespmem:$0x1FDF0]  }
0x1fe: {  	v27 =	vmul.f32 v13, v28;
	v17 =	vadd.f32 v17, v22  }
0x1ff: {  	v22 =	vmul.f32 v16, v62;
	v23 =	vadd.f32 v23, v25;
	v25 =	vmul.f32 v16, v54  }
0x200: {  	v54 =	vmov v28;
	v28 =	vmul.f32 v20, v50;
	v5 =	vmul.f32 v16, v59  }
0x201: {  	v3 =	vmul.f32 v20, v53;
	v24 =	vmul.f32 v16, v6  }
0x202: {  	v4 =	vld [tilespmem:$0x1FD10];
	v21 =	vadd.f32 v21, v26;
	v17 =	vadd.f32 v17, v5;
	v26 =	vmul.f32 v19, v15  }
0x203: {  	v5 =	vmul.f32 v13, v37;
	v37 =	vmovc v50;
	v50 =	vld [tilespmem:$0x1FE20];
	v23 =	vadd.f32 v23, v24;
	v24 =	vmul.f32 v19, v0  }
0x204: {  	v21 =	vadd.f32 v21, v3;
	v26 =	vadd.f32 v26, v9  }
0x205: {  	v18 =	vadd.f32 v18, v22;
	v24 =	vadd.f32 v24, v41  }
0x206: {  	v21 =	vadd.f32 v21, v25;
	v25 =	vmul.f32 v20, v2;
	v26 =	vadd.f32 v26, v27  }
0x207: {  	v22 =	vadd.f32 v4, v23;
	v27 =	vmul.f32 v19, v8;
	v23 =	vadd.f32 v24, v5  }
0x208: {  	v24 =	vmul.f32 v16, v50;
	v26 =	vadd.f32 v26, v28  }
0x209: {  	v27 =	vadd.f32 v27, v31;
	v23 =	vadd.f32 v23, v25;
	v25 =	vmul.f32 v13, v38;
	_ =	sdelay $0x1  }
0x20a: {  	v24 =	vadd.f32 v26, v24;
	v26 =	vmul.f32 v20, v43;
	v25 =	vadd.f32 v27, v25  }
0x20b: {  	v19 =	vmul.f32 v19, v36  }
0x20c: {  	v25 =	vadd.f32 v25, v26;
	v26 =	vld [tilespmem:$0x1FCF0]  }
0x20d: {  	v28 =	vmul.f32 v16, v39;
	v19 =	vadd.f32 v19, v46  }
0x20e: {  	v13 =	vmul.f32 v13, v61;
	v38 =	vmovc v61;
	v61 =	vmov v7;
	v20 =	vmul.f32 v20, v7;
	v7 =	vld [tilespmem:$0x1FA90]  }
0x20f: {  	v23 =	vadd.f32 v23, v28  }
0x210: {  	v8 =	vld [tilespmem:$0x1FAA0];
	v13 =	vadd.f32 v19, v13  }
0x211: {  	v6 =	vld [tilespmem:$0x1FD20];
	v19 =	vbroadcast v51, $0xC;
	v23 =	vadd.f32 v26, v23;
	v26 =	vmul.f32 v16, v56  }
0x212: {  	v53 =	vmul.f32 v16, v14;
	v31 =	vmov v43;
	v43 =	vld [tilespmem:$0x1FAC0];
	v13 =	vadd.f32 v13, v20  }
0x213: {  	v20 =	vmul.f32 v19, v12;
	v12 =	vld [tilespmem:$0x1FAB0];
	v0 =	vmax.f32 v7, $0.0e+00  }
0x214: {  	v3 =	vadd.f32 v13, v53;
	v13 =	vld [tilespmem:$0x1FAF0];
	[tilespmem:s3+$0x180] =	vst v0;
	v0 =	vbroadcast v51, $0xD  }
0x215: {  	v18 =	vadd.f32 v57, v18;
	v57 =	vmovc v9;
	v9 =	vmax.f32 v8, $0.0e+00;
	v25 =	vadd.f32 v25, v26;
	v26 =	vmovc v10;
	v10 =	vld [tilespmem:$0x1FF10]  }
0x216: {  	[tilespmem:s3+$0x190] =	vst v9;
	v9 =	vmul.f32 v0, v11;
	v11 =	vld [tilespmem:$0x1FAD0]  }
0x217: {  	v8 =	vld [tilespmem:$0x1FCC0]  }
0x218: {  	v17 =	vadd.f32 v55, v17;
	v55 =	vmov v1;
	v1 =	vmax.f32 v12, $0.0e+00;
	v12 =	vld [tilespmem:$0x1FAE0]  }
0x219: {  	v41 =	vmov v2;
	v2 =	vmax.f32 v43, $0.0e+00;
	v43 =	vld [tilespmem:$0x1FF00]  }
0x21a: {  	v16 =	vld [tilespmem:$0x1FEF0];
	v20 =	vadd.f32 v20, v10  }
0x21b: {  	v21 =	vadd.f32 v6, v21;
	[tilespmem:s3+$0x1B0] =	vst v2;
	v6 =	vmax.f32 v13, $0.0e+00;
	v13 =	vld [tilespmem:$0x1FB20];
	v2 =	vmax.f32 v11, $0.0e+00  }
0x21c: {  	[tilespmem:s3+$0x1C0] =	vst v2;
	v2 =	vadd.f32 v20, v9;
	v20 =	vld [tilespmem:$0x1FCD0]  }
0x21d: {  	v4 =	vbroadcast v51, $0xE;
	v5 =	vmax.f32 v12, $0.0e+00;
	v12 =	vld [tilespmem:$0x1FF90]  }
0x21e: {  	v9 =	vld [tilespmem:$0x1FB00]  }
0x21f: {  	[tilespmem:s3+$0x1D0] =	vst v5;
	v5 =	vmul.f32 v4, v16;
	v16 =	vbroadcast v51, $0xF;
	v51 =	vld [tilespmem:$0x1FB40]  }
0x220: {  	v10 =	vld [tilespmem:$0x1FB10]  }
0x221: {  	v3 =	vadd.f32 v20, v3;
	v20 =	vld [tilespmem:$0x1FB30]  }
0x222: {  	v27 =	vld [tilespmem:$0x1FCE0];
	v53 =	vmul.f32 v19, v43  }
0x223: {  	[tilespmem:s3+$0x1E0] =	vst v6;
	v11 =	vld [tilespmem:$0x1FF80];
	v6 =	vmax.f32 v9, $0.0e+00  }
0x224: {  	[tilespmem:s3+$0x1F0] =	vst v6;
	v6 =	vadd.f32 v53, v12;
	v53 =	vld [tilespmem:$0x1FB50]  }
0x225: {  	[tilespmem:s3+$0x1A0] =	vst v1;
	v1 =	vadd.f32 v8, v25;
	v8 =	vmax.f32 v51, $0.0e+00;
	v51 =	vld [tilespmem:$0x1FF60];
	v7 =	vmax.f32 v10, $0.0e+00  }
0x226: {  	[tilespmem:s3+$0x200] =	vst v7;
	v7 =	vmax.f32 v13, $0.0e+00;
	v13 =	vld [tilespmem:$0x1FB70];
	v43 =	vmax.f32 v20, $0.0e+00  }
0x227: {  	[tilespmem:s3+$0x220] =	vst v43;
	v43 =	vld [tilespmem:$0x1FF70]  }
0x228: {  	v24 =	vadd.f32 v27, v24;
	v59 =	vmul.f32 v16, v59;
	v2 =	vadd.f32 v2, v5;
	v20 =	vld [tilespmem:$0x1FB80]  }
0x229: {  	v5 =	vmul.f32 v0, v11;
	[tilespmem:s3+$0x210] =	vst v7;
	v7 =	vmax.f32 v53, $0.0e+00;
	v53 =	vmax.f32 v17, $0.0e+00;
	v17 =	vld [tilespmem:$0x1FF50]  }
0x22a: {  	v2 =	vadd.f32 v2, v59;
	v59 =	vmax.f32 v18, $0.0e+00;
	v18 =	vmul.f32 v16, v62;
	v62 =	vld [tilespmem:$0x1FF30]  }
0x22b: {  	[tilespmem:s3+$0x230] =	vst v8;
	v5 =	vadd.f32 v6, v5;
	v6 =	vmul.f32 v19, v51;
	v51 =	vld [tilespmem:$0x1FF40]  }
0x22c: {  	[tilespmem:s3+$0x290] =	vst v59;
	v59 =	vmax.f32 v24, $0.0e+00;
	v12 =	vld [tilespmem:$0x1FB60];
	v10 =	vmax.f32 v13, $0.0e+00;
	v8 =	vmul.f32 v4, v43  }
0x22d: {  	v13 =	vmax.f32 v22, $0.0e+00;
	v22 =	vmul.f32 v19, v60;
	v6 =	vadd.f32 v6, v26  }
0x22e: {  	v11 =	vmax.f32 v20, $0.0e+00;
	v20 =	vld [tilespmem:$0x1FCA0];
	v5 =	vadd.f32 v5, v8;
	v8 =	vmul.f32 v0, v17  }
0x22f: {  	v25 =	vmovc v26;
	[tilespmem:s3+$0x2C0] =	vst v59;
	v59 =	vld [tilespmem:$0x1FE60];
	v26 =	vmov v60;
	v60 =	vmul.f32 v19, v15;
	v15 =	vmul.f32 v0, v54  }
0x230: {  	[tilespmem:s3+$0x2A0] =	vst v13;
	v55 =	vadd.f32 v22, v55;
	v22 =	vld [tilespmem:$0x1FE70];
	v6 =	vadd.f32 v6, v8;
	v8 =	vmul.f32 v4, v51  }
0x231: {  	v13 =	vld [tilespmem:$0x1FCB0];
	v9 =	vmax.f32 v12, $0.0e+00;
	v12 =	vmul.f32 v16, v62;
	[tilespmem:s3+$0x280] =	vst v53;
	v53 =	vmul.f32 v0, v63  }
0x232: {  	v27 =	vmovc v63;
	v62 =	vld [tilespmem:$0x1FEA0];
	v63 =	vmul.f32 v4, v58;
	v6 =	vadd.f32 v6, v8;
	v8 =	vadd.f32 v60, v57  }
0x233: {  	[tilespmem:s3+$0x240] =	vst v7;
	v7 =	vadd.f32 v55, v53;
	v55 =	vld [tilespmem:$0x1FE40];
	v43 =	vmax.f32 v21, $0.0e+00;
	v2 =	vadd.f32 v20, v2  }
0x234: {  	v28 =	vmovc v58;
	v58 =	vld [tilespmem:$0x1FC90];
	v5 =	vadd.f32 v5, v18;
	v18 =	vmul.f32 v4, v37;
	v8 =	vadd.f32 v8, v15  }
0x235: {  	v7 =	vadd.f32 v7, v63;
	v21 =	vld [tilespmem:$0x1FC80];
	v17 =	vmax.f32 v23, $0.0e+00;
	v23 =	vmul.f32 v16, v22  }
0x236: {  	[tilespmem:s3+$0x2B0] =	vst v43;
	v51 =	vmul.f32 v16, v50;
	v37 =	vmax.f32 v2, $0.0e+00;
	v15 =	vld [tilespmem:$0x1FEB0];
	v43 =	vadd.f32 v8, v18  }
0x237: {  	v36 =	vmul.f32 v19, v36;
	v1 =	vmax.f32 v1, $0.0e+00;
	[tilespmem:s3+$0x300] =	vst v37;
	v37 =	vmul.f32 v16, v39;
	v39 =	vld [tilespmem:$0x1FE90]  }
0x238: {  	v54 =	vadd.f32 v7, v23;
	v57 =	vmul.f32 v19, v55;
	v2 =	vadd.f32 v43, v51;
	v43 =	vld [tilespmem:$0x1FDB0]  }
0x239: {  	v63 =	vld [tilespmem:s3+$0x2B60];
	v50 =	vadd.f32 v36, v46;
	v5 =	vadd.f32 v13, v5;
	v60 =	vmul.f32 v0, v59  }
0x23a: {  	[tilespmem:s3+$0x2E0] =	vst v1;
	v13 =	vmul.f32 v4, v41;
	v6 =	vadd.f32 v6, v12;
	v1 =	vadd.f32 v57, v62;
	v12 =	vld [tilespmem:$0x1FC60]  }
0x23b: {  	[tilespmem:s3+$0x2D0] =	vst v17;
	v53 =	vmax.f32 v5, $0.0e+00;
	v5 =	vadd.f32 v58, v54;
	v54 =	vld [tilespmem:s3+$0x370];
	v17 =	vmul.f32 v19, v15  }
0x23c: {  	v18 =	vld [tilespmem:s3+$0x360];
	v1 =	vadd.f32 v1, v60;
	v41 =	vmul.f32 v0, v39;
	v0 =	vmul.f32 v0, v38  }
0x23d: {  	v20 =	vmax.f32 v3, $0.0e+00;
	v3 =	vadd.f32 v21, v6;
	v51 =	vld [tilespmem:s3+$0x2B70];
	v8 =	vadd.f32 v17, v43  }
0x23e: {  	[tilespmem:s3+$0x260] =	vst v10;
	v55 =	vmul.f32 v4, v61;
	v59 =	vld [tilespmem:$0x1FC70];
	v1 =	vadd.f32 v1, v13;
	v0 =	vadd.f32 v50, v0  }
0x23f: {  	[tilespmem:s3+$0x310] =	vst v53;
	v53 =	vmul.f32 v4, v31;
	v2 =	vadd.f32 v12, v2;
	v8 =	vadd.f32 v8, v41  }
0x240: {  	[tilespmem:s3+$0x250] =	vst v9;
	v60 =	vmul.f32 v16, v14;
	v1 =	vadd.f32 v1, v37;
	v0 =	vadd.f32 v0, v55  }
0x241: {  	[tilespmem:s3+$0x270] =	vst v11;
	v58 =	vmul.f32 v16, v56;
	v6 =	vadd.f32 v63, v18;
	v57 =	vadd.f32 v8, v53  }
0x242: {  	[tilespmem:s3+$0x2F0] =	vst v20;
	v5 =	vmax.f32 v5, $0.0e+00;
	v61 =	vadd.f32 v51, v54;
	v0 =	vadd.f32 v0, v60  }
0x243: {  	[tilespmem:s3+$0x330] =	vst v5;
	v3 =	vmax.f32 v3, $0.0e+00;
	v1 =	vadd.f32 v59, v1;
	v4 =	vadd.f32 v57, v58  }
0x244: {  	[tilespmem:s3+$0x320] =	vst v3;
	v2 =	vmax.f32 v2, $0.0e+00;
	v0 =	vadd.f32 v61, v0  }
0x245: {  	[tilespmem:s3+$0x340] =	vst v2;
	v1 =	vmax.f32 v1, $0.0e+00;
	v62 =	vadd.f32 v6, v4  }
0x246: {  	[tilespmem:s3+$0x350] =	vst v1;
	v0 =	vmax.f32 v0, $0.0e+00  }
0x247: {  	[tilespmem:s3+$0x370] =	vst v0;
	v63 =	vmax.f32 v62, $0.0e+00  }
0x248: {  	[tilespmem:s3+$0x360] =	vst v63  }
0x249: {  	[spmem:s6] =	stream.indirect.scatter.add.f32 [tilespmem:s17], [sflag:$0x6], $0x80, s30, s24, $0xb8;
	[tilespmem:$0x13B48] =	vst v63  }
0x24a: {  	s20 =	sadd.s32 $0x1, s20;
	_ =	swait.ge [sflag:s18], $0x2800  }
0x24b: {  	p0 =	sne.s32 s20, $0xFA;
	[sflag:s18] =	ssyncset.done $0x0  }
.Ltmp4:
0x24c: {  	s1 =	simm.s32 $0x5700;
	[sflag:s18] =	ssyncadd.s32 $0xFFFFD800;
	(pc) =	sbr.rel @p0 .LBB2_8-.Ltmp4, $4  }
0x24d: {  	[spmem:s25] =	stream.indirect.scatter.add.f32 [tilespmem:s1], [sflag:$0x6], $0x10, s30, s24, $0xb8;
	[tilespmem:$0x13B48] =	vst v63  }
0x24e: {  	_ =	swait.ge [sflag:s18], $0x500  }
0x24f: {  	[sflag:s18] =	ssyncset.done $0x0  }
0x250: {  	[sflag:s18] =	ssyncadd.s32 $0xFFFFFB00  }
0x251: {  	s0 =	stileid.u32  }
0x252: {  	[bflag:$0x0] =	sbarrier.arrive $0xFFFF;
	s3 =	sshll.u32 s0, $0x6  }
0x253: {  	s1 =	sshrl.u32 s14, $0x3;
	s2 =	sadd.s32 $0x0, s16;
	s0 =	sor.u32 $0x1C06, s3  }
0x254: {  	[hbm:s2], [sflag:s0] =	dma.local [spmem:s1], $0x100  }
0x255: {  	s20 =	sadd.s32 $0x800, s14;
	_ =	swait.ge [sflag:s18], $0x100  }
0x256: {  	s5 =	simm.s32 $0x100;
	s31 =	sadd.s32 $0x0, s15;
	[sflag:s18] =	ssyncset.done $0x0  }
0x257: {  	s8 =	sshrl.u32 s13, $0x3;
	s12 =	sadd.s32 $0x100, s16;
	[sflag:s18] =	ssyncadd.s32 $0xFFFFFF00  }
0x258: {  	[hbm:s31], [sflag:s0] =	dma.local [spmem:s8], $0x100  }
0x259: {  	s1 =	sshrl.u32 s20, $0x3;
	s2 =	simm.s32 $0x200;
	_ =	swait.ge [sflag:s18], $0x100  }
0x25a: {  	s20 =	sadd.s32 $0x800, s20;
	s8 =	sadd.s32 $0x800, s13;
	[sflag:s18] =	ssyncset.done $0x0  }
.LBB2_12:
0x25b: {  	s4 =	sshrl.u32 s20, $0x3;
	s25 =	sor.u32 $0x1C06, s3;
	[sflag:s18] =	ssyncadd.s32 $0xFFFFFF00  }
0x25c: {  	s31 =	smov.u32 s5;
	s5 =	smov.u32 s2;
	s6 =	sadd.s32 $0x100, s2  }
0x25d: {  	[hbm:s12], [sflag:s25] =	dma.local [spmem:s1], $0x100  }
0x25e: {  	p0 =	sne.s32 s2, $0x1300;
	s12 =	sadd.s32 s5, s16;
	_ =	swait.ge [sflag:s18], $0x100  }
.Ltmp5:
0x25f: {  	[sflag:s18] =	ssyncset.done $0x0;
	(pc) =	sbr.rel @p0 .LBB2_12-.Ltmp5, $4  }
0x260: {  	s2 =	sshrl.u32 s8, $0x3;
	s1 =	sadd.s32 s31, s15;
	[sflag:s18] =	ssyncadd.s32 $0xFFFFFF00  }
0x261: {  	[hbm:s1], [sflag:s25] =	dma.local [spmem:s2], $0x100  }
0x262: {  	s8 =	sadd.s32 $0x800, s8;
	s1 =	smov.u32 s4;
	_ =	swait.ge [sflag:s18], $0x100  }
0x263: {  	s20 =	sadd.s32 $0x800, s20;
	s2 =	smov.u32 s6;
	[sflag:s18] =	ssyncset.done $0x0  }
0x264: {  	[sflag:s18] =	ssyncadd.s32 $0xFFFFFF00  }
0x265: {  	[hbm:s12], [sflag:s0] =	dma.local [spmem:s1], $0x100  }
0x266: {  	_ =	swait.ge [sflag:s18], $0x100  }
0x267: {  	[sflag:s18] =	ssyncset.done $0x0  }
0x268: {  	s2 =	sshrl.u32 s8, $0x3;
	s12 =	sadd.s32 s5, s15;
	[sflag:s18] =	ssyncadd.s32 $0xFFFFFF00  }
0x269: {  	[hbm:s12], [sflag:s0] =	dma.local [spmem:s2], $0x100  }
0x26a: {  	_ =	swait.ge [sflag:s18], $0x100  }
0x26b: {  	s20 =	rddreg [dreg:$0x5]  }
0x26c: {  	s25 =	rddreg [dreg:$0x8];
	s12 =	sadd.s32 $0x1, s20  }
0x26d: {  	p0 =	sne.s32 s12, s25  }
.Ltmp6:
0x26e: {  	[sflag:s18] =	ssyncset.done $0x0;
	v1 =	vld [tilespmem:$0x1FFF0];
	(pc) =	sbr.rel @p0 .LBB2_1-.Ltmp6, $4  }
0x26f: {  	s31 =	rddreg [dreg:$0x6];
	[sflag:s18] =	ssyncadd.s32 $0xFFFFFF00  }
0x270: {  	s4 =	rddreg [dreg:$0x0]  }
0x271: {  	s6 =	rddreg [dreg:$0x2]  }
0x272: {  	v0 =	vimm.f32 $0.0e+00;
	s25 =	rddreg [dreg:$0x3]  }
0x273: {  	_ =	sfence.sel $0x180000  }
0x274: {  	[bflag:$0x0] =	sbarrier.arrive $0xFFFF  }
0x275: {  	_ =	strace $0x90000047  }
0x276: {  	s0 =	stileid.u32;
	[bflag:$0x2] =	sbarrier.arrive $0xFFFF  }
0x277: {  	p0 =	sne.s32 s0, $0x0;
	s0 =	rddreg [dreg:$0x4]  }
0x278: {  	s0 =	sadd.s32 @!p0 $0x100000, s0  }
0x279: {  	[sflag:s0] =	ssyncadd.tile.s32 @!p0 $0x1;
	_ =	shalt  }
.Lfunc_end2:
_tile_overlayer_lowered:
.L_overlay_start_2:
0x27a: {  	(tag) =	ssettag $0x2  }
0x27b: {  	s0 =	rddreg [dreg:$0x0];
	s2 =	stileid.u32  }
0x27c: {  	s1 =	rddreg [dreg:$0x1];
	p0 =	sne.s32 s2, $0x0  }
0x27d: {  	s3 =	rddreg [dreg:$0x2];
	[bflag:$0x3] =	sbarrier.arrive $0xFFFF;
	s2 =	simm.s32 @!p0 $0x1C06  }
0x27e: {  	[timem:s3], [sflag:s2] =	dma.local @!p0 [hbm:s0], s1  }
0x27f: {  	s0 =	simm.s32 @!p0 $0x6  }
0x280: {  	_ =	swait.ge @!p0 [sflag:s0], s1  }
0x281: {  	s1 =	ssub.s32 @!p0 $0x0, s1;
	[sflag:s0] =	ssyncset.done @!p0 $0x0  }
0x282: {  	[sflag:s0] =	ssyncadd.s32 @!p0 s1  }
0x283: {  	[bflag:$0x3] =	sbarrier.arrive $0xFFFF  }
0x284: {  	_ =	shalt  }

</sc_bundles>
